<compile_context>
chip_gen: v7x
topology: tpu7x:2x2x1
jax: 0.10.2.dev20260603
libtpu: 0.0.44.dev20260713+nightly
codegen_flags: <defaults>
</compile_context>

<pallas_src>
import functools

import jax
import jax.numpy as jnp
from jax import lax
from jax.experimental import pallas as pl
from jax.experimental.pallas import tpu as pltpu
from jax.experimental.pallas import tpu_sc as plsc

_DEPTH = 1000
_B, _T = 1024, 200
_NW = 32
_CH = 40
_CPS = _DEPTH // _CH
_LANE = 16
_NGRP = _B // _LANE
_MAXCHUNK = -(-_T * _CPS // _NW)
_MAXSLAB = 8


_UNROLL = 8


def _scan_pass(buf, xv, tl, d0, val16):
    lanes = lax.broadcasted_iota(jnp.int32, (_LANE,), 0)
    base = tl * _B

    def _grp(i, _):
        for u in range(_UNROLL):
            g = i * _UNROLL + u
            xg = xv[pl.ds(base + g * _LANE, _LANE)]
            loc = xg - d0
            msk = (loc >= 0) & (loc < _CH)
            locc = jnp.where(msk, loc, 0)
            cols = lanes + g * _LANE
            plsc.store_scatter(buf, [locc, cols], val16, mask=msk)
        return 0

    lax.fori_loop(0, _NGRP // _UNROLL, _grp, 0)


def _sc_body(xt_hbm, out_hbm, xv, b0, b1, s0, s1):
    wid = lax.axis_index("s") * 2 + lax.axis_index("c")
    s = (_T * _CPS * wid) // _NW
    s_next = (_T * _CPS * (wid + 1)) // _NW
    nchunk = s_next - s
    t_base = s // _CPS
    nslab = (s + nchunk - 1) // _CPS - t_base + 1

    pltpu.sync_copy(
        xt_hbm.at[pl.ds(t_base * _B, 7 * _B)], xv.at[pl.ds(0, 7 * _B)]
    )

    @pl.when(nslab > 7)
    def _():
        pltpu.sync_copy(
            xt_hbm.at[pl.ds((t_base + 7) * _B, _B)], xv.at[pl.ds(7 * _B, _B)]
        )

    zero16 = jnp.zeros((_LANE,), jnp.float32)
    ones16 = jnp.ones((_LANE,), jnp.float32)
    for buf in (b0, b1):
        def _zrow(r, _, buf=buf):
            for g in range(_NGRP):
                buf[r, pl.ds(g * _LANE, _LANE)] = zero16
            return 0
        lax.fori_loop(0, _CH, _zrow, 0)

    bufs, sems = (b0, b1), (s0, s1)

    def _dst(c):
        g = s + c
        return out_hbm.at[pl.ds((g // _CPS) * _DEPTH + (g % _CPS) * _CH, _CH)]

    def _pair(p, _):
        for b in range(2):
            c = 2 * p + b

            @pl.when(c < nchunk)
            def _():
                g = s + c

                @pl.when(c >= 2)
                def _():
                    pltpu.make_async_copy(bufs[b], _dst(c), sems[b]).wait()
                    gp = g - 2
                    _scan_pass(
                        bufs[b], xv, gp // _CPS - t_base,
                        (gp % _CPS) * _CH, zero16,
                    )

                _scan_pass(
                    bufs[b], xv, g // _CPS - t_base, (g % _CPS) * _CH, ones16
                )
                pltpu.async_copy(bufs[b], _dst(c), sems[b])
        return 0

    lax.fori_loop(0, (_MAXCHUNK + 1) // 2, _pair, 0)

    for b in range(2):
        pltpu.make_async_copy(bufs[b], _dst(b), sems[b]).wait()


_sc_call = functools.partial(
    pl.kernel,
    out_type=jax.ShapeDtypeStruct((_T * _DEPTH, _B), jnp.float32),
    mesh=plsc.VectorSubcoreMesh(core_axis_name="c", subcore_axis_name="s"),
    scratch_types=[
        pltpu.VMEM((_MAXSLAB * _B,), jnp.int32),
        pltpu.VMEM((_CH, _B), jnp.float32),
        pltpu.VMEM((_CH, _B), jnp.float32),
        pltpu.SemaphoreType.DMA,
        pltpu.SemaphoreType.DMA,
    ],
    compiler_params=pltpu.CompilerParams(needs_layout_passes=False),
)(_sc_body)


def kernel(x):
    xt = jnp.reshape(jnp.transpose(x, (1, 0)), (_T * _B,))
    out = _sc_call(xt)
    return jnp.transpose(jnp.reshape(out, (_T, _DEPTH, _B)), (2, 0, 1))

# --- scband reference (transcript-rebuilt; emitter-appended) ---
"""Pipeline reference for scband-one-hot-4054449127522 (READ-ONLY COPY).

The authoritative reference and input builder live on the scoring server;
editing this copy changes nothing except your own understanding.
"""

import jax, jax.numpy as jnp
import numpy as np

DEPTH = 1000
B, T = 1024, 200


def setup_inputs(seed: int = 0) -> dict:
    key = jax.random.key(seed)
    x = jax.random.randint(key, (B, T), 0, DEPTH, dtype=jnp.int32)
    return {"x": x}


def reference(x) -> jnp.ndarray:
    # x = x % depth
    xm = x % DEPTH
    # x_onehot = zeros(B, T, depth); scatter_(2, x.unsqueeze(2), 1)
    b_idx = jnp.arange(xm.shape[0])[:, None]
    t_idx = jnp.arange(xm.shape[1])[None, :]
    oh = jnp.zeros((xm.shape[0], xm.shape[1], DEPTH), dtype=jnp.float32)
    oh = oh.at[b_idx, t_idx, xm].set(1.0)
    return oh

if __name__ == "__main__":
    import jax
    _d = setup_inputs()
    print(jax.jit(kernel)(*tuple(_d.values())))

</pallas_src>

<mosaic_0001>
#map = affine_map<(d0, d1) -> (0)>
#map1 = affine_map<(d0, d1) -> (0, 0)>
module attributes {stable_mosaic.version = 14 : i64} {
  func.func @_sc_body(%arg0: i32, %arg1: i32, %arg2: memref<204800xi32, #tpu.memory_space<hbm>>, %arg3: memref<200000x1024xf32, #tpu.memory_space<hbm>>, %arg4: memref<8192xi32, #tpu.memory_space<vmem>>, %arg5: memref<40x1024xf32, #tpu.memory_space<vmem>>, %arg6: memref<40x1024xf32, #tpu.memory_space<vmem>>, %arg7: memref<!tpu.dma_semaphore, #tpu.memory_space<semaphore_mem>>, %arg8: memref<!tpu.dma_semaphore, #tpu.memory_space<semaphore_mem>>) attributes {dimension_semantics = [#tpu.dimension_semantics<core_parallel>, #tpu.dimension_semantics<subcore_parallel>], iteration_bounds = array<i64: 2, 16>, scalar_prefetch = 0 : i64, scratch_operands = 5 : i64, tpu.core_type = #tpu.core_type<sc_vector_subcore>, window_params = [{transform_indices = #map}, {transform_indices = #map1}]} {
    %mul3A = arith.constant 2 : i32
    %mul3A_0 = arith.muli %arg1, %mul3A : i32
    %add3A = arith.addi %mul3A_0, %arg0 : i32
    %mul3A_1 = arith.constant 5000 : i32
    %mul3A_2 = arith.muli %mul3A_1, %add3A : i32
    %jit3A = arith.constant 32 : i32
    %div3A = arith.divsi %mul3A_2, %jit3A : i32
    %sign3A = arith.constant 0 : i32
    %sign3A_3 = arith.cmpi sgt, %mul3A_2, %sign3A : i32
    %sign3A_4 = arith.extui %sign3A_3 : i1 to i32
    %sign3A_5 = arith.constant 0 : i32
    %sign3A_6 = arith.cmpi slt, %mul3A_2, %sign3A_5 : i32
    %sign3A_7 = arith.extui %sign3A_6 : i1 to i32
    %sign3A_8 = arith.subi %sign3A_4, %sign3A_7 : i32
    %sign3A_9 = arith.constant 0 : i32
    %sign3A_10 = arith.cmpi sgt, %jit3A, %sign3A_9 : i32
    %sign3A_11 = arith.extui %sign3A_10 : i1 to i32
    %sign3A_12 = arith.constant 0 : i32
    %sign3A_13 = arith.cmpi slt, %jit3A, %sign3A_12 : i32
    %sign3A_14 = arith.extui %sign3A_13 : i1 to i32
    %sign3A_15 = arith.subi %sign3A_11, %sign3A_14 : i32
    %ne3A = arith.cmpi ne, %sign3A_8, %sign3A_15 : i32
    %rem3A = arith.remsi %mul3A_2, %jit3A : i32
    %ne3A_16 = arith.constant 0 : i32
    %ne3A_17 = arith.cmpi ne, %rem3A, %ne3A_16 : i32
    %and3A = arith.andi %ne3A, %ne3A_17 : i1
    %sub3A = arith.constant 1 : i32
    %sub3A_18 = arith.subi %div3A, %sub3A : i32
    %select_n3A = arith.select %and3A, %sub3A_18, %div3A : i32
    %add3A_19 = arith.constant 1 : i32
    %add3A_20 = arith.addi %add3A, %add3A_19 : i32
    %mul3A_21 = arith.constant 5000 : i32
    %mul3A_22 = arith.muli %mul3A_21, %add3A_20 : i32
    %jit3A_23 = arith.constant 32 : i32
    %div3A_24 = arith.divsi %mul3A_22, %jit3A_23 : i32
    %sign3A_25 = arith.constant 0 : i32
    %sign3A_26 = arith.cmpi sgt, %mul3A_22, %sign3A_25 : i32
    %sign3A_27 = arith.extui %sign3A_26 : i1 to i32
    %sign3A_28 = arith.constant 0 : i32
    %sign3A_29 = arith.cmpi slt, %mul3A_22, %sign3A_28 : i32
    %sign3A_30 = arith.extui %sign3A_29 : i1 to i32
    %sign3A_31 = arith.subi %sign3A_27, %sign3A_30 : i32
    %sign3A_32 = arith.constant 0 : i32
    %sign3A_33 = arith.cmpi sgt, %jit3A_23, %sign3A_32 : i32
    %sign3A_34 = arith.extui %sign3A_33 : i1 to i32
    %sign3A_35 = arith.constant 0 : i32
    %sign3A_36 = arith.cmpi slt, %jit3A_23, %sign3A_35 : i32
    %sign3A_37 = arith.extui %sign3A_36 : i1 to i32
    %sign3A_38 = arith.subi %sign3A_34, %sign3A_37 : i32
    %ne3A_39 = arith.cmpi ne, %sign3A_31, %sign3A_38 : i32
    %rem3A_40 = arith.remsi %mul3A_22, %jit3A_23 : i32
    %ne3A_41 = arith.constant 0 : i32
    %ne3A_42 = arith.cmpi ne, %rem3A_40, %ne3A_41 : i32
    %and3A_43 = arith.andi %ne3A_39, %ne3A_42 : i1
    %sub3A_44 = arith.constant 1 : i32
    %sub3A_45 = arith.subi %div3A_24, %sub3A_44 : i32
    %select_n3A_46 = arith.select %and3A_43, %sub3A_45, %div3A_24 : i32
    %sub3A_47 = arith.subi %select_n3A_46, %select_n3A : i32
    %jit3A_48 = arith.constant 25 : i32
    %div3A_49 = arith.divsi %select_n3A, %jit3A_48 : i32
    %sign3A_50 = arith.constant 0 : i32
    %sign3A_51 = arith.cmpi sgt, %select_n3A, %sign3A_50 : i32
    %sign3A_52 = arith.extui %sign3A_51 : i1 to i32
    %sign3A_53 = arith.constant 0 : i32
    %sign3A_54 = arith.cmpi slt, %select_n3A, %sign3A_53 : i32
    %sign3A_55 = arith.extui %sign3A_54 : i1 to i32
    %sign3A_56 = arith.subi %sign3A_52, %sign3A_55 : i32
    %sign3A_57 = arith.constant 0 : i32
    %sign3A_58 = arith.cmpi sgt, %jit3A_48, %sign3A_57 : i32
    %sign3A_59 = arith.extui %sign3A_58 : i1 to i32
    %sign3A_60 = arith.constant 0 : i32
    %sign3A_61 = arith.cmpi slt, %jit3A_48, %sign3A_60 : i32
    %sign3A_62 = arith.extui %sign3A_61 : i1 to i32
    %sign3A_63 = arith.subi %sign3A_59, %sign3A_62 : i32
    %ne3A_64 = arith.cmpi ne, %sign3A_56, %sign3A_63 : i32
    %rem3A_65 = arith.remsi %select_n3A, %jit3A_48 : i32
    %ne3A_66 = arith.constant 0 : i32
    %ne3A_67 = arith.cmpi ne, %rem3A_65, %ne3A_66 : i32
    %and3A_68 = arith.andi %ne3A_64, %ne3A_67 : i1
    %sub3A_69 = arith.constant 1 : i32
    %sub3A_70 = arith.subi %div3A_49, %sub3A_69 : i32
    %select_n3A_71 = arith.select %and3A_68, %sub3A_70, %div3A_49 : i32
    %add3A_72 = arith.addi %select_n3A, %sub3A_47 : i32
    %sub3A_73 = arith.constant 1 : i32
    %sub3A_74 = arith.subi %add3A_72, %sub3A_73 : i32
    %jit3A_75 = arith.constant 25 : i32
    %div3A_76 = arith.divsi %sub3A_74, %jit3A_75 : i32
    %sign3A_77 = arith.constant 0 : i32
    %sign3A_78 = arith.cmpi sgt, %sub3A_74, %sign3A_77 : i32
    %sign3A_79 = arith.extui %sign3A_78 : i1 to i32
    %sign3A_80 = arith.constant 0 : i32
    %sign3A_81 = arith.cmpi slt, %sub3A_74, %sign3A_80 : i32
    %sign3A_82 = arith.extui %sign3A_81 : i1 to i32
    %sign3A_83 = arith.subi %sign3A_79, %sign3A_82 : i32
    %sign3A_84 = arith.constant 0 : i32
    %sign3A_85 = arith.cmpi sgt, %jit3A_75, %sign3A_84 : i32
    %sign3A_86 = arith.extui %sign3A_85 : i1 to i32
    %sign3A_87 = arith.constant 0 : i32
    %sign3A_88 = arith.cmpi slt, %jit3A_75, %sign3A_87 : i32
    %sign3A_89 = arith.extui %sign3A_88 : i1 to i32
    %sign3A_90 = arith.subi %sign3A_86, %sign3A_89 : i32
    %ne3A_91 = arith.cmpi ne, %sign3A_83, %sign3A_90 : i32
    %rem3A_92 = arith.remsi %sub3A_74, %jit3A_75 : i32
    %ne3A_93 = arith.constant 0 : i32
    %ne3A_94 = arith.cmpi ne, %rem3A_92, %ne3A_93 : i32
    %and3A_95 = arith.andi %ne3A_91, %ne3A_94 : i1
    %sub3A_96 = arith.constant 1 : i32
    %sub3A_97 = arith.subi %div3A_76, %sub3A_96 : i32
    %select_n3A_98 = arith.select %and3A_95, %sub3A_97, %div3A_76 : i32
    %sub3A_99 = arith.subi %select_n3A_98, %select_n3A_71 : i32
    %add3A_100 = arith.constant 1 : i32
    %add3A_101 = arith.addi %sub3A_99, %add3A_100 : i32
    %mul3A_102 = arith.constant 1024 : i32
    %mul3A_103 = arith.muli %select_n3A_71, %mul3A_102 : i32
    "tpu.region"() ({
      %run_scoped3A = tpu.sem_alloc : memref<!tpu.dma_semaphore, #tpu.memory_space<semaphore_mem>>
      %dma_start3A = arith.constant 0 : i32
      %dma_start3A_228 = tpu.memref_slice %arg4[%dma_start3A] : memref<8192xi32, #tpu.memory_space<vmem>> -> memref<7168xi32, #tpu.memory_space<vmem>>
      %dma_start3A_229 = tpu.memref_slice %arg2[%mul3A_103] : memref<204800xi32, #tpu.memory_space<hbm>> -> memref<7168xi32, #tpu.memory_space<hbm>>
      %dma_start3A_230 = arith.constant 0 : i32
      %dma_start3A_231 = tpu.memref_slice %arg4[%dma_start3A_230] : memref<8192xi32, #tpu.memory_space<vmem>> -> memref<7168xi32, #tpu.memory_space<vmem>>
      %dma_start3A_232 = tpu.memref_slice %arg2[%mul3A_103] : memref<204800xi32, #tpu.memory_space<hbm>> -> memref<7168xi32, #tpu.memory_space<hbm>>
      tpu.enqueue_dma source(%dma_start3A_232 : memref<7168xi32, #tpu.memory_space<hbm>>) target(%dma_start3A_231 : memref<7168xi32, #tpu.memory_space<vmem>>) target_semaphore(%run_scoped3A : memref<!tpu.dma_semaphore, #tpu.memory_space<semaphore_mem>>)
      %dma_wait3A_233 = arith.constant 0 : i32
      %dma_wait3A_234 = tpu.memref_slice %arg4[%dma_wait3A_233] : memref<8192xi32, #tpu.memory_space<vmem>> -> memref<7168xi32, #tpu.memory_space<vmem>>
      %dma_wait3A_235 = tpu.memref_slice %arg2[%mul3A_103] : memref<204800xi32, #tpu.memory_space<hbm>> -> memref<7168xi32, #tpu.memory_space<hbm>>
      %dma_wait3A_236 = arith.constant 0 : i32
      %dma_wait3A_237 = tpu.memref_slice %arg4[%dma_wait3A_236] : memref<8192xi32, #tpu.memory_space<vmem>> -> memref<7168xi32, #tpu.memory_space<vmem>>
      %dma_wait3A_238 = tpu.memref_slice %arg2[%mul3A_103] : memref<204800xi32, #tpu.memory_space<hbm>> -> memref<7168xi32, #tpu.memory_space<hbm>>
      tpu.wait_dma2 semaphore(%run_scoped3A : memref<!tpu.dma_semaphore, #tpu.memory_space<semaphore_mem>>) src(%dma_wait3A_238 : memref<7168xi32, #tpu.memory_space<hbm>>) dst(%dma_wait3A_237 : memref<7168xi32, #tpu.memory_space<vmem>>)
      tpu.yield
    }) : () -> ()
    %gt3A = arith.constant 7 : i32
    %gt3A_104 = arith.cmpi sgt, %add3A_101, %gt3A : i32
    %convert_element_type3A = arith.extui %gt3A_104 : i1 to i32
    %cond3A = arith.constant 0 : i32
    %cond3A_105 = arith.cmpi ne, %convert_element_type3A, %cond3A : i32
    scf.if %cond3A_105 {
      %add3A_228 = arith.constant 7 : i32
      %add3A_229 = arith.addi %select_n3A_71, %add3A_228 : i32
      %mul3A_230 = arith.constant 1024 : i32
      %mul3A_231 = arith.muli %add3A_229, %mul3A_230 : i32
      "tpu.region"() ({
        %run_scoped3A = tpu.sem_alloc : memref<!tpu.dma_semaphore, #tpu.memory_space<semaphore_mem>>
        %dma_start3A = arith.constant 7168 : i32
        %dma_start3A_232 = tpu.memref_slice %arg4[%dma_start3A] : memref<8192xi32, #tpu.memory_space<vmem>> -> memref<1024xi32, #tpu.memory_space<vmem>>
        %dma_start3A_233 = tpu.memref_slice %arg2[%mul3A_231] : memref<204800xi32, #tpu.memory_space<hbm>> -> memref<1024xi32, #tpu.memory_space<hbm>>
        %dma_start3A_234 = arith.constant 7168 : i32
        %dma_start3A_235 = tpu.memref_slice %arg4[%dma_start3A_234] : memref<8192xi32, #tpu.memory_space<vmem>> -> memref<1024xi32, #tpu.memory_space<vmem>>
        %dma_start3A_236 = tpu.memref_slice %arg2[%mul3A_231] : memref<204800xi32, #tpu.memory_space<hbm>> -> memref<1024xi32, #tpu.memory_space<hbm>>
        tpu.enqueue_dma source(%dma_start3A_236 : memref<1024xi32, #tpu.memory_space<hbm>>) target(%dma_start3A_235 : memref<1024xi32, #tpu.memory_space<vmem>>) target_semaphore(%run_scoped3A : memref<!tpu.dma_semaphore, #tpu.memory_space<semaphore_mem>>)
        %dma_wait3A_237 = arith.constant 7168 : i32
        %dma_wait3A_238 = tpu.memref_slice %arg4[%dma_wait3A_237] : memref<8192xi32, #tpu.memory_space<vmem>> -> memref<1024xi32, #tpu.memory_space<vmem>>
        %dma_wait3A_239 = tpu.memref_slice %arg2[%mul3A_231] : memref<204800xi32, #tpu.memory_space<hbm>> -> memref<1024xi32, #tpu.memory_space<hbm>>
        %dma_wait3A_240 = arith.constant 7168 : i32
        %dma_wait3A_241 = tpu.memref_slice %arg4[%dma_wait3A_240] : memref<8192xi32, #tpu.memory_space<vmem>> -> memref<1024xi32, #tpu.memory_space<vmem>>
        %dma_wait3A_242 = tpu.memref_slice %arg2[%mul3A_231] : memref<204800xi32, #tpu.memory_space<hbm>> -> memref<1024xi32, #tpu.memory_space<hbm>>
        tpu.wait_dma2 semaphore(%run_scoped3A : memref<!tpu.dma_semaphore, #tpu.memory_space<semaphore_mem>>) src(%dma_wait3A_242 : memref<1024xi32, #tpu.memory_space<hbm>>) dst(%dma_wait3A_241 : memref<1024xi32, #tpu.memory_space<vmem>>)
        tpu.yield
      }) : () -> ()
    } else {
    }
    %broadcast_in_dim3A = arith.constant 0.000000e+00 : f32
    %broadcast_in_dim3A_106 = vector.broadcast %broadcast_in_dim3A : f32 to vector<16xf32>
    %broadcast_in_dim3A_107 = arith.constant 1.000000e+00 : f32
    %broadcast_in_dim3A_108 = vector.broadcast %broadcast_in_dim3A_107 : f32 to vector<16xf32>
    %scan3A = arith.constant 0 : i32
    %scan3A_109 = arith.constant 0 : i32
    %scan3A_110 = arith.constant 40 : i32
    %scan3A_111 = arith.addi %scan3A_109, %scan3A_110 : i32
    %scan3A_112 = arith.constant 1 : i32
    %scan3A_113 = scf.for %scan3A_228 = %scan3A_109 to %scan3A_111 step %scan3A_112 iter_args(%scan3A_229 = %scan3A) -> (i32)  : i32 {
      %swap3A = arith.index_cast %scan3A_228 : i32 to index
      %swap3A_230 = arith.constant 0 : index
      %swap3A_231 = tpu.vector_load %arg5[%swap3A, %swap3A_230] {strides = array<i32>} : memref<40x1024xf32, #tpu.memory_space<vmem>>, vector<16xf32>,
      tpu.vector_store %arg5[%swap3A, %swap3A_230], %broadcast_in_dim3A_106 {strides = array<i32>} : memref<40x1024xf32, #tpu.memory_space<vmem>>, vector<16xf32>,
      %swap3A_232 = arith.index_cast %scan3A_228 : i32 to index
      %swap3A_233 = arith.constant 16 : index
      %swap3A_234 = tpu.vector_load %arg5[%swap3A_232, %swap3A_233] {strides = array<i32>} : memref<40x1024xf32, #tpu.memory_space<vmem>>, vector<16xf32>,
      tpu.vector_store %arg5[%swap3A_232, %swap3A_233], %broadcast_in_dim3A_106 {strides = array<i32>} : memref<40x1024xf32, #tpu.memory_space<vmem>>, vector<16xf32>,
      %swap3A_235 = arith.index_cast %scan3A_228 : i32 to index
      %swap3A_236 = arith.constant 32 : index
      %swap3A_237 = tpu.vector_load %arg5[%swap3A_235, %swap3A_236] {strides = array<i32>} : memref<40x1024xf32, #tpu.memory_space<vmem>>, vector<16xf32>,
      tpu.vector_store %arg5[%swap3A_235, %swap3A_236], %broadcast_in_dim3A_106 {strides = array<i32>} : memref<40x1024xf32, #tpu.memory_space<vmem>>, vector<16xf32>,
      %swap3A_238 = arith.index_cast %scan3A_228 : i32 to index
      %swap3A_239 = arith.constant 48 : index
      %swap3A_240 = tpu.vector_load %arg5[%swap3A_238, %swap3A_239] {strides = array<i32>} : memref<40x1024xf32, #tpu.memory_space<vmem>>, vector<16xf32>,
      tpu.vector_store %arg5[%swap3A_238, %swap3A_239], %broadcast_in_dim3A_106 {strides = array<i32>} : memref<40x1024xf32, #tpu.memory_space<vmem>>, vector<16xf32>,
      %swap3A_241 = arith.index_cast %scan3A_228 : i32 to index
      %swap3A_242 = arith.constant 64 : index
      %swap3A_243 = tpu.vector_load %arg5[%swap3A_241, %swap3A_242] {strides = array<i32>} : memref<40x1024xf32, #tpu.memory_space<vmem>>, vector<16xf32>,
      tpu.vector_store %arg5[%swap3A_241, %swap3A_242], %broadcast_in_dim3A_106 {strides = array<i32>} : memref<40x1024xf32, #tpu.memory_space<vmem>>, vector<16xf32>,
      %swap3A_244 = arith.index_cast %scan3A_228 : i32 to index
      %swap3A_245 = arith.constant 80 : index
      %swap3A_246 = tpu.vector_load %arg5[%swap3A_244, %swap3A_245] {strides = array<i32>} : memref<40x1024xf32, #tpu.memory_space<vmem>>, vector<16xf32>,
      tpu.vector_store %arg5[%swap3A_244, %swap3A_245], %broadcast_in_dim3A_106 {strides = array<i32>} : memref<40x1024xf32, #tpu.memory_space<vmem>>, vector<16xf32>,
      %swap3A_247 = arith.index_cast %scan3A_228 : i32 to index
      %swap3A_248 = arith.constant 96 : index
      %swap3A_249 = tpu.vector_load %arg5[%swap3A_247, %swap3A_248] {strides = array<i32>} : memref<40x1024xf32, #tpu.memory_space<vmem>>, vector<16xf32>,
      tpu.vector_store %arg5[%swap3A_247, %swap3A_248], %broadcast_in_dim3A_106 {strides = array<i32>} : memref<40x1024xf32, #tpu.memory_space<vmem>>, vector<16xf32>,
      %swap3A_250 = arith.index_cast %scan3A_228 : i32 to index
      %swap3A_251 = arith.constant 112 : index
      %swap3A_252 = tpu.vector_load %arg5[%swap3A_250, %swap3A_251] {strides = array<i32>} : memref<40x1024xf32, #tpu.memory_space<vmem>>, vector<16xf32>,
      tpu.vector_store %arg5[%swap3A_250, %swap3A_251], %broadcast_in_dim3A_106 {strides = array<i32>} : memref<40x1024xf32, #tpu.memory_space<vmem>>, vector<16xf32>,
      %swap3A_253 = arith.index_cast %scan3A_228 : i32 to index
      %swap3A_254 = arith.constant 128 : index
      %swap3A_255 = tpu.vector_load %arg5[%swap3A_253, %swap3A_254] {strides = array<i32>} : memref<40x1024xf32, #tpu.memory_space<vmem>>, vector<16xf32>,
      tpu.vector_store %arg5[%swap3A_253, %swap3A_254], %broadcast_in_dim3A_106 {strides = array<i32>} : memref<40x1024xf32, #tpu.memory_space<vmem>>, vector<16xf32>,
      %swap3A_256 = arith.index_cast %scan3A_228 : i32 to index
      %swap3A_257 = arith.constant 144 : index
      %swap3A_258 = tpu.vector_load %arg5[%swap3A_256, %swap3A_257] {strides = array<i32>} : memref<40x1024xf32, #tpu.memory_space<vmem>>, vector<16xf32>,
      tpu.vector_store %arg5[%swap3A_256, %swap3A_257], %broadcast_in_dim3A_106 {strides = array<i32>} : memref<40x1024xf32, #tpu.memory_space<vmem>>, vector<16xf32>,
      %swap3A_259 = arith.index_cast %scan3A_228 : i32 to index
      %swap3A_260 = arith.constant 160 : index
      %swap3A_261 = tpu.vector_load %arg5[%swap3A_259, %swap3A_260] {strides = array<i32>} : memref<40x1024xf32, #tpu.memory_space<vmem>>, vector<16xf32>,
      tpu.vector_store %arg5[%swap3A_259, %swap3A_260], %broadcast_in_dim3A_106 {strides = array<i32>} : memref<40x1024xf32, #tpu.memory_space<vmem>>, vector<16xf32>,
      %swap3A_262 = arith.index_cast %scan3A_228 : i32 to index
      %swap3A_263 = arith.constant 176 : index
      %swap3A_264 = tpu.vector_load %arg5[%swap3A_262, %swap3A_263] {strides = array<i32>} : memref<40x1024xf32, #tpu.memory_space<vmem>>, vector<16xf32>,
      tpu.vector_store %arg5[%swap3A_262, %swap3A_263], %broadcast_in_dim3A_106 {strides = array<i32>} : memref<40x1024xf32, #tpu.memory_space<vmem>>, vector<16xf32>,
      %swap3A_265 = arith.index_cast %scan3A_228 : i32 to index
      %swap3A_266 = arith.constant 192 : index
      %swap3A_267 = tpu.vector_load %arg5[%swap3A_265, %swap3A_266] {strides = array<i32>} : memref<40x1024xf32, #tpu.memory_space<vmem>>, vector<16xf32>,
      tpu.vector_store %arg5[%swap3A_265, %swap3A_266], %broadcast_in_dim3A_106 {strides = array<i32>} : memref<40x1024xf32, #tpu.memory_space<vmem>>, vector<16xf32>,
      %swap3A_268 = arith.index_cast %scan3A_228 : i32 to index
      %swap3A_269 = arith.constant 208 : index
      %swap3A_270 = tpu.vector_load %arg5[%swap3A_268, %swap3A_269] {strides = array<i32>} : memref<40x1024xf32, #tpu.memory_space<vmem>>, vector<16xf32>,
      tpu.vector_store %arg5[%swap3A_268, %swap3A_269], %broadcast_in_dim3A_106 {strides = array<i32>} : memref<40x1024xf32, #tpu.memory_space<vmem>>, vector<16xf32>,
      %swap3A_271 = arith.index_cast %scan3A_228 : i32 to index
      %swap3A_272 = arith.constant 224 : index
      %swap3A_273 = tpu.vector_load %arg5[%swap3A_271, %swap3A_272] {strides = array<i32>} : memref<40x1024xf32, #tpu.memory_space<vmem>>, vector<16xf32>,
      tpu.vector_store %arg5[%swap3A_271, %swap3A_272], %broadcast_in_dim3A_106 {strides = array<i32>} : memref<40x1024xf32, #tpu.memory_space<vmem>>, vector<16xf32>,
      %swap3A_274 = arith.index_cast %scan3A_228 : i32 to index
      %swap3A_275 = arith.constant 240 : index
      %swap3A_276 = tpu.vector_load %arg5[%swap3A_274, %swap3A_275] {strides = array<i32>} : memref<40x1024xf32, #tpu.memory_space<vmem>>, vector<16xf32>,
      tpu.vector_store %arg5[%swap3A_274, %swap3A_275], %broadcast_in_dim3A_106 {strides = array<i32>} : memref<40x1024xf32, #tpu.memory_space<vmem>>, vector<16xf32>,
      %swap3A_277 = arith.index_cast %scan3A_228 : i32 to index
      %swap3A_278 = arith.constant 256 : index
      %swap3A_279 = tpu.vector_load %arg5[%swap3A_277, %swap3A_278] {strides = array<i32>} : memref<40x1024xf32, #tpu.memory_space<vmem>>, vector<16xf32>,
      tpu.vector_store %arg5[%swap3A_277, %swap3A_278], %broadcast_in_dim3A_106 {strides = array<i32>} : memref<40x1024xf32, #tpu.memory_space<vmem>>, vector<16xf32>,
      %swap3A_280 = arith.index_cast %scan3A_228 : i32 to index
      %swap3A_281 = arith.constant 272 : index
      %swap3A_282 = tpu.vector_load %arg5[%swap3A_280, %swap3A_281] {strides = array<i32>} : memref<40x1024xf32, #tpu.memory_space<vmem>>, vector<16xf32>,
      tpu.vector_store %arg5[%swap3A_280, %swap3A_281], %broadcast_in_dim3A_106 {strides = array<i32>} : memref<40x1024xf32, #tpu.memory_space<vmem>>, vector<16xf32>,
      %swap3A_283 = arith.index_cast %scan3A_228 : i32 to index
      %swap3A_284 = arith.constant 288 : index
      %swap3A_285 = tpu.vector_load %arg5[%swap3A_283, %swap3A_284] {strides = array<i32>} : memref<40x1024xf32, #tpu.memory_space<vmem>>, vector<16xf32>,
      tpu.vector_store %arg5[%swap3A_283, %swap3A_284], %broadcast_in_dim3A_106 {strides = array<i32>} : memref<40x1024xf32, #tpu.memory_space<vmem>>, vector<16xf32>,
      %swap3A_286 = arith.index_cast %scan3A_228 : i32 to index
      %swap3A_287 = arith.constant 304 : index
      %swap3A_288 = tpu.vector_load %arg5[%swap3A_286, %swap3A_287] {strides = array<i32>} : memref<40x1024xf32, #tpu.memory_space<vmem>>, vector<16xf32>,
      tpu.vector_store %arg5[%swap3A_286, %swap3A_287], %broadcast_in_dim3A_106 {strides = array<i32>} : memref<40x1024xf32, #tpu.memory_space<vmem>>, vector<16xf32>,
      %swap3A_289 = arith.index_cast %scan3A_228 : i32 to index
      %swap3A_290 = arith.constant 320 : index
      %swap3A_291 = tpu.vector_load %arg5[%swap3A_289, %swap3A_290] {strides = array<i32>} : memref<40x1024xf32, #tpu.memory_space<vmem>>, vector<16xf32>,
      tpu.vector_store %arg5[%swap3A_289, %swap3A_290], %broadcast_in_dim3A_106 {strides = array<i32>} : memref<40x1024xf32, #tpu.memory_space<vmem>>, vector<16xf32>,
      %swap3A_292 = arith.index_cast %scan3A_228 : i32 to index
      %swap3A_293 = arith.constant 336 : index
      %swap3A_294 = tpu.vector_load %arg5[%swap3A_292, %swap3A_293] {strides = array<i32>} : memref<40x1024xf32, #tpu.memory_space<vmem>>, vector<16xf32>,
      tpu.vector_store %arg5[%swap3A_292, %swap3A_293], %broadcast_in_dim3A_106 {strides = array<i32>} : memref<40x1024xf32, #tpu.memory_space<vmem>>, vector<16xf32>,
      %swap3A_295 = arith.index_cast %scan3A_228 : i32 to index
      %swap3A_296 = arith.constant 352 : index
      %swap3A_297 = tpu.vector_load %arg5[%swap3A_295, %swap3A_296] {strides = array<i32>} : memref<40x1024xf32, #tpu.memory_space<vmem>>, vector<16xf32>,
      tpu.vector_store %arg5[%swap3A_295, %swap3A_296], %broadcast_in_dim3A_106 {strides = array<i32>} : memref<40x1024xf32, #tpu.memory_space<vmem>>, vector<16xf32>,
      %swap3A_298 = arith.index_cast %scan3A_228 : i32 to index
      %swap3A_299 = arith.constant 368 : index
      %swap3A_300 = tpu.vector_load %arg5[%swap3A_298, %swap3A_299] {strides = array<i32>} : memref<40x1024xf32, #tpu.memory_space<vmem>>, vector<16xf32>,
      tpu.vector_store %arg5[%swap3A_298, %swap3A_299], %broadcast_in_dim3A_106 {strides = array<i32>} : memref<40x1024xf32, #tpu.memory_space<vmem>>, vector<16xf32>,
      %swap3A_301 = arith.index_cast %scan3A_228 : i32 to index
      %swap3A_302 = arith.constant 384 : index
      %swap3A_303 = tpu.vector_load %arg5[%swap3A_301, %swap3A_302] {strides = array<i32>} : memref<40x1024xf32, #tpu.memory_space<vmem>>, vector<16xf32>,
      tpu.vector_store %arg5[%swap3A_301, %swap3A_302], %broadcast_in_dim3A_106 {strides = array<i32>} : memref<40x1024xf32, #tpu.memory_space<vmem>>, vector<16xf32>,
      %swap3A_304 = arith.index_cast %scan3A_228 : i32 to index
      %swap3A_305 = arith.constant 400 : index
      %swap3A_306 = tpu.vector_load %arg5[%swap3A_304, %swap3A_305] {strides = array<i32>} : memref<40x1024xf32, #tpu.memory_space<vmem>>, vector<16xf32>,
      tpu.vector_store %arg5[%swap3A_304, %swap3A_305], %broadcast_in_dim3A_106 {strides = array<i32>} : memref<40x1024xf32, #tpu.memory_space<vmem>>, vector<16xf32>,
      %swap3A_307 = arith.index_cast %scan3A_228 : i32 to index
      %swap3A_308 = arith.constant 416 : index
      %swap3A_309 = tpu.vector_load %arg5[%swap3A_307, %swap3A_308] {strides = array<i32>} : memref<40x1024xf32, #tpu.memory_space<vmem>>, vector<16xf32>,
      tpu.vector_store %arg5[%swap3A_307, %swap3A_308], %broadcast_in_dim3A_106 {strides = array<i32>} : memref<40x1024xf32, #tpu.memory_space<vmem>>, vector<16xf32>,
      %swap3A_310 = arith.index_cast %scan3A_228 : i32 to index
      %swap3A_311 = arith.constant 432 : index
      %swap3A_312 = tpu.vector_load %arg5[%swap3A_310, %swap3A_311] {strides = array<i32>} : memref<40x1024xf32, #tpu.memory_space<vmem>>, vector<16xf32>,
      tpu.vector_store %arg5[%swap3A_310, %swap3A_311], %broadcast_in_dim3A_106 {strides = array<i32>} : memref<40x1024xf32, #tpu.memory_space<vmem>>, vector<16xf32>,
      %swap3A_313 = arith.index_cast %scan3A_228 : i32 to index
      %swap3A_314 = arith.constant 448 : index
      %swap3A_315 = tpu.vector_load %arg5[%swap3A_313, %swap3A_314] {strides = array<i32>} : memref<40x1024xf32, #tpu.memory_space<vmem>>, vector<16xf32>,
      tpu.vector_store %arg5[%swap3A_313, %swap3A_314], %broadcast_in_dim3A_106 {strides = array<i32>} : memref<40x1024xf32, #tpu.memory_space<vmem>>, vector<16xf32>,
      %swap3A_316 = arith.index_cast %scan3A_228 : i32 to index
      %swap3A_317 = arith.constant 464 : index
      %swap3A_318 = tpu.vector_load %arg5[%swap3A_316, %swap3A_317] {strides = array<i32>} : memref<40x1024xf32, #tpu.memory_space<vmem>>, vector<16xf32>,
      tpu.vector_store %arg5[%swap3A_316, %swap3A_317], %broadcast_in_dim3A_106 {strides = array<i32>} : memref<40x1024xf32, #tpu.memory_space<vmem>>, vector<16xf32>,
      %swap3A_319 = arith.index_cast %scan3A_228 : i32 to index
      %swap3A_320 = arith.constant 480 : index
      %swap3A_321 = tpu.vector_load %arg5[%swap3A_319, %swap3A_320] {strides = array<i32>} : memref<40x1024xf32, #tpu.memory_space<vmem>>, vector<16xf32>,
      tpu.vector_store %arg5[%swap3A_319, %swap3A_320], %broadcast_in_dim3A_106 {strides = array<i32>} : memref<40x1024xf32, #tpu.memory_space<vmem>>, vector<16xf32>,
      %swap3A_322 = arith.index_cast %scan3A_228 : i32 to index
      %swap3A_323 = arith.constant 496 : index
      %swap3A_324 = tpu.vector_load %arg5[%swap3A_322, %swap3A_323] {strides = array<i32>} : memref<40x1024xf32, #tpu.memory_space<vmem>>, vector<16xf32>,
      tpu.vector_store %arg5[%swap3A_322, %swap3A_323], %broadcast_in_dim3A_106 {strides = array<i32>} : memref<40x1024xf32, #tpu.memory_space<vmem>>, vector<16xf32>,
      %swap3A_325 = arith.index_cast %scan3A_228 : i32 to index
      %swap3A_326 = arith.constant 512 : index
      %swap3A_327 = tpu.vector_load %arg5[%swap3A_325, %swap3A_326] {strides = array<i32>} : memref<40x1024xf32, #tpu.memory_space<vmem>>, vector<16xf32>,
      tpu.vector_store %arg5[%swap3A_325, %swap3A_326], %broadcast_in_dim3A_106 {strides = array<i32>} : memref<40x1024xf32, #tpu.memory_space<vmem>>, vector<16xf32>,
      %swap3A_328 = arith.index_cast %scan3A_228 : i32 to index
      %swap3A_329 = arith.constant 528 : index
      %swap3A_330 = tpu.vector_load %arg5[%swap3A_328, %swap3A_329] {strides = array<i32>} : memref<40x1024xf32, #tpu.memory_space<vmem>>, vector<16xf32>,
      tpu.vector_store %arg5[%swap3A_328, %swap3A_329], %broadcast_in_dim3A_106 {strides = array<i32>} : memref<40x1024xf32, #tpu.memory_space<vmem>>, vector<16xf32>,
      %swap3A_331 = arith.index_cast %scan3A_228 : i32 to index
      %swap3A_332 = arith.constant 544 : index
      %swap3A_333 = tpu.vector_load %arg5[%swap3A_331, %swap3A_332] {strides = array<i32>} : memref<40x1024xf32, #tpu.memory_space<vmem>>, vector<16xf32>,
      tpu.vector_store %arg5[%swap3A_331, %swap3A_332], %broadcast_in_dim3A_106 {strides = array<i32>} : memref<40x1024xf32, #tpu.memory_space<vmem>>, vector<16xf32>,
      %swap3A_334 = arith.index_cast %scan3A_228 : i32 to index
      %swap3A_335 = arith.constant 560 : index
      %swap3A_336 = tpu.vector_load %arg5[%swap3A_334, %swap3A_335] {strides = array<i32>} : memref<40x1024xf32, #tpu.memory_space<vmem>>, vector<16xf32>,
      tpu.vector_store %arg5[%swap3A_334, %swap3A_335], %broadcast_in_dim3A_106 {strides = array<i32>} : memref<40x1024xf32, #tpu.memory_space<vmem>>, vector<16xf32>,
      %swap3A_337 = arith.index_cast %scan3A_228 : i32 to index
      %swap3A_338 = arith.constant 576 : index
      %swap3A_339 = tpu.vector_load %arg5[%swap3A_337, %swap3A_338] {strides = array<i32>} : memref<40x1024xf32, #tpu.memory_space<vmem>>, vector<16xf32>,
      tpu.vector_store %arg5[%swap3A_337, %swap3A_338], %broadcast_in_dim3A_106 {strides = array<i32>} : memref<40x1024xf32, #tpu.memory_space<vmem>>, vector<16xf32>,
      %swap3A_340 = arith.index_cast %scan3A_228 : i32 to index
      %swap3A_341 = arith.constant 592 : index
      %swap3A_342 = tpu.vector_load %arg5[%swap3A_340, %swap3A_341] {strides = array<i32>} : memref<40x1024xf32, #tpu.memory_space<vmem>>, vector<16xf32>,
      tpu.vector_store %arg5[%swap3A_340, %swap3A_341], %broadcast_in_dim3A_106 {strides = array<i32>} : memref<40x1024xf32, #tpu.memory_space<vmem>>, vector<16xf32>,
      %swap3A_343 = arith.index_cast %scan3A_228 : i32 to index
      %swap3A_344 = arith.constant 608 : index
      %swap3A_345 = tpu.vector_load %arg5[%swap3A_343, %swap3A_344] {strides = array<i32>} : memref<40x1024xf32, #tpu.memory_space<vmem>>, vector<16xf32>,
      tpu.vector_store %arg5[%swap3A_343, %swap3A_344], %broadcast_in_dim3A_106 {strides = array<i32>} : memref<40x1024xf32, #tpu.memory_space<vmem>>, vector<16xf32>,
      %swap3A_346 = arith.index_cast %scan3A_228 : i32 to index
      %swap3A_347 = arith.constant 624 : index
      %swap3A_348 = tpu.vector_load %arg5[%swap3A_346, %swap3A_347] {strides = array<i32>} : memref<40x1024xf32, #tpu.memory_space<vmem>>, vector<16xf32>,
      tpu.vector_store %arg5[%swap3A_346, %swap3A_347], %broadcast_in_dim3A_106 {strides = array<i32>} : memref<40x1024xf32, #tpu.memory_space<vmem>>, vector<16xf32>,
      %swap3A_349 = arith.index_cast %scan3A_228 : i32 to index
      %swap3A_350 = arith.constant 640 : index
      %swap3A_351 = tpu.vector_load %arg5[%swap3A_349, %swap3A_350] {strides = array<i32>} : memref<40x1024xf32, #tpu.memory_space<vmem>>, vector<16xf32>,
      tpu.vector_store %arg5[%swap3A_349, %swap3A_350], %broadcast_in_dim3A_106 {strides = array<i32>} : memref<40x1024xf32, #tpu.memory_space<vmem>>, vector<16xf32>,
      %swap3A_352 = arith.index_cast %scan3A_228 : i32 to index
      %swap3A_353 = arith.constant 656 : index
      %swap3A_354 = tpu.vector_load %arg5[%swap3A_352, %swap3A_353] {strides = array<i32>} : memref<40x1024xf32, #tpu.memory_space<vmem>>, vector<16xf32>,
      tpu.vector_store %arg5[%swap3A_352, %swap3A_353], %broadcast_in_dim3A_106 {strides = array<i32>} : memref<40x1024xf32, #tpu.memory_space<vmem>>, vector<16xf32>,
      %swap3A_355 = arith.index_cast %scan3A_228 : i32 to index
      %swap3A_356 = arith.constant 672 : index
      %swap3A_357 = tpu.vector_load %arg5[%swap3A_355, %swap3A_356] {strides = array<i32>} : memref<40x1024xf32, #tpu.memory_space<vmem>>, vector<16xf32>,
      tpu.vector_store %arg5[%swap3A_355, %swap3A_356], %broadcast_in_dim3A_106 {strides = array<i32>} : memref<40x1024xf32, #tpu.memory_space<vmem>>, vector<16xf32>,
      %swap3A_358 = arith.index_cast %scan3A_228 : i32 to index
      %swap3A_359 = arith.constant 688 : index
      %swap3A_360 = tpu.vector_load %arg5[%swap3A_358, %swap3A_359] {strides = array<i32>} : memref<40x1024xf32, #tpu.memory_space<vmem>>, vector<16xf32>,
      tpu.vector_store %arg5[%swap3A_358, %swap3A_359], %broadcast_in_dim3A_106 {strides = array<i32>} : memref<40x1024xf32, #tpu.memory_space<vmem>>, vector<16xf32>,
      %swap3A_361 = arith.index_cast %scan3A_228 : i32 to index
      %swap3A_362 = arith.constant 704 : index
      %swap3A_363 = tpu.vector_load %arg5[%swap3A_361, %swap3A_362] {strides = array<i32>} : memref<40x1024xf32, #tpu.memory_space<vmem>>, vector<16xf32>,
      tpu.vector_store %arg5[%swap3A_361, %swap3A_362], %broadcast_in_dim3A_106 {strides = array<i32>} : memref<40x1024xf32, #tpu.memory_space<vmem>>, vector<16xf32>,
      %swap3A_364 = arith.index_cast %scan3A_228 : i32 to index
      %swap3A_365 = arith.constant 720 : index
      %swap3A_366 = tpu.vector_load %arg5[%swap3A_364, %swap3A_365] {strides = array<i32>} : memref<40x1024xf32, #tpu.memory_space<vmem>>, vector<16xf32>,
      tpu.vector_store %arg5[%swap3A_364, %swap3A_365], %broadcast_in_dim3A_106 {strides = array<i32>} : memref<40x1024xf32, #tpu.memory_space<vmem>>, vector<16xf32>,
      %swap3A_367 = arith.index_cast %scan3A_228 : i32 to index
      %swap3A_368 = arith.constant 736 : index
      %swap3A_369 = tpu.vector_load %arg5[%swap3A_367, %swap3A_368] {strides = array<i32>} : memref<40x1024xf32, #tpu.memory_space<vmem>>, vector<16xf32>,
      tpu.vector_store %arg5[%swap3A_367, %swap3A_368], %broadcast_in_dim3A_106 {strides = array<i32>} : memref<40x1024xf32, #tpu.memory_space<vmem>>, vector<16xf32>,
      %swap3A_370 = arith.index_cast %scan3A_228 : i32 to index
      %swap3A_371 = arith.constant 752 : index
      %swap3A_372 = tpu.vector_load %arg5[%swap3A_370, %swap3A_371] {strides = array<i32>} : memref<40x1024xf32, #tpu.memory_space<vmem>>, vector<16xf32>,
      tpu.vector_store %arg5[%swap3A_370, %swap3A_371], %broadcast_in_dim3A_106 {strides = array<i32>} : memref<40x1024xf32, #tpu.memory_space<vmem>>, vector<16xf32>,
      %swap3A_373 = arith.index_cast %scan3A_228 : i32 to index
      %swap3A_374 = arith.constant 768 : index
      %swap3A_375 = tpu.vector_load %arg5[%swap3A_373, %swap3A_374] {strides = array<i32>} : memref<40x1024xf32, #tpu.memory_space<vmem>>, vector<16xf32>,
      tpu.vector_store %arg5[%swap3A_373, %swap3A_374], %broadcast_in_dim3A_106 {strides = array<i32>} : memref<40x1024xf32, #tpu.memory_space<vmem>>, vector<16xf32>,
      %swap3A_376 = arith.index_cast %scan3A_228 : i32 to index
      %swap3A_377 = arith.constant 784 : index
      %swap3A_378 = tpu.vector_load %arg5[%swap3A_376, %swap3A_377] {strides = array<i32>} : memref<40x1024xf32, #tpu.memory_space<vmem>>, vector<16xf32>,
      tpu.vector_store %arg5[%swap3A_376, %swap3A_377], %broadcast_in_dim3A_106 {strides = array<i32>} : memref<40x1024xf32, #tpu.memory_space<vmem>>, vector<16xf32>,
      %swap3A_379 = arith.index_cast %scan3A_228 : i32 to index
      %swap3A_380 = arith.constant 800 : index
      %swap3A_381 = tpu.vector_load %arg5[%swap3A_379, %swap3A_380] {strides = array<i32>} : memref<40x1024xf32, #tpu.memory_space<vmem>>, vector<16xf32>,
      tpu.vector_store %arg5[%swap3A_379, %swap3A_380], %broadcast_in_dim3A_106 {strides = array<i32>} : memref<40x1024xf32, #tpu.memory_space<vmem>>, vector<16xf32>,
      %swap3A_382 = arith.index_cast %scan3A_228 : i32 to index
      %swap3A_383 = arith.constant 816 : index
      %swap3A_384 = tpu.vector_load %arg5[%swap3A_382, %swap3A_383] {strides = array<i32>} : memref<40x1024xf32, #tpu.memory_space<vmem>>, vector<16xf32>,
      tpu.vector_store %arg5[%swap3A_382, %swap3A_383], %broadcast_in_dim3A_106 {strides = array<i32>} : memref<40x1024xf32, #tpu.memory_space<vmem>>, vector<16xf32>,
      %swap3A_385 = arith.index_cast %scan3A_228 : i32 to index
      %swap3A_386 = arith.constant 832 : index
      %swap3A_387 = tpu.vector_load %arg5[%swap3A_385, %swap3A_386] {strides = array<i32>} : memref<40x1024xf32, #tpu.memory_space<vmem>>, vector<16xf32>,
      tpu.vector_store %arg5[%swap3A_385, %swap3A_386], %broadcast_in_dim3A_106 {strides = array<i32>} : memref<40x1024xf32, #tpu.memory_space<vmem>>, vector<16xf32>,
      %swap3A_388 = arith.index_cast %scan3A_228 : i32 to index
      %swap3A_389 = arith.constant 848 : index
      %swap3A_390 = tpu.vector_load %arg5[%swap3A_388, %swap3A_389] {strides = array<i32>} : memref<40x1024xf32, #tpu.memory_space<vmem>>, vector<16xf32>,
      tpu.vector_store %arg5[%swap3A_388, %swap3A_389], %broadcast_in_dim3A_106 {strides = array<i32>} : memref<40x1024xf32, #tpu.memory_space<vmem>>, vector<16xf32>,
      %swap3A_391 = arith.index_cast %scan3A_228 : i32 to index
      %swap3A_392 = arith.constant 864 : index
      %swap3A_393 = tpu.vector_load %arg5[%swap3A_391, %swap3A_392] {strides = array<i32>} : memref<40x1024xf32, #tpu.memory_space<vmem>>, vector<16xf32>,
      tpu.vector_store %arg5[%swap3A_391, %swap3A_392], %broadcast_in_dim3A_106 {strides = array<i32>} : memref<40x1024xf32, #tpu.memory_space<vmem>>, vector<16xf32>,
      %swap3A_394 = arith.index_cast %scan3A_228 : i32 to index
      %swap3A_395 = arith.constant 880 : index
      %swap3A_396 = tpu.vector_load %arg5[%swap3A_394, %swap3A_395] {strides = array<i32>} : memref<40x1024xf32, #tpu.memory_space<vmem>>, vector<16xf32>,
      tpu.vector_store %arg5[%swap3A_394, %swap3A_395], %broadcast_in_dim3A_106 {strides = array<i32>} : memref<40x1024xf32, #tpu.memory_space<vmem>>, vector<16xf32>,
      %swap3A_397 = arith.index_cast %scan3A_228 : i32 to index
      %swap3A_398 = arith.constant 896 : index
      %swap3A_399 = tpu.vector_load %arg5[%swap3A_397, %swap3A_398] {strides = array<i32>} : memref<40x1024xf32, #tpu.memory_space<vmem>>, vector<16xf32>,
      tpu.vector_store %arg5[%swap3A_397, %swap3A_398], %broadcast_in_dim3A_106 {strides = array<i32>} : memref<40x1024xf32, #tpu.memory_space<vmem>>, vector<16xf32>,
      %swap3A_400 = arith.index_cast %scan3A_228 : i32 to index
      %swap3A_401 = arith.constant 912 : index
      %swap3A_402 = tpu.vector_load %arg5[%swap3A_400, %swap3A_401] {strides = array<i32>} : memref<40x1024xf32, #tpu.memory_space<vmem>>, vector<16xf32>,
      tpu.vector_store %arg5[%swap3A_400, %swap3A_401], %broadcast_in_dim3A_106 {strides = array<i32>} : memref<40x1024xf32, #tpu.memory_space<vmem>>, vector<16xf32>,
      %swap3A_403 = arith.index_cast %scan3A_228 : i32 to index
      %swap3A_404 = arith.constant 928 : index
      %swap3A_405 = tpu.vector_load %arg5[%swap3A_403, %swap3A_404] {strides = array<i32>} : memref<40x1024xf32, #tpu.memory_space<vmem>>, vector<16xf32>,
      tpu.vector_store %arg5[%swap3A_403, %swap3A_404], %broadcast_in_dim3A_106 {strides = array<i32>} : memref<40x1024xf32, #tpu.memory_space<vmem>>, vector<16xf32>,
      %swap3A_406 = arith.index_cast %scan3A_228 : i32 to index
      %swap3A_407 = arith.constant 944 : index
      %swap3A_408 = tpu.vector_load %arg5[%swap3A_406, %swap3A_407] {strides = array<i32>} : memref<40x1024xf32, #tpu.memory_space<vmem>>, vector<16xf32>,
      tpu.vector_store %arg5[%swap3A_406, %swap3A_407], %broadcast_in_dim3A_106 {strides = array<i32>} : memref<40x1024xf32, #tpu.memory_space<vmem>>, vector<16xf32>,
      %swap3A_409 = arith.index_cast %scan3A_228 : i32 to index
      %swap3A_410 = arith.constant 960 : index
      %swap3A_411 = tpu.vector_load %arg5[%swap3A_409, %swap3A_410] {strides = array<i32>} : memref<40x1024xf32, #tpu.memory_space<vmem>>, vector<16xf32>,
      tpu.vector_store %arg5[%swap3A_409, %swap3A_410], %broadcast_in_dim3A_106 {strides = array<i32>} : memref<40x1024xf32, #tpu.memory_space<vmem>>, vector<16xf32>,
      %swap3A_412 = arith.index_cast %scan3A_228 : i32 to index
      %swap3A_413 = arith.constant 976 : index
      %swap3A_414 = tpu.vector_load %arg5[%swap3A_412, %swap3A_413] {strides = array<i32>} : memref<40x1024xf32, #tpu.memory_space<vmem>>, vector<16xf32>,
      tpu.vector_store %arg5[%swap3A_412, %swap3A_413], %broadcast_in_dim3A_106 {strides = array<i32>} : memref<40x1024xf32, #tpu.memory_space<vmem>>, vector<16xf32>,
      %swap3A_415 = arith.index_cast %scan3A_228 : i32 to index
      %swap3A_416 = arith.constant 992 : index
      %swap3A_417 = tpu.vector_load %arg5[%swap3A_415, %swap3A_416] {strides = array<i32>} : memref<40x1024xf32, #tpu.memory_space<vmem>>, vector<16xf32>,
      tpu.vector_store %arg5[%swap3A_415, %swap3A_416], %broadcast_in_dim3A_106 {strides = array<i32>} : memref<40x1024xf32, #tpu.memory_space<vmem>>, vector<16xf32>,
      %swap3A_418 = arith.index_cast %scan3A_228 : i32 to index
      %swap3A_419 = arith.constant 1008 : index
      %swap3A_420 = tpu.vector_load %arg5[%swap3A_418, %swap3A_419] {strides = array<i32>} : memref<40x1024xf32, #tpu.memory_space<vmem>>, vector<16xf32>,
      tpu.vector_store %arg5[%swap3A_418, %swap3A_419], %broadcast_in_dim3A_106 {strides = array<i32>} : memref<40x1024xf32, #tpu.memory_space<vmem>>, vector<16xf32>,
      %scan3A_421 = arith.constant 0 : i32
      scf.yield %scan3A_421 : i32
    }
    %scan3A_114 = arith.constant 40 : i32
    %scan3A_115 = arith.constant 0 : i32
    %scan3A_116 = arith.constant 0 : i32
    %scan3A_117 = arith.constant 40 : i32
    %scan3A_118 = arith.addi %scan3A_116, %scan3A_117 : i32
    %scan3A_119 = arith.constant 1 : i32
    %scan3A_120 = scf.for %scan3A_228 = %scan3A_116 to %scan3A_118 step %scan3A_119 iter_args(%scan3A_229 = %scan3A_115) -> (i32)  : i32 {
      %swap3A = arith.index_cast %scan3A_228 : i32 to index
      %swap3A_230 = arith.constant 0 : index
      %swap3A_231 = tpu.vector_load %arg6[%swap3A, %swap3A_230] {strides = array<i32>} : memref<40x1024xf32, #tpu.memory_space<vmem>>, vector<16xf32>,
      tpu.vector_store %arg6[%swap3A, %swap3A_230], %broadcast_in_dim3A_106 {strides = array<i32>} : memref<40x1024xf32, #tpu.memory_space<vmem>>, vector<16xf32>,
      %swap3A_232 = arith.index_cast %scan3A_228 : i32 to index
      %swap3A_233 = arith.constant 16 : index
      %swap3A_234 = tpu.vector_load %arg6[%swap3A_232, %swap3A_233] {strides = array<i32>} : memref<40x1024xf32, #tpu.memory_space<vmem>>, vector<16xf32>,
      tpu.vector_store %arg6[%swap3A_232, %swap3A_233], %broadcast_in_dim3A_106 {strides = array<i32>} : memref<40x1024xf32, #tpu.memory_space<vmem>>, vector<16xf32>,
      %swap3A_235 = arith.index_cast %scan3A_228 : i32 to index
      %swap3A_236 = arith.constant 32 : index
      %swap3A_237 = tpu.vector_load %arg6[%swap3A_235, %swap3A_236] {strides = array<i32>} : memref<40x1024xf32, #tpu.memory_space<vmem>>, vector<16xf32>,
      tpu.vector_store %arg6[%swap3A_235, %swap3A_236], %broadcast_in_dim3A_106 {strides = array<i32>} : memref<40x1024xf32, #tpu.memory_space<vmem>>, vector<16xf32>,
      %swap3A_238 = arith.index_cast %scan3A_228 : i32 to index
      %swap3A_239 = arith.constant 48 : index
      %swap3A_240 = tpu.vector_load %arg6[%swap3A_238, %swap3A_239] {strides = array<i32>} : memref<40x1024xf32, #tpu.memory_space<vmem>>, vector<16xf32>,
      tpu.vector_store %arg6[%swap3A_238, %swap3A_239], %broadcast_in_dim3A_106 {strides = array<i32>} : memref<40x1024xf32, #tpu.memory_space<vmem>>, vector<16xf32>,
      %swap3A_241 = arith.index_cast %scan3A_228 : i32 to index
      %swap3A_242 = arith.constant 64 : index
      %swap3A_243 = tpu.vector_load %arg6[%swap3A_241, %swap3A_242] {strides = array<i32>} : memref<40x1024xf32, #tpu.memory_space<vmem>>, vector<16xf32>,
      tpu.vector_store %arg6[%swap3A_241, %swap3A_242], %broadcast_in_dim3A_106 {strides = array<i32>} : memref<40x1024xf32, #tpu.memory_space<vmem>>, vector<16xf32>,
      %swap3A_244 = arith.index_cast %scan3A_228 : i32 to index
      %swap3A_245 = arith.constant 80 : index
      %swap3A_246 = tpu.vector_load %arg6[%swap3A_244, %swap3A_245] {strides = array<i32>} : memref<40x1024xf32, #tpu.memory_space<vmem>>, vector<16xf32>,
      tpu.vector_store %arg6[%swap3A_244, %swap3A_245], %broadcast_in_dim3A_106 {strides = array<i32>} : memref<40x1024xf32, #tpu.memory_space<vmem>>, vector<16xf32>,
      %swap3A_247 = arith.index_cast %scan3A_228 : i32 to index
      %swap3A_248 = arith.constant 96 : index
      %swap3A_249 = tpu.vector_load %arg6[%swap3A_247, %swap3A_248] {strides = array<i32>} : memref<40x1024xf32, #tpu.memory_space<vmem>>, vector<16xf32>,
      tpu.vector_store %arg6[%swap3A_247, %swap3A_248], %broadcast_in_dim3A_106 {strides = array<i32>} : memref<40x1024xf32, #tpu.memory_space<vmem>>, vector<16xf32>,
      %swap3A_250 = arith.index_cast %scan3A_228 : i32 to index
      %swap3A_251 = arith.constant 112 : index
      %swap3A_252 = tpu.vector_load %arg6[%swap3A_250, %swap3A_251] {strides = array<i32>} : memref<40x1024xf32, #tpu.memory_space<vmem>>, vector<16xf32>,
      tpu.vector_store %arg6[%swap3A_250, %swap3A_251], %broadcast_in_dim3A_106 {strides = array<i32>} : memref<40x1024xf32, #tpu.memory_space<vmem>>, vector<16xf32>,
      %swap3A_253 = arith.index_cast %scan3A_228 : i32 to index
      %swap3A_254 = arith.constant 128 : index
      %swap3A_255 = tpu.vector_load %arg6[%swap3A_253, %swap3A_254] {strides = array<i32>} : memref<40x1024xf32, #tpu.memory_space<vmem>>, vector<16xf32>,
      tpu.vector_store %arg6[%swap3A_253, %swap3A_254], %broadcast_in_dim3A_106 {strides = array<i32>} : memref<40x1024xf32, #tpu.memory_space<vmem>>, vector<16xf32>,
      %swap3A_256 = arith.index_cast %scan3A_228 : i32 to index
      %swap3A_257 = arith.constant 144 : index
      %swap3A_258 = tpu.vector_load %arg6[%swap3A_256, %swap3A_257] {strides = array<i32>} : memref<40x1024xf32, #tpu.memory_space<vmem>>, vector<16xf32>,
      tpu.vector_store %arg6[%swap3A_256, %swap3A_257], %broadcast_in_dim3A_106 {strides = array<i32>} : memref<40x1024xf32, #tpu.memory_space<vmem>>, vector<16xf32>,
      %swap3A_259 = arith.index_cast %scan3A_228 : i32 to index
      %swap3A_260 = arith.constant 160 : index
      %swap3A_261 = tpu.vector_load %arg6[%swap3A_259, %swap3A_260] {strides = array<i32>} : memref<40x1024xf32, #tpu.memory_space<vmem>>, vector<16xf32>,
      tpu.vector_store %arg6[%swap3A_259, %swap3A_260], %broadcast_in_dim3A_106 {strides = array<i32>} : memref<40x1024xf32, #tpu.memory_space<vmem>>, vector<16xf32>,
      %swap3A_262 = arith.index_cast %scan3A_228 : i32 to index
      %swap3A_263 = arith.constant 176 : index
      %swap3A_264 = tpu.vector_load %arg6[%swap3A_262, %swap3A_263] {strides = array<i32>} : memref<40x1024xf32, #tpu.memory_space<vmem>>, vector<16xf32>,
      tpu.vector_store %arg6[%swap3A_262, %swap3A_263], %broadcast_in_dim3A_106 {strides = array<i32>} : memref<40x1024xf32, #tpu.memory_space<vmem>>, vector<16xf32>,
      %swap3A_265 = arith.index_cast %scan3A_228 : i32 to index
      %swap3A_266 = arith.constant 192 : index
      %swap3A_267 = tpu.vector_load %arg6[%swap3A_265, %swap3A_266] {strides = array<i32>} : memref<40x1024xf32, #tpu.memory_space<vmem>>, vector<16xf32>,
      tpu.vector_store %arg6[%swap3A_265, %swap3A_266], %broadcast_in_dim3A_106 {strides = array<i32>} : memref<40x1024xf32, #tpu.memory_space<vmem>>, vector<16xf32>,
      %swap3A_268 = arith.index_cast %scan3A_228 : i32 to index
      %swap3A_269 = arith.constant 208 : index
      %swap3A_270 = tpu.vector_load %arg6[%swap3A_268, %swap3A_269] {strides = array<i32>} : memref<40x1024xf32, #tpu.memory_space<vmem>>, vector<16xf32>,
      tpu.vector_store %arg6[%swap3A_268, %swap3A_269], %broadcast_in_dim3A_106 {strides = array<i32>} : memref<40x1024xf32, #tpu.memory_space<vmem>>, vector<16xf32>,
      %swap3A_271 = arith.index_cast %scan3A_228 : i32 to index
      %swap3A_272 = arith.constant 224 : index
      %swap3A_273 = tpu.vector_load %arg6[%swap3A_271, %swap3A_272] {strides = array<i32>} : memref<40x1024xf32, #tpu.memory_space<vmem>>, vector<16xf32>,
      tpu.vector_store %arg6[%swap3A_271, %swap3A_272], %broadcast_in_dim3A_106 {strides = array<i32>} : memref<40x1024xf32, #tpu.memory_space<vmem>>, vector<16xf32>,
      %swap3A_274 = arith.index_cast %scan3A_228 : i32 to index
      %swap3A_275 = arith.constant 240 : index
      %swap3A_276 = tpu.vector_load %arg6[%swap3A_274, %swap3A_275] {strides = array<i32>} : memref<40x1024xf32, #tpu.memory_space<vmem>>, vector<16xf32>,
      tpu.vector_store %arg6[%swap3A_274, %swap3A_275], %broadcast_in_dim3A_106 {strides = array<i32>} : memref<40x1024xf32, #tpu.memory_space<vmem>>, vector<16xf32>,
      %swap3A_277 = arith.index_cast %scan3A_228 : i32 to index
      %swap3A_278 = arith.constant 256 : index
      %swap3A_279 = tpu.vector_load %arg6[%swap3A_277, %swap3A_278] {strides = array<i32>} : memref<40x1024xf32, #tpu.memory_space<vmem>>, vector<16xf32>,
      tpu.vector_store %arg6[%swap3A_277, %swap3A_278], %broadcast_in_dim3A_106 {strides = array<i32>} : memref<40x1024xf32, #tpu.memory_space<vmem>>, vector<16xf32>,
      %swap3A_280 = arith.index_cast %scan3A_228 : i32 to index
      %swap3A_281 = arith.constant 272 : index
      %swap3A_282 = tpu.vector_load %arg6[%swap3A_280, %swap3A_281] {strides = array<i32>} : memref<40x1024xf32, #tpu.memory_space<vmem>>, vector<16xf32>,
      tpu.vector_store %arg6[%swap3A_280, %swap3A_281], %broadcast_in_dim3A_106 {strides = array<i32>} : memref<40x1024xf32, #tpu.memory_space<vmem>>, vector<16xf32>,
      %swap3A_283 = arith.index_cast %scan3A_228 : i32 to index
      %swap3A_284 = arith.constant 288 : index
      %swap3A_285 = tpu.vector_load %arg6[%swap3A_283, %swap3A_284] {strides = array<i32>} : memref<40x1024xf32, #tpu.memory_space<vmem>>, vector<16xf32>,
      tpu.vector_store %arg6[%swap3A_283, %swap3A_284], %broadcast_in_dim3A_106 {strides = array<i32>} : memref<40x1024xf32, #tpu.memory_space<vmem>>, vector<16xf32>,
      %swap3A_286 = arith.index_cast %scan3A_228 : i32 to index
      %swap3A_287 = arith.constant 304 : index
      %swap3A_288 = tpu.vector_load %arg6[%swap3A_286, %swap3A_287] {strides = array<i32>} : memref<40x1024xf32, #tpu.memory_space<vmem>>, vector<16xf32>,
      tpu.vector_store %arg6[%swap3A_286, %swap3A_287], %broadcast_in_dim3A_106 {strides = array<i32>} : memref<40x1024xf32, #tpu.memory_space<vmem>>, vector<16xf32>,
      %swap3A_289 = arith.index_cast %scan3A_228 : i32 to index
      %swap3A_290 = arith.constant 320 : index
      %swap3A_291 = tpu.vector_load %arg6[%swap3A_289, %swap3A_290] {strides = array<i32>} : memref<40x1024xf32, #tpu.memory_space<vmem>>, vector<16xf32>,
      tpu.vector_store %arg6[%swap3A_289, %swap3A_290], %broadcast_in_dim3A_106 {strides = array<i32>} : memref<40x1024xf32, #tpu.memory_space<vmem>>, vector<16xf32>,
      %swap3A_292 = arith.index_cast %scan3A_228 : i32 to index
      %swap3A_293 = arith.constant 336 : index
      %swap3A_294 = tpu.vector_load %arg6[%swap3A_292, %swap3A_293] {strides = array<i32>} : memref<40x1024xf32, #tpu.memory_space<vmem>>, vector<16xf32>,
      tpu.vector_store %arg6[%swap3A_292, %swap3A_293], %broadcast_in_dim3A_106 {strides = array<i32>} : memref<40x1024xf32, #tpu.memory_space<vmem>>, vector<16xf32>,
      %swap3A_295 = arith.index_cast %scan3A_228 : i32 to index
      %swap3A_296 = arith.constant 352 : index
      %swap3A_297 = tpu.vector_load %arg6[%swap3A_295, %swap3A_296] {strides = array<i32>} : memref<40x1024xf32, #tpu.memory_space<vmem>>, vector<16xf32>,
      tpu.vector_store %arg6[%swap3A_295, %swap3A_296], %broadcast_in_dim3A_106 {strides = array<i32>} : memref<40x1024xf32, #tpu.memory_space<vmem>>, vector<16xf32>,
      %swap3A_298 = arith.index_cast %scan3A_228 : i32 to index
      %swap3A_299 = arith.constant 368 : index
      %swap3A_300 = tpu.vector_load %arg6[%swap3A_298, %swap3A_299] {strides = array<i32>} : memref<40x1024xf32, #tpu.memory_space<vmem>>, vector<16xf32>,
      tpu.vector_store %arg6[%swap3A_298, %swap3A_299], %broadcast_in_dim3A_106 {strides = array<i32>} : memref<40x1024xf32, #tpu.memory_space<vmem>>, vector<16xf32>,
      %swap3A_301 = arith.index_cast %scan3A_228 : i32 to index
      %swap3A_302 = arith.constant 384 : index
      %swap3A_303 = tpu.vector_load %arg6[%swap3A_301, %swap3A_302] {strides = array<i32>} : memref<40x1024xf32, #tpu.memory_space<vmem>>, vector<16xf32>,
      tpu.vector_store %arg6[%swap3A_301, %swap3A_302], %broadcast_in_dim3A_106 {strides = array<i32>} : memref<40x1024xf32, #tpu.memory_space<vmem>>, vector<16xf32>,
      %swap3A_304 = arith.index_cast %scan3A_228 : i32 to index
      %swap3A_305 = arith.constant 400 : index
      %swap3A_306 = tpu.vector_load %arg6[%swap3A_304, %swap3A_305] {strides = array<i32>} : memref<40x1024xf32, #tpu.memory_space<vmem>>, vector<16xf32>,
      tpu.vector_store %arg6[%swap3A_304, %swap3A_305], %broadcast_in_dim3A_106 {strides = array<i32>} : memref<40x1024xf32, #tpu.memory_space<vmem>>, vector<16xf32>,
      %swap3A_307 = arith.index_cast %scan3A_228 : i32 to index
      %swap3A_308 = arith.constant 416 : index
      %swap3A_309 = tpu.vector_load %arg6[%swap3A_307, %swap3A_308] {strides = array<i32>} : memref<40x1024xf32, #tpu.memory_space<vmem>>, vector<16xf32>,
      tpu.vector_store %arg6[%swap3A_307, %swap3A_308], %broadcast_in_dim3A_106 {strides = array<i32>} : memref<40x1024xf32, #tpu.memory_space<vmem>>, vector<16xf32>,
      %swap3A_310 = arith.index_cast %scan3A_228 : i32 to index
      %swap3A_311 = arith.constant 432 : index
      %swap3A_312 = tpu.vector_load %arg6[%swap3A_310, %swap3A_311] {strides = array<i32>} : memref<40x1024xf32, #tpu.memory_space<vmem>>, vector<16xf32>,
      tpu.vector_store %arg6[%swap3A_310, %swap3A_311], %broadcast_in_dim3A_106 {strides = array<i32>} : memref<40x1024xf32, #tpu.memory_space<vmem>>, vector<16xf32>,
      %swap3A_313 = arith.index_cast %scan3A_228 : i32 to index
      %swap3A_314 = arith.constant 448 : index
      %swap3A_315 = tpu.vector_load %arg6[%swap3A_313, %swap3A_314] {strides = array<i32>} : memref<40x1024xf32, #tpu.memory_space<vmem>>, vector<16xf32>,
      tpu.vector_store %arg6[%swap3A_313, %swap3A_314], %broadcast_in_dim3A_106 {strides = array<i32>} : memref<40x1024xf32, #tpu.memory_space<vmem>>, vector<16xf32>,
      %swap3A_316 = arith.index_cast %scan3A_228 : i32 to index
      %swap3A_317 = arith.constant 464 : index
      %swap3A_318 = tpu.vector_load %arg6[%swap3A_316, %swap3A_317] {strides = array<i32>} : memref<40x1024xf32, #tpu.memory_space<vmem>>, vector<16xf32>,
      tpu.vector_store %arg6[%swap3A_316, %swap3A_317], %broadcast_in_dim3A_106 {strides = array<i32>} : memref<40x1024xf32, #tpu.memory_space<vmem>>, vector<16xf32>,
      %swap3A_319 = arith.index_cast %scan3A_228 : i32 to index
      %swap3A_320 = arith.constant 480 : index
      %swap3A_321 = tpu.vector_load %arg6[%swap3A_319, %swap3A_320] {strides = array<i32>} : memref<40x1024xf32, #tpu.memory_space<vmem>>, vector<16xf32>,
      tpu.vector_store %arg6[%swap3A_319, %swap3A_320], %broadcast_in_dim3A_106 {strides = array<i32>} : memref<40x1024xf32, #tpu.memory_space<vmem>>, vector<16xf32>,
      %swap3A_322 = arith.index_cast %scan3A_228 : i32 to index
      %swap3A_323 = arith.constant 496 : index
      %swap3A_324 = tpu.vector_load %arg6[%swap3A_322, %swap3A_323] {strides = array<i32>} : memref<40x1024xf32, #tpu.memory_space<vmem>>, vector<16xf32>,
      tpu.vector_store %arg6[%swap3A_322, %swap3A_323], %broadcast_in_dim3A_106 {strides = array<i32>} : memref<40x1024xf32, #tpu.memory_space<vmem>>, vector<16xf32>,
      %swap3A_325 = arith.index_cast %scan3A_228 : i32 to index
      %swap3A_326 = arith.constant 512 : index
      %swap3A_327 = tpu.vector_load %arg6[%swap3A_325, %swap3A_326] {strides = array<i32>} : memref<40x1024xf32, #tpu.memory_space<vmem>>, vector<16xf32>,
      tpu.vector_store %arg6[%swap3A_325, %swap3A_326], %broadcast_in_dim3A_106 {strides = array<i32>} : memref<40x1024xf32, #tpu.memory_space<vmem>>, vector<16xf32>,
      %swap3A_328 = arith.index_cast %scan3A_228 : i32 to index
      %swap3A_329 = arith.constant 528 : index
      %swap3A_330 = tpu.vector_load %arg6[%swap3A_328, %swap3A_329] {strides = array<i32>} : memref<40x1024xf32, #tpu.memory_space<vmem>>, vector<16xf32>,
      tpu.vector_store %arg6[%swap3A_328, %swap3A_329], %broadcast_in_dim3A_106 {strides = array<i32>} : memref<40x1024xf32, #tpu.memory_space<vmem>>, vector<16xf32>,
      %swap3A_331 = arith.index_cast %scan3A_228 : i32 to index
      %swap3A_332 = arith.constant 544 : index
      %swap3A_333 = tpu.vector_load %arg6[%swap3A_331, %swap3A_332] {strides = array<i32>} : memref<40x1024xf32, #tpu.memory_space<vmem>>, vector<16xf32>,
      tpu.vector_store %arg6[%swap3A_331, %swap3A_332], %broadcast_in_dim3A_106 {strides = array<i32>} : memref<40x1024xf32, #tpu.memory_space<vmem>>, vector<16xf32>,
      %swap3A_334 = arith.index_cast %scan3A_228 : i32 to index
      %swap3A_335 = arith.constant 560 : index
      %swap3A_336 = tpu.vector_load %arg6[%swap3A_334, %swap3A_335] {strides = array<i32>} : memref<40x1024xf32, #tpu.memory_space<vmem>>, vector<16xf32>,
      tpu.vector_store %arg6[%swap3A_334, %swap3A_335], %broadcast_in_dim3A_106 {strides = array<i32>} : memref<40x1024xf32, #tpu.memory_space<vmem>>, vector<16xf32>,
      %swap3A_337 = arith.index_cast %scan3A_228 : i32 to index
      %swap3A_338 = arith.constant 576 : index
      %swap3A_339 = tpu.vector_load %arg6[%swap3A_337, %swap3A_338] {strides = array<i32>} : memref<40x1024xf32, #tpu.memory_space<vmem>>, vector<16xf32>,
      tpu.vector_store %arg6[%swap3A_337, %swap3A_338], %broadcast_in_dim3A_106 {strides = array<i32>} : memref<40x1024xf32, #tpu.memory_space<vmem>>, vector<16xf32>,
      %swap3A_340 = arith.index_cast %scan3A_228 : i32 to index
      %swap3A_341 = arith.constant 592 : index
      %swap3A_342 = tpu.vector_load %arg6[%swap3A_340, %swap3A_341] {strides = array<i32>} : memref<40x1024xf32, #tpu.memory_space<vmem>>, vector<16xf32>,
      tpu.vector_store %arg6[%swap3A_340, %swap3A_341], %broadcast_in_dim3A_106 {strides = array<i32>} : memref<40x1024xf32, #tpu.memory_space<vmem>>, vector<16xf32>,
      %swap3A_343 = arith.index_cast %scan3A_228 : i32 to index
      %swap3A_344 = arith.constant 608 : index
      %swap3A_345 = tpu.vector_load %arg6[%swap3A_343, %swap3A_344] {strides = array<i32>} : memref<40x1024xf32, #tpu.memory_space<vmem>>, vector<16xf32>,
      tpu.vector_store %arg6[%swap3A_343, %swap3A_344], %broadcast_in_dim3A_106 {strides = array<i32>} : memref<40x1024xf32, #tpu.memory_space<vmem>>, vector<16xf32>,
      %swap3A_346 = arith.index_cast %scan3A_228 : i32 to index
      %swap3A_347 = arith.constant 624 : index
      %swap3A_348 = tpu.vector_load %arg6[%swap3A_346, %swap3A_347] {strides = array<i32>} : memref<40x1024xf32, #tpu.memory_space<vmem>>, vector<16xf32>,
      tpu.vector_store %arg6[%swap3A_346, %swap3A_347], %broadcast_in_dim3A_106 {strides = array<i32>} : memref<40x1024xf32, #tpu.memory_space<vmem>>, vector<16xf32>,
      %swap3A_349 = arith.index_cast %scan3A_228 : i32 to index
      %swap3A_350 = arith.constant 640 : index
      %swap3A_351 = tpu.vector_load %arg6[%swap3A_349, %swap3A_350] {strides = array<i32>} : memref<40x1024xf32, #tpu.memory_space<vmem>>, vector<16xf32>,
      tpu.vector_store %arg6[%swap3A_349, %swap3A_350], %broadcast_in_dim3A_106 {strides = array<i32>} : memref<40x1024xf32, #tpu.memory_space<vmem>>, vector<16xf32>,
      %swap3A_352 = arith.index_cast %scan3A_228 : i32 to index
      %swap3A_353 = arith.constant 656 : index
      %swap3A_354 = tpu.vector_load %arg6[%swap3A_352, %swap3A_353] {strides = array<i32>} : memref<40x1024xf32, #tpu.memory_space<vmem>>, vector<16xf32>,
      tpu.vector_store %arg6[%swap3A_352, %swap3A_353], %broadcast_in_dim3A_106 {strides = array<i32>} : memref<40x1024xf32, #tpu.memory_space<vmem>>, vector<16xf32>,
      %swap3A_355 = arith.index_cast %scan3A_228 : i32 to index
      %swap3A_356 = arith.constant 672 : index
      %swap3A_357 = tpu.vector_load %arg6[%swap3A_355, %swap3A_356] {strides = array<i32>} : memref<40x1024xf32, #tpu.memory_space<vmem>>, vector<16xf32>,
      tpu.vector_store %arg6[%swap3A_355, %swap3A_356], %broadcast_in_dim3A_106 {strides = array<i32>} : memref<40x1024xf32, #tpu.memory_space<vmem>>, vector<16xf32>,
      %swap3A_358 = arith.index_cast %scan3A_228 : i32 to index
      %swap3A_359 = arith.constant 688 : index
      %swap3A_360 = tpu.vector_load %arg6[%swap3A_358, %swap3A_359] {strides = array<i32>} : memref<40x1024xf32, #tpu.memory_space<vmem>>, vector<16xf32>,
      tpu.vector_store %arg6[%swap3A_358, %swap3A_359], %broadcast_in_dim3A_106 {strides = array<i32>} : memref<40x1024xf32, #tpu.memory_space<vmem>>, vector<16xf32>,
      %swap3A_361 = arith.index_cast %scan3A_228 : i32 to index
      %swap3A_362 = arith.constant 704 : index
      %swap3A_363 = tpu.vector_load %arg6[%swap3A_361, %swap3A_362] {strides = array<i32>} : memref<40x1024xf32, #tpu.memory_space<vmem>>, vector<16xf32>,
      tpu.vector_store %arg6[%swap3A_361, %swap3A_362], %broadcast_in_dim3A_106 {strides = array<i32>} : memref<40x1024xf32, #tpu.memory_space<vmem>>, vector<16xf32>,
      %swap3A_364 = arith.index_cast %scan3A_228 : i32 to index
      %swap3A_365 = arith.constant 720 : index
      %swap3A_366 = tpu.vector_load %arg6[%swap3A_364, %swap3A_365] {strides = array<i32>} : memref<40x1024xf32, #tpu.memory_space<vmem>>, vector<16xf32>,
      tpu.vector_store %arg6[%swap3A_364, %swap3A_365], %broadcast_in_dim3A_106 {strides = array<i32>} : memref<40x1024xf32, #tpu.memory_space<vmem>>, vector<16xf32>,
      %swap3A_367 = arith.index_cast %scan3A_228 : i32 to index
      %swap3A_368 = arith.constant 736 : index
      %swap3A_369 = tpu.vector_load %arg6[%swap3A_367, %swap3A_368] {strides = array<i32>} : memref<40x1024xf32, #tpu.memory_space<vmem>>, vector<16xf32>,
      tpu.vector_store %arg6[%swap3A_367, %swap3A_368], %broadcast_in_dim3A_106 {strides = array<i32>} : memref<40x1024xf32, #tpu.memory_space<vmem>>, vector<16xf32>,
      %swap3A_370 = arith.index_cast %scan3A_228 : i32 to index
      %swap3A_371 = arith.constant 752 : index
      %swap3A_372 = tpu.vector_load %arg6[%swap3A_370, %swap3A_371] {strides = array<i32>} : memref<40x1024xf32, #tpu.memory_space<vmem>>, vector<16xf32>,
      tpu.vector_store %arg6[%swap3A_370, %swap3A_371], %broadcast_in_dim3A_106 {strides = array<i32>} : memref<40x1024xf32, #tpu.memory_space<vmem>>, vector<16xf32>,
      %swap3A_373 = arith.index_cast %scan3A_228 : i32 to index
      %swap3A_374 = arith.constant 768 : index
      %swap3A_375 = tpu.vector_load %arg6[%swap3A_373, %swap3A_374] {strides = array<i32>} : memref<40x1024xf32, #tpu.memory_space<vmem>>, vector<16xf32>,
      tpu.vector_store %arg6[%swap3A_373, %swap3A_374], %broadcast_in_dim3A_106 {strides = array<i32>} : memref<40x1024xf32, #tpu.memory_space<vmem>>, vector<16xf32>,
      %swap3A_376 = arith.index_cast %scan3A_228 : i32 to index
      %swap3A_377 = arith.constant 784 : index
      %swap3A_378 = tpu.vector_load %arg6[%swap3A_376, %swap3A_377] {strides = array<i32>} : memref<40x1024xf32, #tpu.memory_space<vmem>>, vector<16xf32>,
      tpu.vector_store %arg6[%swap3A_376, %swap3A_377], %broadcast_in_dim3A_106 {strides = array<i32>} : memref<40x1024xf32, #tpu.memory_space<vmem>>, vector<16xf32>,
      %swap3A_379 = arith.index_cast %scan3A_228 : i32 to index
      %swap3A_380 = arith.constant 800 : index
      %swap3A_381 = tpu.vector_load %arg6[%swap3A_379, %swap3A_380] {strides = array<i32>} : memref<40x1024xf32, #tpu.memory_space<vmem>>, vector<16xf32>,
      tpu.vector_store %arg6[%swap3A_379, %swap3A_380], %broadcast_in_dim3A_106 {strides = array<i32>} : memref<40x1024xf32, #tpu.memory_space<vmem>>, vector<16xf32>,
      %swap3A_382 = arith.index_cast %scan3A_228 : i32 to index
      %swap3A_383 = arith.constant 816 : index
      %swap3A_384 = tpu.vector_load %arg6[%swap3A_382, %swap3A_383] {strides = array<i32>} : memref<40x1024xf32, #tpu.memory_space<vmem>>, vector<16xf32>,
      tpu.vector_store %arg6[%swap3A_382, %swap3A_383], %broadcast_in_dim3A_106 {strides = array<i32>} : memref<40x1024xf32, #tpu.memory_space<vmem>>, vector<16xf32>,
      %swap3A_385 = arith.index_cast %scan3A_228 : i32 to index
      %swap3A_386 = arith.constant 832 : index
      %swap3A_387 = tpu.vector_load %arg6[%swap3A_385, %swap3A_386] {strides = array<i32>} : memref<40x1024xf32, #tpu.memory_space<vmem>>, vector<16xf32>,
      tpu.vector_store %arg6[%swap3A_385, %swap3A_386], %broadcast_in_dim3A_106 {strides = array<i32>} : memref<40x1024xf32, #tpu.memory_space<vmem>>, vector<16xf32>,
      %swap3A_388 = arith.index_cast %scan3A_228 : i32 to index
      %swap3A_389 = arith.constant 848 : index
      %swap3A_390 = tpu.vector_load %arg6[%swap3A_388, %swap3A_389] {strides = array<i32>} : memref<40x1024xf32, #tpu.memory_space<vmem>>, vector<16xf32>,
      tpu.vector_store %arg6[%swap3A_388, %swap3A_389], %broadcast_in_dim3A_106 {strides = array<i32>} : memref<40x1024xf32, #tpu.memory_space<vmem>>, vector<16xf32>,
      %swap3A_391 = arith.index_cast %scan3A_228 : i32 to index
      %swap3A_392 = arith.constant 864 : index
      %swap3A_393 = tpu.vector_load %arg6[%swap3A_391, %swap3A_392] {strides = array<i32>} : memref<40x1024xf32, #tpu.memory_space<vmem>>, vector<16xf32>,
      tpu.vector_store %arg6[%swap3A_391, %swap3A_392], %broadcast_in_dim3A_106 {strides = array<i32>} : memref<40x1024xf32, #tpu.memory_space<vmem>>, vector<16xf32>,
      %swap3A_394 = arith.index_cast %scan3A_228 : i32 to index
      %swap3A_395 = arith.constant 880 : index
      %swap3A_396 = tpu.vector_load %arg6[%swap3A_394, %swap3A_395] {strides = array<i32>} : memref<40x1024xf32, #tpu.memory_space<vmem>>, vector<16xf32>,
      tpu.vector_store %arg6[%swap3A_394, %swap3A_395], %broadcast_in_dim3A_106 {strides = array<i32>} : memref<40x1024xf32, #tpu.memory_space<vmem>>, vector<16xf32>,
      %swap3A_397 = arith.index_cast %scan3A_228 : i32 to index
      %swap3A_398 = arith.constant 896 : index
      %swap3A_399 = tpu.vector_load %arg6[%swap3A_397, %swap3A_398] {strides = array<i32>} : memref<40x1024xf32, #tpu.memory_space<vmem>>, vector<16xf32>,
      tpu.vector_store %arg6[%swap3A_397, %swap3A_398], %broadcast_in_dim3A_106 {strides = array<i32>} : memref<40x1024xf32, #tpu.memory_space<vmem>>, vector<16xf32>,
      %swap3A_400 = arith.index_cast %scan3A_228 : i32 to index
      %swap3A_401 = arith.constant 912 : index
      %swap3A_402 = tpu.vector_load %arg6[%swap3A_400, %swap3A_401] {strides = array<i32>} : memref<40x1024xf32, #tpu.memory_space<vmem>>, vector<16xf32>,
      tpu.vector_store %arg6[%swap3A_400, %swap3A_401], %broadcast_in_dim3A_106 {strides = array<i32>} : memref<40x1024xf32, #tpu.memory_space<vmem>>, vector<16xf32>,
      %swap3A_403 = arith.index_cast %scan3A_228 : i32 to index
      %swap3A_404 = arith.constant 928 : index
      %swap3A_405 = tpu.vector_load %arg6[%swap3A_403, %swap3A_404] {strides = array<i32>} : memref<40x1024xf32, #tpu.memory_space<vmem>>, vector<16xf32>,
      tpu.vector_store %arg6[%swap3A_403, %swap3A_404], %broadcast_in_dim3A_106 {strides = array<i32>} : memref<40x1024xf32, #tpu.memory_space<vmem>>, vector<16xf32>,
      %swap3A_406 = arith.index_cast %scan3A_228 : i32 to index
      %swap3A_407 = arith.constant 944 : index
      %swap3A_408 = tpu.vector_load %arg6[%swap3A_406, %swap3A_407] {strides = array<i32>} : memref<40x1024xf32, #tpu.memory_space<vmem>>, vector<16xf32>,
      tpu.vector_store %arg6[%swap3A_406, %swap3A_407], %broadcast_in_dim3A_106 {strides = array<i32>} : memref<40x1024xf32, #tpu.memory_space<vmem>>, vector<16xf32>,
      %swap3A_409 = arith.index_cast %scan3A_228 : i32 to index
      %swap3A_410 = arith.constant 960 : index
      %swap3A_411 = tpu.vector_load %arg6[%swap3A_409, %swap3A_410] {strides = array<i32>} : memref<40x1024xf32, #tpu.memory_space<vmem>>, vector<16xf32>,
      tpu.vector_store %arg6[%swap3A_409, %swap3A_410], %broadcast_in_dim3A_106 {strides = array<i32>} : memref<40x1024xf32, #tpu.memory_space<vmem>>, vector<16xf32>,
      %swap3A_412 = arith.index_cast %scan3A_228 : i32 to index
      %swap3A_413 = arith.constant 976 : index
      %swap3A_414 = tpu.vector_load %arg6[%swap3A_412, %swap3A_413] {strides = array<i32>} : memref<40x1024xf32, #tpu.memory_space<vmem>>, vector<16xf32>,
      tpu.vector_store %arg6[%swap3A_412, %swap3A_413], %broadcast_in_dim3A_106 {strides = array<i32>} : memref<40x1024xf32, #tpu.memory_space<vmem>>, vector<16xf32>,
      %swap3A_415 = arith.index_cast %scan3A_228 : i32 to index
      %swap3A_416 = arith.constant 992 : index
      %swap3A_417 = tpu.vector_load %arg6[%swap3A_415, %swap3A_416] {strides = array<i32>} : memref<40x1024xf32, #tpu.memory_space<vmem>>, vector<16xf32>,
      tpu.vector_store %arg6[%swap3A_415, %swap3A_416], %broadcast_in_dim3A_106 {strides = array<i32>} : memref<40x1024xf32, #tpu.memory_space<vmem>>, vector<16xf32>,
      %swap3A_418 = arith.index_cast %scan3A_228 : i32 to index
      %swap3A_419 = arith.constant 1008 : index
      %swap3A_420 = tpu.vector_load %arg6[%swap3A_418, %swap3A_419] {strides = array<i32>} : memref<40x1024xf32, #tpu.memory_space<vmem>>, vector<16xf32>,
      tpu.vector_store %arg6[%swap3A_418, %swap3A_419], %broadcast_in_dim3A_106 {strides = array<i32>} : memref<40x1024xf32, #tpu.memory_space<vmem>>, vector<16xf32>,
      %scan3A_421 = arith.constant 0 : i32
      scf.yield %scan3A_421 : i32
    }
    %scan3A_121 = arith.constant 40 : i32
    %scan3A_122 = arith.constant 0 : i32
    %scan3A_123 = arith.constant 0 : i32
    %scan3A_124 = arith.constant 79 : i32
    %scan3A_125 = arith.addi %scan3A_123, %scan3A_124 : i32
    %scan3A_126 = arith.constant 1 : i32
    %scan3A_127 = scf.for %scan3A_228 = %scan3A_123 to %scan3A_125 step %scan3A_126 iter_args(%scan3A_229 = %scan3A_122) -> (i32)  : i32 {
      %mul3A_230 = arith.constant 2 : i32
      %mul3A_231 = arith.muli %mul3A_230, %scan3A_228 : i32
      %add3A_232 = arith.constant 0 : i32
      %add3A_233 = arith.addi %mul3A_231, %add3A_232 : i32
      %lt3A_234 = arith.cmpi slt, %add3A_233, %sub3A_47 : i32
      %convert_element_type3A_235 = arith.extui %lt3A_234 : i1 to i32
      %cond3A_236 = arith.constant 0 : i32
      %cond3A_237 = arith.cmpi ne, %convert_element_type3A_235, %cond3A_236 : i32
      scf.if %cond3A_237 {
        %add3A_247 = arith.addi %select_n3A, %add3A_233 : i32
        %ge3A = arith.constant 2 : i32
        %ge3A_248 = arith.cmpi sge, %add3A_233, %ge3A : i32
        %convert_element_type3A_249 = arith.extui %ge3A_248 : i1 to i32
        %cond3A_250 = arith.constant 0 : i32
        %cond3A_251 = arith.cmpi ne, %convert_element_type3A_249, %cond3A_250 : i32
        scf.if %cond3A_251 {
          %add3A_353 = arith.addi %select_n3A, %add3A_233 : i32
          %jit3A_354 = arith.constant 25 : i32
          %div3A_355 = arith.divsi %add3A_353, %jit3A_354 : i32
          %sign3A_356 = arith.constant 0 : i32
          %sign3A_357 = arith.cmpi sgt, %add3A_353, %sign3A_356 : i32
          %sign3A_358 = arith.extui %sign3A_357 : i1 to i32
          %sign3A_359 = arith.constant 0 : i32
          %sign3A_360 = arith.cmpi slt, %add3A_353, %sign3A_359 : i32
          %sign3A_361 = arith.extui %sign3A_360 : i1 to i32
          %sign3A_362 = arith.subi %sign3A_358, %sign3A_361 : i32
          %sign3A_363 = arith.constant 0 : i32
          %sign3A_364 = arith.cmpi sgt, %jit3A_354, %sign3A_363 : i32
          %sign3A_365 = arith.extui %sign3A_364 : i1 to i32
          %sign3A_366 = arith.constant 0 : i32
          %sign3A_367 = arith.cmpi slt, %jit3A_354, %sign3A_366 : i32
          %sign3A_368 = arith.extui %sign3A_367 : i1 to i32
          %sign3A_369 = arith.subi %sign3A_365, %sign3A_368 : i32
          %ne3A_370 = arith.cmpi ne, %sign3A_362, %sign3A_369 : i32
          %rem3A_371 = arith.remsi %add3A_353, %jit3A_354 : i32
          %ne3A_372 = arith.constant 0 : i32
          %ne3A_373 = arith.cmpi ne, %rem3A_371, %ne3A_372 : i32
          %and3A_374 = arith.andi %ne3A_370, %ne3A_373 : i1
          %sub3A_375 = arith.constant 1 : i32
          %sub3A_376 = arith.subi %div3A_355, %sub3A_375 : i32
          %select_n3A_377 = arith.select %and3A_374, %sub3A_376, %div3A_355 : i32
          %mul3A_378 = arith.constant 1000 : i32
          %mul3A_379 = arith.muli %select_n3A_377, %mul3A_378 : i32
          %jit3A_380 = arith.constant 25 : i32
          %eq3A_381 = arith.constant 0 : i32
          %eq3A_382 = arith.cmpi eq, %jit3A_380, %eq3A_381 : i32
          %jit3A_383 = arith.constant 1 : i32
          %select_n3A_384 = arith.select %eq3A_382, %jit3A_383, %jit3A_380 : i32
          %rem3A_385 = arith.remsi %add3A_353, %select_n3A_384 : i32
          %ne3A_386 = arith.constant 0 : i32
          %ne3A_387 = arith.cmpi ne, %rem3A_385, %ne3A_386 : i32
          %lt3A_388 = arith.constant 0 : i32
          %lt3A_389 = arith.cmpi slt, %rem3A_385, %lt3A_388 : i32
          %lt3A_390 = arith.constant 0 : i32
          %lt3A_391 = arith.cmpi slt, %select_n3A_384, %lt3A_390 : i32
          %ne3A_392 = arith.xori %lt3A_389, %lt3A_391 : i1
          %and3A_393 = arith.andi %ne3A_392, %ne3A_387 : i1
          %add3A_394 = arith.addi %rem3A_385, %select_n3A_384 : i32
          %select_n3A_395 = arith.select %and3A_393, %add3A_394, %rem3A_385 : i32
          %mul3A_396 = arith.constant 40 : i32
          %mul3A_397 = arith.muli %select_n3A_395, %mul3A_396 : i32
          %add3A_398 = arith.addi %mul3A_379, %mul3A_397 : i32
          %dma_wait3A_399 = arith.constant 0 : i32
          %dma_wait3A_400 = tpu.memref_slice %arg3[%add3A_398, %dma_wait3A_399] : memref<200000x1024xf32, #tpu.memory_space<hbm>> -> memref<40x1024xf32, #tpu.memory_space<hbm>>
          %dma_wait3A_401 = arith.constant 0 : i32
          %dma_wait3A_402 = tpu.memref_slice %arg3[%add3A_398, %dma_wait3A_401] : memref<200000x1024xf32, #tpu.memory_space<hbm>> -> memref<40x1024xf32, #tpu.memory_space<hbm>>
          tpu.wait_dma2 semaphore(%arg7 : memref<!tpu.dma_semaphore, #tpu.memory_space<semaphore_mem>>) src(%arg5 : memref<40x1024xf32, #tpu.memory_space<vmem>>) dst(%dma_wait3A_402 : memref<40x1024xf32, #tpu.memory_space<hbm>>)
          %sub3A_403 = arith.constant 2 : i32
          %sub3A_404 = arith.subi %add3A_247, %sub3A_403 : i32
          %jit3A_405 = arith.constant 25 : i32
          %div3A_406 = arith.divsi %sub3A_404, %jit3A_405 : i32
          %sign3A_407 = arith.constant 0 : i32
          %sign3A_408 = arith.cmpi sgt, %sub3A_404, %sign3A_407 : i32
          %sign3A_409 = arith.extui %sign3A_408 : i1 to i32
          %sign3A_410 = arith.constant 0 : i32
          %sign3A_411 = arith.cmpi slt, %sub3A_404, %sign3A_410 : i32
          %sign3A_412 = arith.extui %sign3A_411 : i1 to i32
          %sign3A_413 = arith.subi %sign3A_409, %sign3A_412 : i32
          %sign3A_414 = arith.constant 0 : i32
          %sign3A_415 = arith.cmpi sgt, %jit3A_405, %sign3A_414 : i32
          %sign3A_416 = arith.extui %sign3A_415 : i1 to i32
          %sign3A_417 = arith.constant 0 : i32
          %sign3A_418 = arith.cmpi slt, %jit3A_405, %sign3A_417 : i32
          %sign3A_419 = arith.extui %sign3A_418 : i1 to i32
          %sign3A_420 = arith.subi %sign3A_416, %sign3A_419 : i32
          %ne3A_421 = arith.cmpi ne, %sign3A_413, %sign3A_420 : i32
          %rem3A_422 = arith.remsi %sub3A_404, %jit3A_405 : i32
          %ne3A_423 = arith.constant 0 : i32
          %ne3A_424 = arith.cmpi ne, %rem3A_422, %ne3A_423 : i32
          %and3A_425 = arith.andi %ne3A_421, %ne3A_424 : i1
          %sub3A_426 = arith.constant 1 : i32
          %sub3A_427 = arith.subi %div3A_406, %sub3A_426 : i32
          %select_n3A_428 = arith.select %and3A_425, %sub3A_427, %div3A_406 : i32
          %sub3A_429 = arith.subi %select_n3A_428, %select_n3A_71 : i32
          %jit3A_430 = arith.constant 25 : i32
          %eq3A_431 = arith.constant 0 : i32
          %eq3A_432 = arith.cmpi eq, %jit3A_430, %eq3A_431 : i32
          %jit3A_433 = arith.constant 1 : i32
          %select_n3A_434 = arith.select %eq3A_432, %jit3A_433, %jit3A_430 : i32
          %rem3A_435 = arith.remsi %sub3A_404, %select_n3A_434 : i32
          %ne3A_436 = arith.constant 0 : i32
          %ne3A_437 = arith.cmpi ne, %rem3A_435, %ne3A_436 : i32
          %lt3A_438 = arith.constant 0 : i32
          %lt3A_439 = arith.cmpi slt, %rem3A_435, %lt3A_438 : i32
          %lt3A_440 = arith.constant 0 : i32
          %lt3A_441 = arith.cmpi slt, %select_n3A_434, %lt3A_440 : i32
          %ne3A_442 = arith.xori %lt3A_439, %lt3A_441 : i1
          %and3A_443 = arith.andi %ne3A_442, %ne3A_437 : i1
          %add3A_444 = arith.addi %rem3A_435, %select_n3A_434 : i32
          %select_n3A_445 = arith.select %and3A_443, %add3A_444, %rem3A_435 : i32
          %mul3A_446 = arith.constant 40 : i32
          %mul3A_447 = arith.muli %select_n3A_445, %mul3A_446 : i32
          %iota3A_448 = tpu.iota {dimensions = array<i32: 0>} : vector<16xi32>
          %mul3A_449 = arith.constant 1024 : i32
          %mul3A_450 = arith.muli %sub3A_429, %mul3A_449 : i32
          %scan3A_451 = arith.constant 0 : i32
          %scan3A_452 = arith.constant 0 : i32
          %scan3A_453 = arith.constant 8 : i32
          %scan3A_454 = arith.addi %scan3A_452, %scan3A_453 : i32
          %scan3A_455 = arith.constant 1 : i32
          %scan3A_456 = scf.for %scan3A_458 = %scan3A_452 to %scan3A_454 step %scan3A_455 iter_args(%scan3A_459 = %scan3A_451) -> (i32)  : i32 {
            %mul3A_460 = arith.constant 8 : i32
            %mul3A_461 = arith.muli %scan3A_458, %mul3A_460 : i32
            %add3A_462 = arith.constant 0 : i32
            %add3A_463 = arith.addi %mul3A_461, %add3A_462 : i32
            %mul3A_464 = arith.constant 16 : i32
            %mul3A_465 = arith.muli %add3A_463, %mul3A_464 : i32
            %add3A_466 = arith.addi %mul3A_450, %mul3A_465 : i32
            %get3A = arith.index_cast %add3A_466 : i32 to index
            %get3A_467 = tpu.vector_load %arg4[%get3A] {strides = array<i32>} : memref<8192xi32, #tpu.memory_space<vmem>>, vector<16xi32>,
            %sub3A_468 = vector.broadcast %mul3A_447 : i32 to vector<16xi32>
            %sub3A_469 = arith.subi %get3A_467, %sub3A_468 : vector<16xi32>
            %ge3A_470 = arith.constant 0 : i32
            %ge3A_471 = vector.broadcast %ge3A_470 : i32 to vector<16xi32>
            %ge3A_472 = arith.cmpi sge, %sub3A_469, %ge3A_471 : vector<16xi32>
            %lt3A_473 = arith.constant 40 : i32
            %lt3A_474 = vector.broadcast %lt3A_473 : i32 to vector<16xi32>
            %lt3A_475 = arith.cmpi slt, %sub3A_469, %lt3A_474 : vector<16xi32>
            %and3A_476 = arith.andi %ge3A_472, %lt3A_475 : vector<16xi1>
            %jit3A_477 = arith.constant 0 : i32
            %broadcast_in_dim3A_478 = vector.broadcast %jit3A_477 : i32 to vector<16xi32>
            %select_n3A_479 = arith.select %and3A_476, %sub3A_469, %broadcast_in_dim3A_478 : vector<16xi1>, vector<16xi32>
            %mul3A_480 = arith.constant 16 : i32
            %mul3A_481 = arith.muli %add3A_463, %mul3A_480 : i32
            %add3A_482 = vector.broadcast %mul3A_481 : i32 to vector<16xi32>
            %add3A_483 = arith.addi %iota3A_448, %add3A_482 : vector<16xi32>
            tpu.vector_store_idx %arg5[%select_n3A_479, %add3A_483], %broadcast_in_dim3A_106 masked %and3A_476 : memref<40x1024xf32, #tpu.memory_space<vmem>>[vector<16xi32>, vector<16xi32>], vector<16xf32>, vector<16xi1>
            %mul3A_484 = arith.constant 8 : i32
            %mul3A_485 = arith.muli %scan3A_458, %mul3A_484 : i32
            %add3A_486 = arith.constant 1 : i32
            %add3A_487 = arith.addi %mul3A_485, %add3A_486 : i32
            %mul3A_488 = arith.constant 16 : i32
            %mul3A_489 = arith.muli %add3A_487, %mul3A_488 : i32
            %add3A_490 = arith.addi %mul3A_450, %mul3A_489 : i32
            %get3A_491 = arith.index_cast %add3A_490 : i32 to index
            %get3A_492 = tpu.vector_load %arg4[%get3A_491] {strides = array<i32>} : memref<8192xi32, #tpu.memory_space<vmem>>, vector<16xi32>,
            %sub3A_493 = vector.broadcast %mul3A_447 : i32 to vector<16xi32>
            %sub3A_494 = arith.subi %get3A_492, %sub3A_493 : vector<16xi32>
            %ge3A_495 = arith.constant 0 : i32
            %ge3A_496 = vector.broadcast %ge3A_495 : i32 to vector<16xi32>
            %ge3A_497 = arith.cmpi sge, %sub3A_494, %ge3A_496 : vector<16xi32>
            %lt3A_498 = arith.constant 40 : i32
            %lt3A_499 = vector.broadcast %lt3A_498 : i32 to vector<16xi32>
            %lt3A_500 = arith.cmpi slt, %sub3A_494, %lt3A_499 : vector<16xi32>
            %and3A_501 = arith.andi %ge3A_497, %lt3A_500 : vector<16xi1>
            %jit3A_502 = arith.constant 0 : i32
            %broadcast_in_dim3A_503 = vector.broadcast %jit3A_502 : i32 to vector<16xi32>
            %select_n3A_504 = arith.select %and3A_501, %sub3A_494, %broadcast_in_dim3A_503 : vector<16xi1>, vector<16xi32>
            %mul3A_505 = arith.constant 16 : i32
            %mul3A_506 = arith.muli %add3A_487, %mul3A_505 : i32
            %add3A_507 = vector.broadcast %mul3A_506 : i32 to vector<16xi32>
            %add3A_508 = arith.addi %iota3A_448, %add3A_507 : vector<16xi32>
            tpu.vector_store_idx %arg5[%select_n3A_504, %add3A_508], %broadcast_in_dim3A_106 masked %and3A_501 : memref<40x1024xf32, #tpu.memory_space<vmem>>[vector<16xi32>, vector<16xi32>], vector<16xf32>, vector<16xi1>
            %mul3A_509 = arith.constant 8 : i32
            %mul3A_510 = arith.muli %scan3A_458, %mul3A_509 : i32
            %add3A_511 = arith.constant 2 : i32
            %add3A_512 = arith.addi %mul3A_510, %add3A_511 : i32
            %mul3A_513 = arith.constant 16 : i32
            %mul3A_514 = arith.muli %add3A_512, %mul3A_513 : i32
            %add3A_515 = arith.addi %mul3A_450, %mul3A_514 : i32
            %get3A_516 = arith.index_cast %add3A_515 : i32 to index
            %get3A_517 = tpu.vector_load %arg4[%get3A_516] {strides = array<i32>} : memref<8192xi32, #tpu.memory_space<vmem>>, vector<16xi32>,
            %sub3A_518 = vector.broadcast %mul3A_447 : i32 to vector<16xi32>
            %sub3A_519 = arith.subi %get3A_517, %sub3A_518 : vector<16xi32>
            %ge3A_520 = arith.constant 0 : i32
            %ge3A_521 = vector.broadcast %ge3A_520 : i32 to vector<16xi32>
            %ge3A_522 = arith.cmpi sge, %sub3A_519, %ge3A_521 : vector<16xi32>
            %lt3A_523 = arith.constant 40 : i32
            %lt3A_524 = vector.broadcast %lt3A_523 : i32 to vector<16xi32>
            %lt3A_525 = arith.cmpi slt, %sub3A_519, %lt3A_524 : vector<16xi32>
            %and3A_526 = arith.andi %ge3A_522, %lt3A_525 : vector<16xi1>
            %jit3A_527 = arith.constant 0 : i32
            %broadcast_in_dim3A_528 = vector.broadcast %jit3A_527 : i32 to vector<16xi32>
            %select_n3A_529 = arith.select %and3A_526, %sub3A_519, %broadcast_in_dim3A_528 : vector<16xi1>, vector<16xi32>
            %mul3A_530 = arith.constant 16 : i32
            %mul3A_531 = arith.muli %add3A_512, %mul3A_530 : i32
            %add3A_532 = vector.broadcast %mul3A_531 : i32 to vector<16xi32>
            %add3A_533 = arith.addi %iota3A_448, %add3A_532 : vector<16xi32>
            tpu.vector_store_idx %arg5[%select_n3A_529, %add3A_533], %broadcast_in_dim3A_106 masked %and3A_526 : memref<40x1024xf32, #tpu.memory_space<vmem>>[vector<16xi32>, vector<16xi32>], vector<16xf32>, vector<16xi1>
            %mul3A_534 = arith.constant 8 : i32
            %mul3A_535 = arith.muli %scan3A_458, %mul3A_534 : i32
            %add3A_536 = arith.constant 3 : i32
            %add3A_537 = arith.addi %mul3A_535, %add3A_536 : i32
            %mul3A_538 = arith.constant 16 : i32
            %mul3A_539 = arith.muli %add3A_537, %mul3A_538 : i32
            %add3A_540 = arith.addi %mul3A_450, %mul3A_539 : i32
            %get3A_541 = arith.index_cast %add3A_540 : i32 to index
            %get3A_542 = tpu.vector_load %arg4[%get3A_541] {strides = array<i32>} : memref<8192xi32, #tpu.memory_space<vmem>>, vector<16xi32>,
            %sub3A_543 = vector.broadcast %mul3A_447 : i32 to vector<16xi32>
            %sub3A_544 = arith.subi %get3A_542, %sub3A_543 : vector<16xi32>
            %ge3A_545 = arith.constant 0 : i32
            %ge3A_546 = vector.broadcast %ge3A_545 : i32 to vector<16xi32>
            %ge3A_547 = arith.cmpi sge, %sub3A_544, %ge3A_546 : vector<16xi32>
            %lt3A_548 = arith.constant 40 : i32
            %lt3A_549 = vector.broadcast %lt3A_548 : i32 to vector<16xi32>
            %lt3A_550 = arith.cmpi slt, %sub3A_544, %lt3A_549 : vector<16xi32>
            %and3A_551 = arith.andi %ge3A_547, %lt3A_550 : vector<16xi1>
            %jit3A_552 = arith.constant 0 : i32
            %broadcast_in_dim3A_553 = vector.broadcast %jit3A_552 : i32 to vector<16xi32>
            %select_n3A_554 = arith.select %and3A_551, %sub3A_544, %broadcast_in_dim3A_553 : vector<16xi1>, vector<16xi32>
            %mul3A_555 = arith.constant 16 : i32
            %mul3A_556 = arith.muli %add3A_537, %mul3A_555 : i32
            %add3A_557 = vector.broadcast %mul3A_556 : i32 to vector<16xi32>
            %add3A_558 = arith.addi %iota3A_448, %add3A_557 : vector<16xi32>
            tpu.vector_store_idx %arg5[%select_n3A_554, %add3A_558], %broadcast_in_dim3A_106 masked %and3A_551 : memref<40x1024xf32, #tpu.memory_space<vmem>>[vector<16xi32>, vector<16xi32>], vector<16xf32>, vector<16xi1>
            %mul3A_559 = arith.constant 8 : i32
            %mul3A_560 = arith.muli %scan3A_458, %mul3A_559 : i32
            %add3A_561 = arith.constant 4 : i32
            %add3A_562 = arith.addi %mul3A_560, %add3A_561 : i32
            %mul3A_563 = arith.constant 16 : i32
            %mul3A_564 = arith.muli %add3A_562, %mul3A_563 : i32
            %add3A_565 = arith.addi %mul3A_450, %mul3A_564 : i32
            %get3A_566 = arith.index_cast %add3A_565 : i32 to index
            %get3A_567 = tpu.vector_load %arg4[%get3A_566] {strides = array<i32>} : memref<8192xi32, #tpu.memory_space<vmem>>, vector<16xi32>,
            %sub3A_568 = vector.broadcast %mul3A_447 : i32 to vector<16xi32>
            %sub3A_569 = arith.subi %get3A_567, %sub3A_568 : vector<16xi32>
            %ge3A_570 = arith.constant 0 : i32
            %ge3A_571 = vector.broadcast %ge3A_570 : i32 to vector<16xi32>
            %ge3A_572 = arith.cmpi sge, %sub3A_569, %ge3A_571 : vector<16xi32>
            %lt3A_573 = arith.constant 40 : i32
            %lt3A_574 = vector.broadcast %lt3A_573 : i32 to vector<16xi32>
            %lt3A_575 = arith.cmpi slt, %sub3A_569, %lt3A_574 : vector<16xi32>
            %and3A_576 = arith.andi %ge3A_572, %lt3A_575 : vector<16xi1>
            %jit3A_577 = arith.constant 0 : i32
            %broadcast_in_dim3A_578 = vector.broadcast %jit3A_577 : i32 to vector<16xi32>
            %select_n3A_579 = arith.select %and3A_576, %sub3A_569, %broadcast_in_dim3A_578 : vector<16xi1>, vector<16xi32>
            %mul3A_580 = arith.constant 16 : i32
            %mul3A_581 = arith.muli %add3A_562, %mul3A_580 : i32
            %add3A_582 = vector.broadcast %mul3A_581 : i32 to vector<16xi32>
            %add3A_583 = arith.addi %iota3A_448, %add3A_582 : vector<16xi32>
            tpu.vector_store_idx %arg5[%select_n3A_579, %add3A_583], %broadcast_in_dim3A_106 masked %and3A_576 : memref<40x1024xf32, #tpu.memory_space<vmem>>[vector<16xi32>, vector<16xi32>], vector<16xf32>, vector<16xi1>
            %mul3A_584 = arith.constant 8 : i32
            %mul3A_585 = arith.muli %scan3A_458, %mul3A_584 : i32
            %add3A_586 = arith.constant 5 : i32
            %add3A_587 = arith.addi %mul3A_585, %add3A_586 : i32
            %mul3A_588 = arith.constant 16 : i32
            %mul3A_589 = arith.muli %add3A_587, %mul3A_588 : i32
            %add3A_590 = arith.addi %mul3A_450, %mul3A_589 : i32
            %get3A_591 = arith.index_cast %add3A_590 : i32 to index
            %get3A_592 = tpu.vector_load %arg4[%get3A_591] {strides = array<i32>} : memref<8192xi32, #tpu.memory_space<vmem>>, vector<16xi32>,
            %sub3A_593 = vector.broadcast %mul3A_447 : i32 to vector<16xi32>
            %sub3A_594 = arith.subi %get3A_592, %sub3A_593 : vector<16xi32>
            %ge3A_595 = arith.constant 0 : i32
            %ge3A_596 = vector.broadcast %ge3A_595 : i32 to vector<16xi32>
            %ge3A_597 = arith.cmpi sge, %sub3A_594, %ge3A_596 : vector<16xi32>
            %lt3A_598 = arith.constant 40 : i32
            %lt3A_599 = vector.broadcast %lt3A_598 : i32 to vector<16xi32>
            %lt3A_600 = arith.cmpi slt, %sub3A_594, %lt3A_599 : vector<16xi32>
            %and3A_601 = arith.andi %ge3A_597, %lt3A_600 : vector<16xi1>
            %jit3A_602 = arith.constant 0 : i32
            %broadcast_in_dim3A_603 = vector.broadcast %jit3A_602 : i32 to vector<16xi32>
            %select_n3A_604 = arith.select %and3A_601, %sub3A_594, %broadcast_in_dim3A_603 : vector<16xi1>, vector<16xi32>
            %mul3A_605 = arith.constant 16 : i32
            %mul3A_606 = arith.muli %add3A_587, %mul3A_605 : i32
            %add3A_607 = vector.broadcast %mul3A_606 : i32 to vector<16xi32>
            %add3A_608 = arith.addi %iota3A_448, %add3A_607 : vector<16xi32>
            tpu.vector_store_idx %arg5[%select_n3A_604, %add3A_608], %broadcast_in_dim3A_106 masked %and3A_601 : memref<40x1024xf32, #tpu.memory_space<vmem>>[vector<16xi32>, vector<16xi32>], vector<16xf32>, vector<16xi1>
            %mul3A_609 = arith.constant 8 : i32
            %mul3A_610 = arith.muli %scan3A_458, %mul3A_609 : i32
            %add3A_611 = arith.constant 6 : i32
            %add3A_612 = arith.addi %mul3A_610, %add3A_611 : i32
            %mul3A_613 = arith.constant 16 : i32
            %mul3A_614 = arith.muli %add3A_612, %mul3A_613 : i32
            %add3A_615 = arith.addi %mul3A_450, %mul3A_614 : i32
            %get3A_616 = arith.index_cast %add3A_615 : i32 to index
            %get3A_617 = tpu.vector_load %arg4[%get3A_616] {strides = array<i32>} : memref<8192xi32, #tpu.memory_space<vmem>>, vector<16xi32>,
            %sub3A_618 = vector.broadcast %mul3A_447 : i32 to vector<16xi32>
            %sub3A_619 = arith.subi %get3A_617, %sub3A_618 : vector<16xi32>
            %ge3A_620 = arith.constant 0 : i32
            %ge3A_621 = vector.broadcast %ge3A_620 : i32 to vector<16xi32>
            %ge3A_622 = arith.cmpi sge, %sub3A_619, %ge3A_621 : vector<16xi32>
            %lt3A_623 = arith.constant 40 : i32
            %lt3A_624 = vector.broadcast %lt3A_623 : i32 to vector<16xi32>
            %lt3A_625 = arith.cmpi slt, %sub3A_619, %lt3A_624 : vector<16xi32>
            %and3A_626 = arith.andi %ge3A_622, %lt3A_625 : vector<16xi1>
            %jit3A_627 = arith.constant 0 : i32
            %broadcast_in_dim3A_628 = vector.broadcast %jit3A_627 : i32 to vector<16xi32>
            %select_n3A_629 = arith.select %and3A_626, %sub3A_619, %broadcast_in_dim3A_628 : vector<16xi1>, vector<16xi32>
            %mul3A_630 = arith.constant 16 : i32
            %mul3A_631 = arith.muli %add3A_612, %mul3A_630 : i32
            %add3A_632 = vector.broadcast %mul3A_631 : i32 to vector<16xi32>
            %add3A_633 = arith.addi %iota3A_448, %add3A_632 : vector<16xi32>
            tpu.vector_store_idx %arg5[%select_n3A_629, %add3A_633], %broadcast_in_dim3A_106 masked %and3A_626 : memref<40x1024xf32, #tpu.memory_space<vmem>>[vector<16xi32>, vector<16xi32>], vector<16xf32>, vector<16xi1>
            %mul3A_634 = arith.constant 8 : i32
            %mul3A_635 = arith.muli %scan3A_458, %mul3A_634 : i32
            %add3A_636 = arith.constant 7 : i32
            %add3A_637 = arith.addi %mul3A_635, %add3A_636 : i32
            %mul3A_638 = arith.constant 16 : i32
            %mul3A_639 = arith.muli %add3A_637, %mul3A_638 : i32
            %add3A_640 = arith.addi %mul3A_450, %mul3A_639 : i32
            %get3A_641 = arith.index_cast %add3A_640 : i32 to index
            %get3A_642 = tpu.vector_load %arg4[%get3A_641] {strides = array<i32>} : memref<8192xi32, #tpu.memory_space<vmem>>, vector<16xi32>,
            %sub3A_643 = vector.broadcast %mul3A_447 : i32 to vector<16xi32>
            %sub3A_644 = arith.subi %get3A_642, %sub3A_643 : vector<16xi32>
            %ge3A_645 = arith.constant 0 : i32
            %ge3A_646 = vector.broadcast %ge3A_645 : i32 to vector<16xi32>
            %ge3A_647 = arith.cmpi sge, %sub3A_644, %ge3A_646 : vector<16xi32>
            %lt3A_648 = arith.constant 40 : i32
            %lt3A_649 = vector.broadcast %lt3A_648 : i32 to vector<16xi32>
            %lt3A_650 = arith.cmpi slt, %sub3A_644, %lt3A_649 : vector<16xi32>
            %and3A_651 = arith.andi %ge3A_647, %lt3A_650 : vector<16xi1>
            %jit3A_652 = arith.constant 0 : i32
            %broadcast_in_dim3A_653 = vector.broadcast %jit3A_652 : i32 to vector<16xi32>
            %select_n3A_654 = arith.select %and3A_651, %sub3A_644, %broadcast_in_dim3A_653 : vector<16xi1>, vector<16xi32>
            %mul3A_655 = arith.constant 16 : i32
            %mul3A_656 = arith.muli %add3A_637, %mul3A_655 : i32
            %add3A_657 = vector.broadcast %mul3A_656 : i32 to vector<16xi32>
            %add3A_658 = arith.addi %iota3A_448, %add3A_657 : vector<16xi32>
            tpu.vector_store_idx %arg5[%select_n3A_654, %add3A_658], %broadcast_in_dim3A_106 masked %and3A_651 : memref<40x1024xf32, #tpu.memory_space<vmem>>[vector<16xi32>, vector<16xi32>], vector<16xf32>, vector<16xi1>
            %scan3A_659 = arith.constant 0 : i32
            scf.yield %scan3A_659 : i32
          }
          %scan3A_457 = arith.constant 8 : i32
        } else {
        }
        %jit3A_252 = arith.constant 25 : i32
        %div3A_253 = arith.divsi %add3A_247, %jit3A_252 : i32
        %sign3A_254 = arith.constant 0 : i32
        %sign3A_255 = arith.cmpi sgt, %add3A_247, %sign3A_254 : i32
        %sign3A_256 = arith.extui %sign3A_255 : i1 to i32
        %sign3A_257 = arith.constant 0 : i32
        %sign3A_258 = arith.cmpi slt, %add3A_247, %sign3A_257 : i32
        %sign3A_259 = arith.extui %sign3A_258 : i1 to i32
        %sign3A_260 = arith.subi %sign3A_256, %sign3A_259 : i32
        %sign3A_261 = arith.constant 0 : i32
        %sign3A_262 = arith.cmpi sgt, %jit3A_252, %sign3A_261 : i32
        %sign3A_263 = arith.extui %sign3A_262 : i1 to i32
        %sign3A_264 = arith.constant 0 : i32
        %sign3A_265 = arith.cmpi slt, %jit3A_252, %sign3A_264 : i32
        %sign3A_266 = arith.extui %sign3A_265 : i1 to i32
        %sign3A_267 = arith.subi %sign3A_263, %sign3A_266 : i32
        %ne3A_268 = arith.cmpi ne, %sign3A_260, %sign3A_267 : i32
        %rem3A_269 = arith.remsi %add3A_247, %jit3A_252 : i32
        %ne3A_270 = arith.constant 0 : i32
        %ne3A_271 = arith.cmpi ne, %rem3A_269, %ne3A_270 : i32
        %and3A_272 = arith.andi %ne3A_268, %ne3A_271 : i1
        %sub3A_273 = arith.constant 1 : i32
        %sub3A_274 = arith.subi %div3A_253, %sub3A_273 : i32
        %select_n3A_275 = arith.select %and3A_272, %sub3A_274, %div3A_253 : i32
        %sub3A_276 = arith.subi %select_n3A_275, %select_n3A_71 : i32
        %jit3A_277 = arith.constant 25 : i32
        %eq3A_278 = arith.constant 0 : i32
        %eq3A_279 = arith.cmpi eq, %jit3A_277, %eq3A_278 : i32
        %jit3A_280 = arith.constant 1 : i32
        %select_n3A_281 = arith.select %eq3A_279, %jit3A_280, %jit3A_277 : i32
        %rem3A_282 = arith.remsi %add3A_247, %select_n3A_281 : i32
        %ne3A_283 = arith.constant 0 : i32
        %ne3A_284 = arith.cmpi ne, %rem3A_282, %ne3A_283 : i32
        %lt3A_285 = arith.constant 0 : i32
        %lt3A_286 = arith.cmpi slt, %rem3A_282, %lt3A_285 : i32
        %lt3A_287 = arith.constant 0 : i32
        %lt3A_288 = arith.cmpi slt, %select_n3A_281, %lt3A_287 : i32
        %ne3A_289 = arith.xori %lt3A_286, %lt3A_288 : i1
        %and3A_290 = arith.andi %ne3A_289, %ne3A_284 : i1
        %add3A_291 = arith.addi %rem3A_282, %select_n3A_281 : i32
        %select_n3A_292 = arith.select %and3A_290, %add3A_291, %rem3A_282 : i32
        %mul3A_293 = arith.constant 40 : i32
        %mul3A_294 = arith.muli %select_n3A_292, %mul3A_293 : i32
        %iota3A = tpu.iota {dimensions = array<i32: 0>} : vector<16xi32>
        %mul3A_295 = arith.constant 1024 : i32
        %mul3A_296 = arith.muli %sub3A_276, %mul3A_295 : i32
        %scan3A_297 = arith.constant 0 : i32
        %scan3A_298 = arith.constant 0 : i32
        %scan3A_299 = arith.constant 8 : i32
        %scan3A_300 = arith.addi %scan3A_298, %scan3A_299 : i32
        %scan3A_301 = arith.constant 1 : i32
        %scan3A_302 = scf.for %scan3A_353 = %scan3A_298 to %scan3A_300 step %scan3A_301 iter_args(%scan3A_354 = %scan3A_297) -> (i32)  : i32 {
          %mul3A_355 = arith.constant 8 : i32
          %mul3A_356 = arith.muli %scan3A_353, %mul3A_355 : i32
          %add3A_357 = arith.constant 0 : i32
          %add3A_358 = arith.addi %mul3A_356, %add3A_357 : i32
          %mul3A_359 = arith.constant 16 : i32
          %mul3A_360 = arith.muli %add3A_358, %mul3A_359 : i32
          %add3A_361 = arith.addi %mul3A_296, %mul3A_360 : i32
          %get3A = arith.index_cast %add3A_361 : i32 to index
          %get3A_362 = tpu.vector_load %arg4[%get3A] {strides = array<i32>} : memref<8192xi32, #tpu.memory_space<vmem>>, vector<16xi32>,
          %sub3A_363 = vector.broadcast %mul3A_294 : i32 to vector<16xi32>
          %sub3A_364 = arith.subi %get3A_362, %sub3A_363 : vector<16xi32>
          %ge3A_365 = arith.constant 0 : i32
          %ge3A_366 = vector.broadcast %ge3A_365 : i32 to vector<16xi32>
          %ge3A_367 = arith.cmpi sge, %sub3A_364, %ge3A_366 : vector<16xi32>
          %lt3A_368 = arith.constant 40 : i32
          %lt3A_369 = vector.broadcast %lt3A_368 : i32 to vector<16xi32>
          %lt3A_370 = arith.cmpi slt, %sub3A_364, %lt3A_369 : vector<16xi32>
          %and3A_371 = arith.andi %ge3A_367, %lt3A_370 : vector<16xi1>
          %jit3A_372 = arith.constant 0 : i32
          %broadcast_in_dim3A_373 = vector.broadcast %jit3A_372 : i32 to vector<16xi32>
          %select_n3A_374 = arith.select %and3A_371, %sub3A_364, %broadcast_in_dim3A_373 : vector<16xi1>, vector<16xi32>
          %mul3A_375 = arith.constant 16 : i32
          %mul3A_376 = arith.muli %add3A_358, %mul3A_375 : i32
          %add3A_377 = vector.broadcast %mul3A_376 : i32 to vector<16xi32>
          %add3A_378 = arith.addi %iota3A, %add3A_377 : vector<16xi32>
          tpu.vector_store_idx %arg5[%select_n3A_374, %add3A_378], %broadcast_in_dim3A_108 masked %and3A_371 : memref<40x1024xf32, #tpu.memory_space<vmem>>[vector<16xi32>, vector<16xi32>], vector<16xf32>, vector<16xi1>
          %mul3A_379 = arith.constant 8 : i32
          %mul3A_380 = arith.muli %scan3A_353, %mul3A_379 : i32
          %add3A_381 = arith.constant 1 : i32
          %add3A_382 = arith.addi %mul3A_380, %add3A_381 : i32
          %mul3A_383 = arith.constant 16 : i32
          %mul3A_384 = arith.muli %add3A_382, %mul3A_383 : i32
          %add3A_385 = arith.addi %mul3A_296, %mul3A_384 : i32
          %get3A_386 = arith.index_cast %add3A_385 : i32 to index
          %get3A_387 = tpu.vector_load %arg4[%get3A_386] {strides = array<i32>} : memref<8192xi32, #tpu.memory_space<vmem>>, vector<16xi32>,
          %sub3A_388 = vector.broadcast %mul3A_294 : i32 to vector<16xi32>
          %sub3A_389 = arith.subi %get3A_387, %sub3A_388 : vector<16xi32>
          %ge3A_390 = arith.constant 0 : i32
          %ge3A_391 = vector.broadcast %ge3A_390 : i32 to vector<16xi32>
          %ge3A_392 = arith.cmpi sge, %sub3A_389, %ge3A_391 : vector<16xi32>
          %lt3A_393 = arith.constant 40 : i32
          %lt3A_394 = vector.broadcast %lt3A_393 : i32 to vector<16xi32>
          %lt3A_395 = arith.cmpi slt, %sub3A_389, %lt3A_394 : vector<16xi32>
          %and3A_396 = arith.andi %ge3A_392, %lt3A_395 : vector<16xi1>
          %jit3A_397 = arith.constant 0 : i32
          %broadcast_in_dim3A_398 = vector.broadcast %jit3A_397 : i32 to vector<16xi32>
          %select_n3A_399 = arith.select %and3A_396, %sub3A_389, %broadcast_in_dim3A_398 : vector<16xi1>, vector<16xi32>
          %mul3A_400 = arith.constant 16 : i32
          %mul3A_401 = arith.muli %add3A_382, %mul3A_400 : i32
          %add3A_402 = vector.broadcast %mul3A_401 : i32 to vector<16xi32>
          %add3A_403 = arith.addi %iota3A, %add3A_402 : vector<16xi32>
          tpu.vector_store_idx %arg5[%select_n3A_399, %add3A_403], %broadcast_in_dim3A_108 masked %and3A_396 : memref<40x1024xf32, #tpu.memory_space<vmem>>[vector<16xi32>, vector<16xi32>], vector<16xf32>, vector<16xi1>
          %mul3A_404 = arith.constant 8 : i32
          %mul3A_405 = arith.muli %scan3A_353, %mul3A_404 : i32
          %add3A_406 = arith.constant 2 : i32
          %add3A_407 = arith.addi %mul3A_405, %add3A_406 : i32
          %mul3A_408 = arith.constant 16 : i32
          %mul3A_409 = arith.muli %add3A_407, %mul3A_408 : i32
          %add3A_410 = arith.addi %mul3A_296, %mul3A_409 : i32
          %get3A_411 = arith.index_cast %add3A_410 : i32 to index
          %get3A_412 = tpu.vector_load %arg4[%get3A_411] {strides = array<i32>} : memref<8192xi32, #tpu.memory_space<vmem>>, vector<16xi32>,
          %sub3A_413 = vector.broadcast %mul3A_294 : i32 to vector<16xi32>
          %sub3A_414 = arith.subi %get3A_412, %sub3A_413 : vector<16xi32>
          %ge3A_415 = arith.constant 0 : i32
          %ge3A_416 = vector.broadcast %ge3A_415 : i32 to vector<16xi32>
          %ge3A_417 = arith.cmpi sge, %sub3A_414, %ge3A_416 : vector<16xi32>
          %lt3A_418 = arith.constant 40 : i32
          %lt3A_419 = vector.broadcast %lt3A_418 : i32 to vector<16xi32>
          %lt3A_420 = arith.cmpi slt, %sub3A_414, %lt3A_419 : vector<16xi32>
          %and3A_421 = arith.andi %ge3A_417, %lt3A_420 : vector<16xi1>
          %jit3A_422 = arith.constant 0 : i32
          %broadcast_in_dim3A_423 = vector.broadcast %jit3A_422 : i32 to vector<16xi32>
          %select_n3A_424 = arith.select %and3A_421, %sub3A_414, %broadcast_in_dim3A_423 : vector<16xi1>, vector<16xi32>
          %mul3A_425 = arith.constant 16 : i32
          %mul3A_426 = arith.muli %add3A_407, %mul3A_425 : i32
          %add3A_427 = vector.broadcast %mul3A_426 : i32 to vector<16xi32>
          %add3A_428 = arith.addi %iota3A, %add3A_427 : vector<16xi32>
          tpu.vector_store_idx %arg5[%select_n3A_424, %add3A_428], %broadcast_in_dim3A_108 masked %and3A_421 : memref<40x1024xf32, #tpu.memory_space<vmem>>[vector<16xi32>, vector<16xi32>], vector<16xf32>, vector<16xi1>
          %mul3A_429 = arith.constant 8 : i32
          %mul3A_430 = arith.muli %scan3A_353, %mul3A_429 : i32
          %add3A_431 = arith.constant 3 : i32
          %add3A_432 = arith.addi %mul3A_430, %add3A_431 : i32
          %mul3A_433 = arith.constant 16 : i32
          %mul3A_434 = arith.muli %add3A_432, %mul3A_433 : i32
          %add3A_435 = arith.addi %mul3A_296, %mul3A_434 : i32
          %get3A_436 = arith.index_cast %add3A_435 : i32 to index
          %get3A_437 = tpu.vector_load %arg4[%get3A_436] {strides = array<i32>} : memref<8192xi32, #tpu.memory_space<vmem>>, vector<16xi32>,
          %sub3A_438 = vector.broadcast %mul3A_294 : i32 to vector<16xi32>
          %sub3A_439 = arith.subi %get3A_437, %sub3A_438 : vector<16xi32>
          %ge3A_440 = arith.constant 0 : i32
          %ge3A_441 = vector.broadcast %ge3A_440 : i32 to vector<16xi32>
          %ge3A_442 = arith.cmpi sge, %sub3A_439, %ge3A_441 : vector<16xi32>
          %lt3A_443 = arith.constant 40 : i32
          %lt3A_444 = vector.broadcast %lt3A_443 : i32 to vector<16xi32>
          %lt3A_445 = arith.cmpi slt, %sub3A_439, %lt3A_444 : vector<16xi32>
          %and3A_446 = arith.andi %ge3A_442, %lt3A_445 : vector<16xi1>
          %jit3A_447 = arith.constant 0 : i32
          %broadcast_in_dim3A_448 = vector.broadcast %jit3A_447 : i32 to vector<16xi32>
          %select_n3A_449 = arith.select %and3A_446, %sub3A_439, %broadcast_in_dim3A_448 : vector<16xi1>, vector<16xi32>
          %mul3A_450 = arith.constant 16 : i32
          %mul3A_451 = arith.muli %add3A_432, %mul3A_450 : i32
          %add3A_452 = vector.broadcast %mul3A_451 : i32 to vector<16xi32>
          %add3A_453 = arith.addi %iota3A, %add3A_452 : vector<16xi32>
          tpu.vector_store_idx %arg5[%select_n3A_449, %add3A_453], %broadcast_in_dim3A_108 masked %and3A_446 : memref<40x1024xf32, #tpu.memory_space<vmem>>[vector<16xi32>, vector<16xi32>], vector<16xf32>, vector<16xi1>
          %mul3A_454 = arith.constant 8 : i32
          %mul3A_455 = arith.muli %scan3A_353, %mul3A_454 : i32
          %add3A_456 = arith.constant 4 : i32
          %add3A_457 = arith.addi %mul3A_455, %add3A_456 : i32
          %mul3A_458 = arith.constant 16 : i32
          %mul3A_459 = arith.muli %add3A_457, %mul3A_458 : i32
          %add3A_460 = arith.addi %mul3A_296, %mul3A_459 : i32
          %get3A_461 = arith.index_cast %add3A_460 : i32 to index
          %get3A_462 = tpu.vector_load %arg4[%get3A_461] {strides = array<i32>} : memref<8192xi32, #tpu.memory_space<vmem>>, vector<16xi32>,
          %sub3A_463 = vector.broadcast %mul3A_294 : i32 to vector<16xi32>
          %sub3A_464 = arith.subi %get3A_462, %sub3A_463 : vector<16xi32>
          %ge3A_465 = arith.constant 0 : i32
          %ge3A_466 = vector.broadcast %ge3A_465 : i32 to vector<16xi32>
          %ge3A_467 = arith.cmpi sge, %sub3A_464, %ge3A_466 : vector<16xi32>
          %lt3A_468 = arith.constant 40 : i32
          %lt3A_469 = vector.broadcast %lt3A_468 : i32 to vector<16xi32>
          %lt3A_470 = arith.cmpi slt, %sub3A_464, %lt3A_469 : vector<16xi32>
          %and3A_471 = arith.andi %ge3A_467, %lt3A_470 : vector<16xi1>
          %jit3A_472 = arith.constant 0 : i32
          %broadcast_in_dim3A_473 = vector.broadcast %jit3A_472 : i32 to vector<16xi32>
          %select_n3A_474 = arith.select %and3A_471, %sub3A_464, %broadcast_in_dim3A_473 : vector<16xi1>, vector<16xi32>
          %mul3A_475 = arith.constant 16 : i32
          %mul3A_476 = arith.muli %add3A_457, %mul3A_475 : i32
          %add3A_477 = vector.broadcast %mul3A_476 : i32 to vector<16xi32>
          %add3A_478 = arith.addi %iota3A, %add3A_477 : vector<16xi32>
          tpu.vector_store_idx %arg5[%select_n3A_474, %add3A_478], %broadcast_in_dim3A_108 masked %and3A_471 : memref<40x1024xf32, #tpu.memory_space<vmem>>[vector<16xi32>, vector<16xi32>], vector<16xf32>, vector<16xi1>
          %mul3A_479 = arith.constant 8 : i32
          %mul3A_480 = arith.muli %scan3A_353, %mul3A_479 : i32
          %add3A_481 = arith.constant 5 : i32
          %add3A_482 = arith.addi %mul3A_480, %add3A_481 : i32
          %mul3A_483 = arith.constant 16 : i32
          %mul3A_484 = arith.muli %add3A_482, %mul3A_483 : i32
          %add3A_485 = arith.addi %mul3A_296, %mul3A_484 : i32
          %get3A_486 = arith.index_cast %add3A_485 : i32 to index
          %get3A_487 = tpu.vector_load %arg4[%get3A_486] {strides = array<i32>} : memref<8192xi32, #tpu.memory_space<vmem>>, vector<16xi32>,
          %sub3A_488 = vector.broadcast %mul3A_294 : i32 to vector<16xi32>
          %sub3A_489 = arith.subi %get3A_487, %sub3A_488 : vector<16xi32>
          %ge3A_490 = arith.constant 0 : i32
          %ge3A_491 = vector.broadcast %ge3A_490 : i32 to vector<16xi32>
          %ge3A_492 = arith.cmpi sge, %sub3A_489, %ge3A_491 : vector<16xi32>
          %lt3A_493 = arith.constant 40 : i32
          %lt3A_494 = vector.broadcast %lt3A_493 : i32 to vector<16xi32>
          %lt3A_495 = arith.cmpi slt, %sub3A_489, %lt3A_494 : vector<16xi32>
          %and3A_496 = arith.andi %ge3A_492, %lt3A_495 : vector<16xi1>
          %jit3A_497 = arith.constant 0 : i32
          %broadcast_in_dim3A_498 = vector.broadcast %jit3A_497 : i32 to vector<16xi32>
          %select_n3A_499 = arith.select %and3A_496, %sub3A_489, %broadcast_in_dim3A_498 : vector<16xi1>, vector<16xi32>
          %mul3A_500 = arith.constant 16 : i32
          %mul3A_501 = arith.muli %add3A_482, %mul3A_500 : i32
          %add3A_502 = vector.broadcast %mul3A_501 : i32 to vector<16xi32>
          %add3A_503 = arith.addi %iota3A, %add3A_502 : vector<16xi32>
          tpu.vector_store_idx %arg5[%select_n3A_499, %add3A_503], %broadcast_in_dim3A_108 masked %and3A_496 : memref<40x1024xf32, #tpu.memory_space<vmem>>[vector<16xi32>, vector<16xi32>], vector<16xf32>, vector<16xi1>
          %mul3A_504 = arith.constant 8 : i32
          %mul3A_505 = arith.muli %scan3A_353, %mul3A_504 : i32
          %add3A_506 = arith.constant 6 : i32
          %add3A_507 = arith.addi %mul3A_505, %add3A_506 : i32
          %mul3A_508 = arith.constant 16 : i32
          %mul3A_509 = arith.muli %add3A_507, %mul3A_508 : i32
          %add3A_510 = arith.addi %mul3A_296, %mul3A_509 : i32
          %get3A_511 = arith.index_cast %add3A_510 : i32 to index
          %get3A_512 = tpu.vector_load %arg4[%get3A_511] {strides = array<i32>} : memref<8192xi32, #tpu.memory_space<vmem>>, vector<16xi32>,
          %sub3A_513 = vector.broadcast %mul3A_294 : i32 to vector<16xi32>
          %sub3A_514 = arith.subi %get3A_512, %sub3A_513 : vector<16xi32>
          %ge3A_515 = arith.constant 0 : i32
          %ge3A_516 = vector.broadcast %ge3A_515 : i32 to vector<16xi32>
          %ge3A_517 = arith.cmpi sge, %sub3A_514, %ge3A_516 : vector<16xi32>
          %lt3A_518 = arith.constant 40 : i32
          %lt3A_519 = vector.broadcast %lt3A_518 : i32 to vector<16xi32>
          %lt3A_520 = arith.cmpi slt, %sub3A_514, %lt3A_519 : vector<16xi32>
          %and3A_521 = arith.andi %ge3A_517, %lt3A_520 : vector<16xi1>
          %jit3A_522 = arith.constant 0 : i32
          %broadcast_in_dim3A_523 = vector.broadcast %jit3A_522 : i32 to vector<16xi32>
          %select_n3A_524 = arith.select %and3A_521, %sub3A_514, %broadcast_in_dim3A_523 : vector<16xi1>, vector<16xi32>
          %mul3A_525 = arith.constant 16 : i32
          %mul3A_526 = arith.muli %add3A_507, %mul3A_525 : i32
          %add3A_527 = vector.broadcast %mul3A_526 : i32 to vector<16xi32>
          %add3A_528 = arith.addi %iota3A, %add3A_527 : vector<16xi32>
          tpu.vector_store_idx %arg5[%select_n3A_524, %add3A_528], %broadcast_in_dim3A_108 masked %and3A_521 : memref<40x1024xf32, #tpu.memory_space<vmem>>[vector<16xi32>, vector<16xi32>], vector<16xf32>, vector<16xi1>
          %mul3A_529 = arith.constant 8 : i32
          %mul3A_530 = arith.muli %scan3A_353, %mul3A_529 : i32
          %add3A_531 = arith.constant 7 : i32
          %add3A_532 = arith.addi %mul3A_530, %add3A_531 : i32
          %mul3A_533 = arith.constant 16 : i32
          %mul3A_534 = arith.muli %add3A_532, %mul3A_533 : i32
          %add3A_535 = arith.addi %mul3A_296, %mul3A_534 : i32
          %get3A_536 = arith.index_cast %add3A_535 : i32 to index
          %get3A_537 = tpu.vector_load %arg4[%get3A_536] {strides = array<i32>} : memref<8192xi32, #tpu.memory_space<vmem>>, vector<16xi32>,
          %sub3A_538 = vector.broadcast %mul3A_294 : i32 to vector<16xi32>
          %sub3A_539 = arith.subi %get3A_537, %sub3A_538 : vector<16xi32>
          %ge3A_540 = arith.constant 0 : i32
          %ge3A_541 = vector.broadcast %ge3A_540 : i32 to vector<16xi32>
          %ge3A_542 = arith.cmpi sge, %sub3A_539, %ge3A_541 : vector<16xi32>
          %lt3A_543 = arith.constant 40 : i32
          %lt3A_544 = vector.broadcast %lt3A_543 : i32 to vector<16xi32>
          %lt3A_545 = arith.cmpi slt, %sub3A_539, %lt3A_544 : vector<16xi32>
          %and3A_546 = arith.andi %ge3A_542, %lt3A_545 : vector<16xi1>
          %jit3A_547 = arith.constant 0 : i32
          %broadcast_in_dim3A_548 = vector.broadcast %jit3A_547 : i32 to vector<16xi32>
          %select_n3A_549 = arith.select %and3A_546, %sub3A_539, %broadcast_in_dim3A_548 : vector<16xi1>, vector<16xi32>
          %mul3A_550 = arith.constant 16 : i32
          %mul3A_551 = arith.muli %add3A_532, %mul3A_550 : i32
          %add3A_552 = vector.broadcast %mul3A_551 : i32 to vector<16xi32>
          %add3A_553 = arith.addi %iota3A, %add3A_552 : vector<16xi32>
          tpu.vector_store_idx %arg5[%select_n3A_549, %add3A_553], %broadcast_in_dim3A_108 masked %and3A_546 : memref<40x1024xf32, #tpu.memory_space<vmem>>[vector<16xi32>, vector<16xi32>], vector<16xf32>, vector<16xi1>
          %scan3A_554 = arith.constant 0 : i32
          scf.yield %scan3A_554 : i32
        }
        %scan3A_303 = arith.constant 8 : i32
        %add3A_304 = arith.addi %select_n3A, %add3A_233 : i32
        %jit3A_305 = arith.constant 25 : i32
        %div3A_306 = arith.divsi %add3A_304, %jit3A_305 : i32
        %sign3A_307 = arith.constant 0 : i32
        %sign3A_308 = arith.cmpi sgt, %add3A_304, %sign3A_307 : i32
        %sign3A_309 = arith.extui %sign3A_308 : i1 to i32
        %sign3A_310 = arith.constant 0 : i32
        %sign3A_311 = arith.cmpi slt, %add3A_304, %sign3A_310 : i32
        %sign3A_312 = arith.extui %sign3A_311 : i1 to i32
        %sign3A_313 = arith.subi %sign3A_309, %sign3A_312 : i32
        %sign3A_314 = arith.constant 0 : i32
        %sign3A_315 = arith.cmpi sgt, %jit3A_305, %sign3A_314 : i32
        %sign3A_316 = arith.extui %sign3A_315 : i1 to i32
        %sign3A_317 = arith.constant 0 : i32
        %sign3A_318 = arith.cmpi slt, %jit3A_305, %sign3A_317 : i32
        %sign3A_319 = arith.extui %sign3A_318 : i1 to i32
        %sign3A_320 = arith.subi %sign3A_316, %sign3A_319 : i32
        %ne3A_321 = arith.cmpi ne, %sign3A_313, %sign3A_320 : i32
        %rem3A_322 = arith.remsi %add3A_304, %jit3A_305 : i32
        %ne3A_323 = arith.constant 0 : i32
        %ne3A_324 = arith.cmpi ne, %rem3A_322, %ne3A_323 : i32
        %and3A_325 = arith.andi %ne3A_321, %ne3A_324 : i1
        %sub3A_326 = arith.constant 1 : i32
        %sub3A_327 = arith.subi %div3A_306, %sub3A_326 : i32
        %select_n3A_328 = arith.select %and3A_325, %sub3A_327, %div3A_306 : i32
        %mul3A_329 = arith.constant 1000 : i32
        %mul3A_330 = arith.muli %select_n3A_328, %mul3A_329 : i32
        %jit3A_331 = arith.constant 25 : i32
        %eq3A_332 = arith.constant 0 : i32
        %eq3A_333 = arith.cmpi eq, %jit3A_331, %eq3A_332 : i32
        %jit3A_334 = arith.constant 1 : i32
        %select_n3A_335 = arith.select %eq3A_333, %jit3A_334, %jit3A_331 : i32
        %rem3A_336 = arith.remsi %add3A_304, %select_n3A_335 : i32
        %ne3A_337 = arith.constant 0 : i32
        %ne3A_338 = arith.cmpi ne, %rem3A_336, %ne3A_337 : i32
        %lt3A_339 = arith.constant 0 : i32
        %lt3A_340 = arith.cmpi slt, %rem3A_336, %lt3A_339 : i32
        %lt3A_341 = arith.constant 0 : i32
        %lt3A_342 = arith.cmpi slt, %select_n3A_335, %lt3A_341 : i32
        %ne3A_343 = arith.xori %lt3A_340, %lt3A_342 : i1
        %and3A_344 = arith.andi %ne3A_343, %ne3A_338 : i1
        %add3A_345 = arith.addi %rem3A_336, %select_n3A_335 : i32
        %select_n3A_346 = arith.select %and3A_344, %add3A_345, %rem3A_336 : i32
        %mul3A_347 = arith.constant 40 : i32
        %mul3A_348 = arith.muli %select_n3A_346, %mul3A_347 : i32
        %add3A_349 = arith.addi %mul3A_330, %mul3A_348 : i32
        %dma_start3A = arith.constant 0 : i32
        %dma_start3A_350 = tpu.memref_slice %arg3[%add3A_349, %dma_start3A] : memref<200000x1024xf32, #tpu.memory_space<hbm>> -> memref<40x1024xf32, #tpu.memory_space<hbm>>
        %dma_start3A_351 = arith.constant 0 : i32
        %dma_start3A_352 = tpu.memref_slice %arg3[%add3A_349, %dma_start3A_351] : memref<200000x1024xf32, #tpu.memory_space<hbm>> -> memref<40x1024xf32, #tpu.memory_space<hbm>>
        tpu.enqueue_dma source(%arg5 : memref<40x1024xf32, #tpu.memory_space<vmem>>) target(%dma_start3A_352 : memref<40x1024xf32, #tpu.memory_space<hbm>>) target_semaphore(%arg7 : memref<!tpu.dma_semaphore, #tpu.memory_space<semaphore_mem>>)
      } else {
      }
      %mul3A_238 = arith.constant 2 : i32
      %mul3A_239 = arith.muli %mul3A_238, %scan3A_228 : i32
      %add3A_240 = arith.constant 1 : i32
      %add3A_241 = arith.addi %mul3A_239, %add3A_240 : i32
      %lt3A_242 = arith.cmpi slt, %add3A_241, %sub3A_47 : i32
      %convert_element_type3A_243 = arith.extui %lt3A_242 : i1 to i32
      %cond3A_244 = arith.constant 0 : i32
      %cond3A_245 = arith.cmpi ne, %convert_element_type3A_243, %cond3A_244 : i32
      scf.if %cond3A_245 {
        %add3A_247 = arith.addi %select_n3A, %add3A_241 : i32
        %ge3A = arith.constant 2 : i32
        %ge3A_248 = arith.cmpi sge, %add3A_241, %ge3A : i32
        %convert_element_type3A_249 = arith.extui %ge3A_248 : i1 to i32
        %cond3A_250 = arith.constant 0 : i32
        %cond3A_251 = arith.cmpi ne, %convert_element_type3A_249, %cond3A_250 : i32
        scf.if %cond3A_251 {
          %add3A_353 = arith.addi %select_n3A, %add3A_241 : i32
          %jit3A_354 = arith.constant 25 : i32
          %div3A_355 = arith.divsi %add3A_353, %jit3A_354 : i32
          %sign3A_356 = arith.constant 0 : i32
          %sign3A_357 = arith.cmpi sgt, %add3A_353, %sign3A_356 : i32
          %sign3A_358 = arith.extui %sign3A_357 : i1 to i32
          %sign3A_359 = arith.constant 0 : i32
          %sign3A_360 = arith.cmpi slt, %add3A_353, %sign3A_359 : i32
          %sign3A_361 = arith.extui %sign3A_360 : i1 to i32
          %sign3A_362 = arith.subi %sign3A_358, %sign3A_361 : i32
          %sign3A_363 = arith.constant 0 : i32
          %sign3A_364 = arith.cmpi sgt, %jit3A_354, %sign3A_363 : i32
          %sign3A_365 = arith.extui %sign3A_364 : i1 to i32
          %sign3A_366 = arith.constant 0 : i32
          %sign3A_367 = arith.cmpi slt, %jit3A_354, %sign3A_366 : i32
          %sign3A_368 = arith.extui %sign3A_367 : i1 to i32
          %sign3A_369 = arith.subi %sign3A_365, %sign3A_368 : i32
          %ne3A_370 = arith.cmpi ne, %sign3A_362, %sign3A_369 : i32
          %rem3A_371 = arith.remsi %add3A_353, %jit3A_354 : i32
          %ne3A_372 = arith.constant 0 : i32
          %ne3A_373 = arith.cmpi ne, %rem3A_371, %ne3A_372 : i32
          %and3A_374 = arith.andi %ne3A_370, %ne3A_373 : i1
          %sub3A_375 = arith.constant 1 : i32
          %sub3A_376 = arith.subi %div3A_355, %sub3A_375 : i32
          %select_n3A_377 = arith.select %and3A_374, %sub3A_376, %div3A_355 : i32
          %mul3A_378 = arith.constant 1000 : i32
          %mul3A_379 = arith.muli %select_n3A_377, %mul3A_378 : i32
          %jit3A_380 = arith.constant 25 : i32
          %eq3A_381 = arith.constant 0 : i32
          %eq3A_382 = arith.cmpi eq, %jit3A_380, %eq3A_381 : i32
          %jit3A_383 = arith.constant 1 : i32
          %select_n3A_384 = arith.select %eq3A_382, %jit3A_383, %jit3A_380 : i32
          %rem3A_385 = arith.remsi %add3A_353, %select_n3A_384 : i32
          %ne3A_386 = arith.constant 0 : i32
          %ne3A_387 = arith.cmpi ne, %rem3A_385, %ne3A_386 : i32
          %lt3A_388 = arith.constant 0 : i32
          %lt3A_389 = arith.cmpi slt, %rem3A_385, %lt3A_388 : i32
          %lt3A_390 = arith.constant 0 : i32
          %lt3A_391 = arith.cmpi slt, %select_n3A_384, %lt3A_390 : i32
          %ne3A_392 = arith.xori %lt3A_389, %lt3A_391 : i1
          %and3A_393 = arith.andi %ne3A_392, %ne3A_387 : i1
          %add3A_394 = arith.addi %rem3A_385, %select_n3A_384 : i32
          %select_n3A_395 = arith.select %and3A_393, %add3A_394, %rem3A_385 : i32
          %mul3A_396 = arith.constant 40 : i32
          %mul3A_397 = arith.muli %select_n3A_395, %mul3A_396 : i32
          %add3A_398 = arith.addi %mul3A_379, %mul3A_397 : i32
          %dma_wait3A_399 = arith.constant 0 : i32
          %dma_wait3A_400 = tpu.memref_slice %arg3[%add3A_398, %dma_wait3A_399] : memref<200000x1024xf32, #tpu.memory_space<hbm>> -> memref<40x1024xf32, #tpu.memory_space<hbm>>
          %dma_wait3A_401 = arith.constant 0 : i32
          %dma_wait3A_402 = tpu.memref_slice %arg3[%add3A_398, %dma_wait3A_401] : memref<200000x1024xf32, #tpu.memory_space<hbm>> -> memref<40x1024xf32, #tpu.memory_space<hbm>>
          tpu.wait_dma2 semaphore(%arg8 : memref<!tpu.dma_semaphore, #tpu.memory_space<semaphore_mem>>) src(%arg6 : memref<40x1024xf32, #tpu.memory_space<vmem>>) dst(%dma_wait3A_402 : memref<40x1024xf32, #tpu.memory_space<hbm>>)
          %sub3A_403 = arith.constant 2 : i32
          %sub3A_404 = arith.subi %add3A_247, %sub3A_403 : i32
          %jit3A_405 = arith.constant 25 : i32
          %div3A_406 = arith.divsi %sub3A_404, %jit3A_405 : i32
          %sign3A_407 = arith.constant 0 : i32
          %sign3A_408 = arith.cmpi sgt, %sub3A_404, %sign3A_407 : i32
          %sign3A_409 = arith.extui %sign3A_408 : i1 to i32
          %sign3A_410 = arith.constant 0 : i32
          %sign3A_411 = arith.cmpi slt, %sub3A_404, %sign3A_410 : i32
          %sign3A_412 = arith.extui %sign3A_411 : i1 to i32
          %sign3A_413 = arith.subi %sign3A_409, %sign3A_412 : i32
          %sign3A_414 = arith.constant 0 : i32
          %sign3A_415 = arith.cmpi sgt, %jit3A_405, %sign3A_414 : i32
          %sign3A_416 = arith.extui %sign3A_415 : i1 to i32
          %sign3A_417 = arith.constant 0 : i32
          %sign3A_418 = arith.cmpi slt, %jit3A_405, %sign3A_417 : i32
          %sign3A_419 = arith.extui %sign3A_418 : i1 to i32
          %sign3A_420 = arith.subi %sign3A_416, %sign3A_419 : i32
          %ne3A_421 = arith.cmpi ne, %sign3A_413, %sign3A_420 : i32
          %rem3A_422 = arith.remsi %sub3A_404, %jit3A_405 : i32
          %ne3A_423 = arith.constant 0 : i32
          %ne3A_424 = arith.cmpi ne, %rem3A_422, %ne3A_423 : i32
          %and3A_425 = arith.andi %ne3A_421, %ne3A_424 : i1
          %sub3A_426 = arith.constant 1 : i32
          %sub3A_427 = arith.subi %div3A_406, %sub3A_426 : i32
          %select_n3A_428 = arith.select %and3A_425, %sub3A_427, %div3A_406 : i32
          %sub3A_429 = arith.subi %select_n3A_428, %select_n3A_71 : i32
          %jit3A_430 = arith.constant 25 : i32
          %eq3A_431 = arith.constant 0 : i32
          %eq3A_432 = arith.cmpi eq, %jit3A_430, %eq3A_431 : i32
          %jit3A_433 = arith.constant 1 : i32
          %select_n3A_434 = arith.select %eq3A_432, %jit3A_433, %jit3A_430 : i32
          %rem3A_435 = arith.remsi %sub3A_404, %select_n3A_434 : i32
          %ne3A_436 = arith.constant 0 : i32
          %ne3A_437 = arith.cmpi ne, %rem3A_435, %ne3A_436 : i32
          %lt3A_438 = arith.constant 0 : i32
          %lt3A_439 = arith.cmpi slt, %rem3A_435, %lt3A_438 : i32
          %lt3A_440 = arith.constant 0 : i32
          %lt3A_441 = arith.cmpi slt, %select_n3A_434, %lt3A_440 : i32
          %ne3A_442 = arith.xori %lt3A_439, %lt3A_441 : i1
          %and3A_443 = arith.andi %ne3A_442, %ne3A_437 : i1
          %add3A_444 = arith.addi %rem3A_435, %select_n3A_434 : i32
          %select_n3A_445 = arith.select %and3A_443, %add3A_444, %rem3A_435 : i32
          %mul3A_446 = arith.constant 40 : i32
          %mul3A_447 = arith.muli %select_n3A_445, %mul3A_446 : i32
          %iota3A_448 = tpu.iota {dimensions = array<i32: 0>} : vector<16xi32>
          %mul3A_449 = arith.constant 1024 : i32
          %mul3A_450 = arith.muli %sub3A_429, %mul3A_449 : i32
          %scan3A_451 = arith.constant 0 : i32
          %scan3A_452 = arith.constant 0 : i32
          %scan3A_453 = arith.constant 8 : i32
          %scan3A_454 = arith.addi %scan3A_452, %scan3A_453 : i32
          %scan3A_455 = arith.constant 1 : i32
          %scan3A_456 = scf.for %scan3A_458 = %scan3A_452 to %scan3A_454 step %scan3A_455 iter_args(%scan3A_459 = %scan3A_451) -> (i32)  : i32 {
            %mul3A_460 = arith.constant 8 : i32
            %mul3A_461 = arith.muli %scan3A_458, %mul3A_460 : i32
            %add3A_462 = arith.constant 0 : i32
            %add3A_463 = arith.addi %mul3A_461, %add3A_462 : i32
            %mul3A_464 = arith.constant 16 : i32
            %mul3A_465 = arith.muli %add3A_463, %mul3A_464 : i32
            %add3A_466 = arith.addi %mul3A_450, %mul3A_465 : i32
            %get3A = arith.index_cast %add3A_466 : i32 to index
            %get3A_467 = tpu.vector_load %arg4[%get3A] {strides = array<i32>} : memref<8192xi32, #tpu.memory_space<vmem>>, vector<16xi32>,
            %sub3A_468 = vector.broadcast %mul3A_447 : i32 to vector<16xi32>
            %sub3A_469 = arith.subi %get3A_467, %sub3A_468 : vector<16xi32>
            %ge3A_470 = arith.constant 0 : i32
            %ge3A_471 = vector.broadcast %ge3A_470 : i32 to vector<16xi32>
            %ge3A_472 = arith.cmpi sge, %sub3A_469, %ge3A_471 : vector<16xi32>
            %lt3A_473 = arith.constant 40 : i32
            %lt3A_474 = vector.broadcast %lt3A_473 : i32 to vector<16xi32>
            %lt3A_475 = arith.cmpi slt, %sub3A_469, %lt3A_474 : vector<16xi32>
            %and3A_476 = arith.andi %ge3A_472, %lt3A_475 : vector<16xi1>
            %jit3A_477 = arith.constant 0 : i32
            %broadcast_in_dim3A_478 = vector.broadcast %jit3A_477 : i32 to vector<16xi32>
            %select_n3A_479 = arith.select %and3A_476, %sub3A_469, %broadcast_in_dim3A_478 : vector<16xi1>, vector<16xi32>
            %mul3A_480 = arith.constant 16 : i32
            %mul3A_481 = arith.muli %add3A_463, %mul3A_480 : i32
            %add3A_482 = vector.broadcast %mul3A_481 : i32 to vector<16xi32>
            %add3A_483 = arith.addi %iota3A_448, %add3A_482 : vector<16xi32>
            tpu.vector_store_idx %arg6[%select_n3A_479, %add3A_483], %broadcast_in_dim3A_106 masked %and3A_476 : memref<40x1024xf32, #tpu.memory_space<vmem>>[vector<16xi32>, vector<16xi32>], vector<16xf32>, vector<16xi1>
            %mul3A_484 = arith.constant 8 : i32
            %mul3A_485 = arith.muli %scan3A_458, %mul3A_484 : i32
            %add3A_486 = arith.constant 1 : i32
            %add3A_487 = arith.addi %mul3A_485, %add3A_486 : i32
            %mul3A_488 = arith.constant 16 : i32
            %mul3A_489 = arith.muli %add3A_487, %mul3A_488 : i32
            %add3A_490 = arith.addi %mul3A_450, %mul3A_489 : i32
            %get3A_491 = arith.index_cast %add3A_490 : i32 to index
            %get3A_492 = tpu.vector_load %arg4[%get3A_491] {strides = array<i32>} : memref<8192xi32, #tpu.memory_space<vmem>>, vector<16xi32>,
            %sub3A_493 = vector.broadcast %mul3A_447 : i32 to vector<16xi32>
            %sub3A_494 = arith.subi %get3A_492, %sub3A_493 : vector<16xi32>
            %ge3A_495 = arith.constant 0 : i32
            %ge3A_496 = vector.broadcast %ge3A_495 : i32 to vector<16xi32>
            %ge3A_497 = arith.cmpi sge, %sub3A_494, %ge3A_496 : vector<16xi32>
            %lt3A_498 = arith.constant 40 : i32
            %lt3A_499 = vector.broadcast %lt3A_498 : i32 to vector<16xi32>
            %lt3A_500 = arith.cmpi slt, %sub3A_494, %lt3A_499 : vector<16xi32>
            %and3A_501 = arith.andi %ge3A_497, %lt3A_500 : vector<16xi1>
            %jit3A_502 = arith.constant 0 : i32
            %broadcast_in_dim3A_503 = vector.broadcast %jit3A_502 : i32 to vector<16xi32>
            %select_n3A_504 = arith.select %and3A_501, %sub3A_494, %broadcast_in_dim3A_503 : vector<16xi1>, vector<16xi32>
            %mul3A_505 = arith.constant 16 : i32
            %mul3A_506 = arith.muli %add3A_487, %mul3A_505 : i32
            %add3A_507 = vector.broadcast %mul3A_506 : i32 to vector<16xi32>
            %add3A_508 = arith.addi %iota3A_448, %add3A_507 : vector<16xi32>
            tpu.vector_store_idx %arg6[%select_n3A_504, %add3A_508], %broadcast_in_dim3A_106 masked %and3A_501 : memref<40x1024xf32, #tpu.memory_space<vmem>>[vector<16xi32>, vector<16xi32>], vector<16xf32>, vector<16xi1>
            %mul3A_509 = arith.constant 8 : i32
            %mul3A_510 = arith.muli %scan3A_458, %mul3A_509 : i32
            %add3A_511 = arith.constant 2 : i32
            %add3A_512 = arith.addi %mul3A_510, %add3A_511 : i32
            %mul3A_513 = arith.constant 16 : i32
            %mul3A_514 = arith.muli %add3A_512, %mul3A_513 : i32
            %add3A_515 = arith.addi %mul3A_450, %mul3A_514 : i32
            %get3A_516 = arith.index_cast %add3A_515 : i32 to index
            %get3A_517 = tpu.vector_load %arg4[%get3A_516] {strides = array<i32>} : memref<8192xi32, #tpu.memory_space<vmem>>, vector<16xi32>,
            %sub3A_518 = vector.broadcast %mul3A_447 : i32 to vector<16xi32>
            %sub3A_519 = arith.subi %get3A_517, %sub3A_518 : vector<16xi32>
            %ge3A_520 = arith.constant 0 : i32
            %ge3A_521 = vector.broadcast %ge3A_520 : i32 to vector<16xi32>
            %ge3A_522 = arith.cmpi sge, %sub3A_519, %ge3A_521 : vector<16xi32>
            %lt3A_523 = arith.constant 40 : i32
            %lt3A_524 = vector.broadcast %lt3A_523 : i32 to vector<16xi32>
            %lt3A_525 = arith.cmpi slt, %sub3A_519, %lt3A_524 : vector<16xi32>
            %and3A_526 = arith.andi %ge3A_522, %lt3A_525 : vector<16xi1>
            %jit3A_527 = arith.constant 0 : i32
            %broadcast_in_dim3A_528 = vector.broadcast %jit3A_527 : i32 to vector<16xi32>
            %select_n3A_529 = arith.select %and3A_526, %sub3A_519, %broadcast_in_dim3A_528 : vector<16xi1>, vector<16xi32>
            %mul3A_530 = arith.constant 16 : i32
            %mul3A_531 = arith.muli %add3A_512, %mul3A_530 : i32
            %add3A_532 = vector.broadcast %mul3A_531 : i32 to vector<16xi32>
            %add3A_533 = arith.addi %iota3A_448, %add3A_532 : vector<16xi32>
            tpu.vector_store_idx %arg6[%select_n3A_529, %add3A_533], %broadcast_in_dim3A_106 masked %and3A_526 : memref<40x1024xf32, #tpu.memory_space<vmem>>[vector<16xi32>, vector<16xi32>], vector<16xf32>, vector<16xi1>
            %mul3A_534 = arith.constant 8 : i32
            %mul3A_535 = arith.muli %scan3A_458, %mul3A_534 : i32
            %add3A_536 = arith.constant 3 : i32
            %add3A_537 = arith.addi %mul3A_535, %add3A_536 : i32
            %mul3A_538 = arith.constant 16 : i32
            %mul3A_539 = arith.muli %add3A_537, %mul3A_538 : i32
            %add3A_540 = arith.addi %mul3A_450, %mul3A_539 : i32
            %get3A_541 = arith.index_cast %add3A_540 : i32 to index
            %get3A_542 = tpu.vector_load %arg4[%get3A_541] {strides = array<i32>} : memref<8192xi32, #tpu.memory_space<vmem>>, vector<16xi32>,
            %sub3A_543 = vector.broadcast %mul3A_447 : i32 to vector<16xi32>
            %sub3A_544 = arith.subi %get3A_542, %sub3A_543 : vector<16xi32>
            %ge3A_545 = arith.constant 0 : i32
            %ge3A_546 = vector.broadcast %ge3A_545 : i32 to vector<16xi32>
            %ge3A_547 = arith.cmpi sge, %sub3A_544, %ge3A_546 : vector<16xi32>
            %lt3A_548 = arith.constant 40 : i32
            %lt3A_549 = vector.broadcast %lt3A_548 : i32 to vector<16xi32>
            %lt3A_550 = arith.cmpi slt, %sub3A_544, %lt3A_549 : vector<16xi32>
            %and3A_551 = arith.andi %ge3A_547, %lt3A_550 : vector<16xi1>
            %jit3A_552 = arith.constant 0 : i32
            %broadcast_in_dim3A_553 = vector.broadcast %jit3A_552 : i32 to vector<16xi32>
            %select_n3A_554 = arith.select %and3A_551, %sub3A_544, %broadcast_in_dim3A_553 : vector<16xi1>, vector<16xi32>
            %mul3A_555 = arith.constant 16 : i32
            %mul3A_556 = arith.muli %add3A_537, %mul3A_555 : i32
            %add3A_557 = vector.broadcast %mul3A_556 : i32 to vector<16xi32>
            %add3A_558 = arith.addi %iota3A_448, %add3A_557 : vector<16xi32>
            tpu.vector_store_idx %arg6[%select_n3A_554, %add3A_558], %broadcast_in_dim3A_106 masked %and3A_551 : memref<40x1024xf32, #tpu.memory_space<vmem>>[vector<16xi32>, vector<16xi32>], vector<16xf32>, vector<16xi1>
            %mul3A_559 = arith.constant 8 : i32
            %mul3A_560 = arith.muli %scan3A_458, %mul3A_559 : i32
            %add3A_561 = arith.constant 4 : i32
            %add3A_562 = arith.addi %mul3A_560, %add3A_561 : i32
            %mul3A_563 = arith.constant 16 : i32
            %mul3A_564 = arith.muli %add3A_562, %mul3A_563 : i32
            %add3A_565 = arith.addi %mul3A_450, %mul3A_564 : i32
            %get3A_566 = arith.index_cast %add3A_565 : i32 to index
            %get3A_567 = tpu.vector_load %arg4[%get3A_566] {strides = array<i32>} : memref<8192xi32, #tpu.memory_space<vmem>>, vector<16xi32>,
            %sub3A_568 = vector.broadcast %mul3A_447 : i32 to vector<16xi32>
            %sub3A_569 = arith.subi %get3A_567, %sub3A_568 : vector<16xi32>
            %ge3A_570 = arith.constant 0 : i32
            %ge3A_571 = vector.broadcast %ge3A_570 : i32 to vector<16xi32>
            %ge3A_572 = arith.cmpi sge, %sub3A_569, %ge3A_571 : vector<16xi32>
            %lt3A_573 = arith.constant 40 : i32
            %lt3A_574 = vector.broadcast %lt3A_573 : i32 to vector<16xi32>
            %lt3A_575 = arith.cmpi slt, %sub3A_569, %lt3A_574 : vector<16xi32>
            %and3A_576 = arith.andi %ge3A_572, %lt3A_575 : vector<16xi1>
            %jit3A_577 = arith.constant 0 : i32
            %broadcast_in_dim3A_578 = vector.broadcast %jit3A_577 : i32 to vector<16xi32>
            %select_n3A_579 = arith.select %and3A_576, %sub3A_569, %broadcast_in_dim3A_578 : vector<16xi1>, vector<16xi32>
            %mul3A_580 = arith.constant 16 : i32
            %mul3A_581 = arith.muli %add3A_562, %mul3A_580 : i32
            %add3A_582 = vector.broadcast %mul3A_581 : i32 to vector<16xi32>
            %add3A_583 = arith.addi %iota3A_448, %add3A_582 : vector<16xi32>
            tpu.vector_store_idx %arg6[%select_n3A_579, %add3A_583], %broadcast_in_dim3A_106 masked %and3A_576 : memref<40x1024xf32, #tpu.memory_space<vmem>>[vector<16xi32>, vector<16xi32>], vector<16xf32>, vector<16xi1>
            %mul3A_584 = arith.constant 8 : i32
            %mul3A_585 = arith.muli %scan3A_458, %mul3A_584 : i32
            %add3A_586 = arith.constant 5 : i32
            %add3A_587 = arith.addi %mul3A_585, %add3A_586 : i32
            %mul3A_588 = arith.constant 16 : i32
            %mul3A_589 = arith.muli %add3A_587, %mul3A_588 : i32
            %add3A_590 = arith.addi %mul3A_450, %mul3A_589 : i32
            %get3A_591 = arith.index_cast %add3A_590 : i32 to index
            %get3A_592 = tpu.vector_load %arg4[%get3A_591] {strides = array<i32>} : memref<8192xi32, #tpu.memory_space<vmem>>, vector<16xi32>,
            %sub3A_593 = vector.broadcast %mul3A_447 : i32 to vector<16xi32>
            %sub3A_594 = arith.subi %get3A_592, %sub3A_593 : vector<16xi32>
            %ge3A_595 = arith.constant 0 : i32
            %ge3A_596 = vector.broadcast %ge3A_595 : i32 to vector<16xi32>
            %ge3A_597 = arith.cmpi sge, %sub3A_594, %ge3A_596 : vector<16xi32>
            %lt3A_598 = arith.constant 40 : i32
            %lt3A_599 = vector.broadcast %lt3A_598 : i32 to vector<16xi32>
            %lt3A_600 = arith.cmpi slt, %sub3A_594, %lt3A_599 : vector<16xi32>
            %and3A_601 = arith.andi %ge3A_597, %lt3A_600 : vector<16xi1>
            %jit3A_602 = arith.constant 0 : i32
            %broadcast_in_dim3A_603 = vector.broadcast %jit3A_602 : i32 to vector<16xi32>
            %select_n3A_604 = arith.select %and3A_601, %sub3A_594, %broadcast_in_dim3A_603 : vector<16xi1>, vector<16xi32>
            %mul3A_605 = arith.constant 16 : i32
            %mul3A_606 = arith.muli %add3A_587, %mul3A_605 : i32
            %add3A_607 = vector.broadcast %mul3A_606 : i32 to vector<16xi32>
            %add3A_608 = arith.addi %iota3A_448, %add3A_607 : vector<16xi32>
            tpu.vector_store_idx %arg6[%select_n3A_604, %add3A_608], %broadcast_in_dim3A_106 masked %and3A_601 : memref<40x1024xf32, #tpu.memory_space<vmem>>[vector<16xi32>, vector<16xi32>], vector<16xf32>, vector<16xi1>
            %mul3A_609 = arith.constant 8 : i32
            %mul3A_610 = arith.muli %scan3A_458, %mul3A_609 : i32
            %add3A_611 = arith.constant 6 : i32
            %add3A_612 = arith.addi %mul3A_610, %add3A_611 : i32
            %mul3A_613 = arith.constant 16 : i32
            %mul3A_614 = arith.muli %add3A_612, %mul3A_613 : i32
            %add3A_615 = arith.addi %mul3A_450, %mul3A_614 : i32
            %get3A_616 = arith.index_cast %add3A_615 : i32 to index
            %get3A_617 = tpu.vector_load %arg4[%get3A_616] {strides = array<i32>} : memref<8192xi32, #tpu.memory_space<vmem>>, vector<16xi32>,
            %sub3A_618 = vector.broadcast %mul3A_447 : i32 to vector<16xi32>
            %sub3A_619 = arith.subi %get3A_617, %sub3A_618 : vector<16xi32>
            %ge3A_620 = arith.constant 0 : i32
            %ge3A_621 = vector.broadcast %ge3A_620 : i32 to vector<16xi32>
            %ge3A_622 = arith.cmpi sge, %sub3A_619, %ge3A_621 : vector<16xi32>
            %lt3A_623 = arith.constant 40 : i32
            %lt3A_624 = vector.broadcast %lt3A_623 : i32 to vector<16xi32>
            %lt3A_625 = arith.cmpi slt, %sub3A_619, %lt3A_624 : vector<16xi32>
            %and3A_626 = arith.andi %ge3A_622, %lt3A_625 : vector<16xi1>
            %jit3A_627 = arith.constant 0 : i32
            %broadcast_in_dim3A_628 = vector.broadcast %jit3A_627 : i32 to vector<16xi32>
            %select_n3A_629 = arith.select %and3A_626, %sub3A_619, %broadcast_in_dim3A_628 : vector<16xi1>, vector<16xi32>
            %mul3A_630 = arith.constant 16 : i32
            %mul3A_631 = arith.muli %add3A_612, %mul3A_630 : i32
            %add3A_632 = vector.broadcast %mul3A_631 : i32 to vector<16xi32>
            %add3A_633 = arith.addi %iota3A_448, %add3A_632 : vector<16xi32>
            tpu.vector_store_idx %arg6[%select_n3A_629, %add3A_633], %broadcast_in_dim3A_106 masked %and3A_626 : memref<40x1024xf32, #tpu.memory_space<vmem>>[vector<16xi32>, vector<16xi32>], vector<16xf32>, vector<16xi1>
            %mul3A_634 = arith.constant 8 : i32
            %mul3A_635 = arith.muli %scan3A_458, %mul3A_634 : i32
            %add3A_636 = arith.constant 7 : i32
            %add3A_637 = arith.addi %mul3A_635, %add3A_636 : i32
            %mul3A_638 = arith.constant 16 : i32
            %mul3A_639 = arith.muli %add3A_637, %mul3A_638 : i32
            %add3A_640 = arith.addi %mul3A_450, %mul3A_639 : i32
            %get3A_641 = arith.index_cast %add3A_640 : i32 to index
            %get3A_642 = tpu.vector_load %arg4[%get3A_641] {strides = array<i32>} : memref<8192xi32, #tpu.memory_space<vmem>>, vector<16xi32>,
            %sub3A_643 = vector.broadcast %mul3A_447 : i32 to vector<16xi32>
            %sub3A_644 = arith.subi %get3A_642, %sub3A_643 : vector<16xi32>
            %ge3A_645 = arith.constant 0 : i32
            %ge3A_646 = vector.broadcast %ge3A_645 : i32 to vector<16xi32>
            %ge3A_647 = arith.cmpi sge, %sub3A_644, %ge3A_646 : vector<16xi32>
            %lt3A_648 = arith.constant 40 : i32
            %lt3A_649 = vector.broadcast %lt3A_648 : i32 to vector<16xi32>
            %lt3A_650 = arith.cmpi slt, %sub3A_644, %lt3A_649 : vector<16xi32>
            %and3A_651 = arith.andi %ge3A_647, %lt3A_650 : vector<16xi1>
            %jit3A_652 = arith.constant 0 : i32
            %broadcast_in_dim3A_653 = vector.broadcast %jit3A_652 : i32 to vector<16xi32>
            %select_n3A_654 = arith.select %and3A_651, %sub3A_644, %broadcast_in_dim3A_653 : vector<16xi1>, vector<16xi32>
            %mul3A_655 = arith.constant 16 : i32
            %mul3A_656 = arith.muli %add3A_637, %mul3A_655 : i32
            %add3A_657 = vector.broadcast %mul3A_656 : i32 to vector<16xi32>
            %add3A_658 = arith.addi %iota3A_448, %add3A_657 : vector<16xi32>
            tpu.vector_store_idx %arg6[%select_n3A_654, %add3A_658], %broadcast_in_dim3A_106 masked %and3A_651 : memref<40x1024xf32, #tpu.memory_space<vmem>>[vector<16xi32>, vector<16xi32>], vector<16xf32>, vector<16xi1>
            %scan3A_659 = arith.constant 0 : i32
            scf.yield %scan3A_659 : i32
          }
          %scan3A_457 = arith.constant 8 : i32
        } else {
        }
        %jit3A_252 = arith.constant 25 : i32
        %div3A_253 = arith.divsi %add3A_247, %jit3A_252 : i32
        %sign3A_254 = arith.constant 0 : i32
        %sign3A_255 = arith.cmpi sgt, %add3A_247, %sign3A_254 : i32
        %sign3A_256 = arith.extui %sign3A_255 : i1 to i32
        %sign3A_257 = arith.constant 0 : i32
        %sign3A_258 = arith.cmpi slt, %add3A_247, %sign3A_257 : i32
        %sign3A_259 = arith.extui %sign3A_258 : i1 to i32
        %sign3A_260 = arith.subi %sign3A_256, %sign3A_259 : i32
        %sign3A_261 = arith.constant 0 : i32
        %sign3A_262 = arith.cmpi sgt, %jit3A_252, %sign3A_261 : i32
        %sign3A_263 = arith.extui %sign3A_262 : i1 to i32
        %sign3A_264 = arith.constant 0 : i32
        %sign3A_265 = arith.cmpi slt, %jit3A_252, %sign3A_264 : i32
        %sign3A_266 = arith.extui %sign3A_265 : i1 to i32
        %sign3A_267 = arith.subi %sign3A_263, %sign3A_266 : i32
        %ne3A_268 = arith.cmpi ne, %sign3A_260, %sign3A_267 : i32
        %rem3A_269 = arith.remsi %add3A_247, %jit3A_252 : i32
        %ne3A_270 = arith.constant 0 : i32
        %ne3A_271 = arith.cmpi ne, %rem3A_269, %ne3A_270 : i32
        %and3A_272 = arith.andi %ne3A_268, %ne3A_271 : i1
        %sub3A_273 = arith.constant 1 : i32
        %sub3A_274 = arith.subi %div3A_253, %sub3A_273 : i32
        %select_n3A_275 = arith.select %and3A_272, %sub3A_274, %div3A_253 : i32
        %sub3A_276 = arith.subi %select_n3A_275, %select_n3A_71 : i32
        %jit3A_277 = arith.constant 25 : i32
        %eq3A_278 = arith.constant 0 : i32
        %eq3A_279 = arith.cmpi eq, %jit3A_277, %eq3A_278 : i32
        %jit3A_280 = arith.constant 1 : i32
        %select_n3A_281 = arith.select %eq3A_279, %jit3A_280, %jit3A_277 : i32
        %rem3A_282 = arith.remsi %add3A_247, %select_n3A_281 : i32
        %ne3A_283 = arith.constant 0 : i32
        %ne3A_284 = arith.cmpi ne, %rem3A_282, %ne3A_283 : i32
        %lt3A_285 = arith.constant 0 : i32
        %lt3A_286 = arith.cmpi slt, %rem3A_282, %lt3A_285 : i32
        %lt3A_287 = arith.constant 0 : i32
        %lt3A_288 = arith.cmpi slt, %select_n3A_281, %lt3A_287 : i32
        %ne3A_289 = arith.xori %lt3A_286, %lt3A_288 : i1
        %and3A_290 = arith.andi %ne3A_289, %ne3A_284 : i1
        %add3A_291 = arith.addi %rem3A_282, %select_n3A_281 : i32
        %select_n3A_292 = arith.select %and3A_290, %add3A_291, %rem3A_282 : i32
        %mul3A_293 = arith.constant 40 : i32
        %mul3A_294 = arith.muli %select_n3A_292, %mul3A_293 : i32
        %iota3A = tpu.iota {dimensions = array<i32: 0>} : vector<16xi32>
        %mul3A_295 = arith.constant 1024 : i32
        %mul3A_296 = arith.muli %sub3A_276, %mul3A_295 : i32
        %scan3A_297 = arith.constant 0 : i32
        %scan3A_298 = arith.constant 0 : i32
        %scan3A_299 = arith.constant 8 : i32
        %scan3A_300 = arith.addi %scan3A_298, %scan3A_299 : i32
        %scan3A_301 = arith.constant 1 : i32
        %scan3A_302 = scf.for %scan3A_353 = %scan3A_298 to %scan3A_300 step %scan3A_301 iter_args(%scan3A_354 = %scan3A_297) -> (i32)  : i32 {
          %mul3A_355 = arith.constant 8 : i32
          %mul3A_356 = arith.muli %scan3A_353, %mul3A_355 : i32
          %add3A_357 = arith.constant 0 : i32
          %add3A_358 = arith.addi %mul3A_356, %add3A_357 : i32
          %mul3A_359 = arith.constant 16 : i32
          %mul3A_360 = arith.muli %add3A_358, %mul3A_359 : i32
          %add3A_361 = arith.addi %mul3A_296, %mul3A_360 : i32
          %get3A = arith.index_cast %add3A_361 : i32 to index
          %get3A_362 = tpu.vector_load %arg4[%get3A] {strides = array<i32>} : memref<8192xi32, #tpu.memory_space<vmem>>, vector<16xi32>,
          %sub3A_363 = vector.broadcast %mul3A_294 : i32 to vector<16xi32>
          %sub3A_364 = arith.subi %get3A_362, %sub3A_363 : vector<16xi32>
          %ge3A_365 = arith.constant 0 : i32
          %ge3A_366 = vector.broadcast %ge3A_365 : i32 to vector<16xi32>
          %ge3A_367 = arith.cmpi sge, %sub3A_364, %ge3A_366 : vector<16xi32>
          %lt3A_368 = arith.constant 40 : i32
          %lt3A_369 = vector.broadcast %lt3A_368 : i32 to vector<16xi32>
          %lt3A_370 = arith.cmpi slt, %sub3A_364, %lt3A_369 : vector<16xi32>
          %and3A_371 = arith.andi %ge3A_367, %lt3A_370 : vector<16xi1>
          %jit3A_372 = arith.constant 0 : i32
          %broadcast_in_dim3A_373 = vector.broadcast %jit3A_372 : i32 to vector<16xi32>
          %select_n3A_374 = arith.select %and3A_371, %sub3A_364, %broadcast_in_dim3A_373 : vector<16xi1>, vector<16xi32>
          %mul3A_375 = arith.constant 16 : i32
          %mul3A_376 = arith.muli %add3A_358, %mul3A_375 : i32
          %add3A_377 = vector.broadcast %mul3A_376 : i32 to vector<16xi32>
          %add3A_378 = arith.addi %iota3A, %add3A_377 : vector<16xi32>
          tpu.vector_store_idx %arg6[%select_n3A_374, %add3A_378], %broadcast_in_dim3A_108 masked %and3A_371 : memref<40x1024xf32, #tpu.memory_space<vmem>>[vector<16xi32>, vector<16xi32>], vector<16xf32>, vector<16xi1>
          %mul3A_379 = arith.constant 8 : i32
          %mul3A_380 = arith.muli %scan3A_353, %mul3A_379 : i32
          %add3A_381 = arith.constant 1 : i32
          %add3A_382 = arith.addi %mul3A_380, %add3A_381 : i32
          %mul3A_383 = arith.constant 16 : i32
          %mul3A_384 = arith.muli %add3A_382, %mul3A_383 : i32
          %add3A_385 = arith.addi %mul3A_296, %mul3A_384 : i32
          %get3A_386 = arith.index_cast %add3A_385 : i32 to index
          %get3A_387 = tpu.vector_load %arg4[%get3A_386] {strides = array<i32>} : memref<8192xi32, #tpu.memory_space<vmem>>, vector<16xi32>,
          %sub3A_388 = vector.broadcast %mul3A_294 : i32 to vector<16xi32>
          %sub3A_389 = arith.subi %get3A_387, %sub3A_388 : vector<16xi32>
          %ge3A_390 = arith.constant 0 : i32
          %ge3A_391 = vector.broadcast %ge3A_390 : i32 to vector<16xi32>
          %ge3A_392 = arith.cmpi sge, %sub3A_389, %ge3A_391 : vector<16xi32>
          %lt3A_393 = arith.constant 40 : i32
          %lt3A_394 = vector.broadcast %lt3A_393 : i32 to vector<16xi32>
          %lt3A_395 = arith.cmpi slt, %sub3A_389, %lt3A_394 : vector<16xi32>
          %and3A_396 = arith.andi %ge3A_392, %lt3A_395 : vector<16xi1>
          %jit3A_397 = arith.constant 0 : i32
          %broadcast_in_dim3A_398 = vector.broadcast %jit3A_397 : i32 to vector<16xi32>
          %select_n3A_399 = arith.select %and3A_396, %sub3A_389, %broadcast_in_dim3A_398 : vector<16xi1>, vector<16xi32>
          %mul3A_400 = arith.constant 16 : i32
          %mul3A_401 = arith.muli %add3A_382, %mul3A_400 : i32
          %add3A_402 = vector.broadcast %mul3A_401 : i32 to vector<16xi32>
          %add3A_403 = arith.addi %iota3A, %add3A_402 : vector<16xi32>
          tpu.vector_store_idx %arg6[%select_n3A_399, %add3A_403], %broadcast_in_dim3A_108 masked %and3A_396 : memref<40x1024xf32, #tpu.memory_space<vmem>>[vector<16xi32>, vector<16xi32>], vector<16xf32>, vector<16xi1>
          %mul3A_404 = arith.constant 8 : i32
          %mul3A_405 = arith.muli %scan3A_353, %mul3A_404 : i32
          %add3A_406 = arith.constant 2 : i32
          %add3A_407 = arith.addi %mul3A_405, %add3A_406 : i32
          %mul3A_408 = arith.constant 16 : i32
          %mul3A_409 = arith.muli %add3A_407, %mul3A_408 : i32
          %add3A_410 = arith.addi %mul3A_296, %mul3A_409 : i32
          %get3A_411 = arith.index_cast %add3A_410 : i32 to index
          %get3A_412 = tpu.vector_load %arg4[%get3A_411] {strides = array<i32>} : memref<8192xi32, #tpu.memory_space<vmem>>, vector<16xi32>,
          %sub3A_413 = vector.broadcast %mul3A_294 : i32 to vector<16xi32>
          %sub3A_414 = arith.subi %get3A_412, %sub3A_413 : vector<16xi32>
          %ge3A_415 = arith.constant 0 : i32
          %ge3A_416 = vector.broadcast %ge3A_415 : i32 to vector<16xi32>
          %ge3A_417 = arith.cmpi sge, %sub3A_414, %ge3A_416 : vector<16xi32>
          %lt3A_418 = arith.constant 40 : i32
          %lt3A_419 = vector.broadcast %lt3A_418 : i32 to vector<16xi32>
          %lt3A_420 = arith.cmpi slt, %sub3A_414, %lt3A_419 : vector<16xi32>
          %and3A_421 = arith.andi %ge3A_417, %lt3A_420 : vector<16xi1>
          %jit3A_422 = arith.constant 0 : i32
          %broadcast_in_dim3A_423 = vector.broadcast %jit3A_422 : i32 to vector<16xi32>
          %select_n3A_424 = arith.select %and3A_421, %sub3A_414, %broadcast_in_dim3A_423 : vector<16xi1>, vector<16xi32>
          %mul3A_425 = arith.constant 16 : i32
          %mul3A_426 = arith.muli %add3A_407, %mul3A_425 : i32
          %add3A_427 = vector.broadcast %mul3A_426 : i32 to vector<16xi32>
          %add3A_428 = arith.addi %iota3A, %add3A_427 : vector<16xi32>
          tpu.vector_store_idx %arg6[%select_n3A_424, %add3A_428], %broadcast_in_dim3A_108 masked %and3A_421 : memref<40x1024xf32, #tpu.memory_space<vmem>>[vector<16xi32>, vector<16xi32>], vector<16xf32>, vector<16xi1>
          %mul3A_429 = arith.constant 8 : i32
          %mul3A_430 = arith.muli %scan3A_353, %mul3A_429 : i32
          %add3A_431 = arith.constant 3 : i32
          %add3A_432 = arith.addi %mul3A_430, %add3A_431 : i32
          %mul3A_433 = arith.constant 16 : i32
          %mul3A_434 = arith.muli %add3A_432, %mul3A_433 : i32
          %add3A_435 = arith.addi %mul3A_296, %mul3A_434 : i32
          %get3A_436 = arith.index_cast %add3A_435 : i32 to index
          %get3A_437 = tpu.vector_load %arg4[%get3A_436] {strides = array<i32>} : memref<8192xi32, #tpu.memory_space<vmem>>, vector<16xi32>,
          %sub3A_438 = vector.broadcast %mul3A_294 : i32 to vector<16xi32>
          %sub3A_439 = arith.subi %get3A_437, %sub3A_438 : vector<16xi32>
          %ge3A_440 = arith.constant 0 : i32
          %ge3A_441 = vector.broadcast %ge3A_440 : i32 to vector<16xi32>
          %ge3A_442 = arith.cmpi sge, %sub3A_439, %ge3A_441 : vector<16xi32>
          %lt3A_443 = arith.constant 40 : i32
          %lt3A_444 = vector.broadcast %lt3A_443 : i32 to vector<16xi32>
          %lt3A_445 = arith.cmpi slt, %sub3A_439, %lt3A_444 : vector<16xi32>
          %and3A_446 = arith.andi %ge3A_442, %lt3A_445 : vector<16xi1>
          %jit3A_447 = arith.constant 0 : i32
          %broadcast_in_dim3A_448 = vector.broadcast %jit3A_447 : i32 to vector<16xi32>
          %select_n3A_449 = arith.select %and3A_446, %sub3A_439, %broadcast_in_dim3A_448 : vector<16xi1>, vector<16xi32>
          %mul3A_450 = arith.constant 16 : i32
          %mul3A_451 = arith.muli %add3A_432, %mul3A_450 : i32
          %add3A_452 = vector.broadcast %mul3A_451 : i32 to vector<16xi32>
          %add3A_453 = arith.addi %iota3A, %add3A_452 : vector<16xi32>
          tpu.vector_store_idx %arg6[%select_n3A_449, %add3A_453], %broadcast_in_dim3A_108 masked %and3A_446 : memref<40x1024xf32, #tpu.memory_space<vmem>>[vector<16xi32>, vector<16xi32>], vector<16xf32>, vector<16xi1>
          %mul3A_454 = arith.constant 8 : i32
          %mul3A_455 = arith.muli %scan3A_353, %mul3A_454 : i32
          %add3A_456 = arith.constant 4 : i32
          %add3A_457 = arith.addi %mul3A_455, %add3A_456 : i32
          %mul3A_458 = arith.constant 16 : i32
          %mul3A_459 = arith.muli %add3A_457, %mul3A_458 : i32
          %add3A_460 = arith.addi %mul3A_296, %mul3A_459 : i32
          %get3A_461 = arith.index_cast %add3A_460 : i32 to index
          %get3A_462 = tpu.vector_load %arg4[%get3A_461] {strides = array<i32>} : memref<8192xi32, #tpu.memory_space<vmem>>, vector<16xi32>,
          %sub3A_463 = vector.broadcast %mul3A_294 : i32 to vector<16xi32>
          %sub3A_464 = arith.subi %get3A_462, %sub3A_463 : vector<16xi32>
          %ge3A_465 = arith.constant 0 : i32
          %ge3A_466 = vector.broadcast %ge3A_465 : i32 to vector<16xi32>
          %ge3A_467 = arith.cmpi sge, %sub3A_464, %ge3A_466 : vector<16xi32>
          %lt3A_468 = arith.constant 40 : i32
          %lt3A_469 = vector.broadcast %lt3A_468 : i32 to vector<16xi32>
          %lt3A_470 = arith.cmpi slt, %sub3A_464, %lt3A_469 : vector<16xi32>
          %and3A_471 = arith.andi %ge3A_467, %lt3A_470 : vector<16xi1>
          %jit3A_472 = arith.constant 0 : i32
          %broadcast_in_dim3A_473 = vector.broadcast %jit3A_472 : i32 to vector<16xi32>
          %select_n3A_474 = arith.select %and3A_471, %sub3A_464, %broadcast_in_dim3A_473 : vector<16xi1>, vector<16xi32>
          %mul3A_475 = arith.constant 16 : i32
          %mul3A_476 = arith.muli %add3A_457, %mul3A_475 : i32
          %add3A_477 = vector.broadcast %mul3A_476 : i32 to vector<16xi32>
          %add3A_478 = arith.addi %iota3A, %add3A_477 : vector<16xi32>
          tpu.vector_store_idx %arg6[%select_n3A_474, %add3A_478], %broadcast_in_dim3A_108 masked %and3A_471 : memref<40x1024xf32, #tpu.memory_space<vmem>>[vector<16xi32>, vector<16xi32>], vector<16xf32>, vector<16xi1>
          %mul3A_479 = arith.constant 8 : i32
          %mul3A_480 = arith.muli %scan3A_353, %mul3A_479 : i32
          %add3A_481 = arith.constant 5 : i32
          %add3A_482 = arith.addi %mul3A_480, %add3A_481 : i32
          %mul3A_483 = arith.constant 16 : i32
          %mul3A_484 = arith.muli %add3A_482, %mul3A_483 : i32
          %add3A_485 = arith.addi %mul3A_296, %mul3A_484 : i32
          %get3A_486 = arith.index_cast %add3A_485 : i32 to index
          %get3A_487 = tpu.vector_load %arg4[%get3A_486] {strides = array<i32>} : memref<8192xi32, #tpu.memory_space<vmem>>, vector<16xi32>,
          %sub3A_488 = vector.broadcast %mul3A_294 : i32 to vector<16xi32>
          %sub3A_489 = arith.subi %get3A_487, %sub3A_488 : vector<16xi32>
          %ge3A_490 = arith.constant 0 : i32
          %ge3A_491 = vector.broadcast %ge3A_490 : i32 to vector<16xi32>
          %ge3A_492 = arith.cmpi sge, %sub3A_489, %ge3A_491 : vector<16xi32>
          %lt3A_493 = arith.constant 40 : i32
          %lt3A_494 = vector.broadcast %lt3A_493 : i32 to vector<16xi32>
          %lt3A_495 = arith.cmpi slt, %sub3A_489, %lt3A_494 : vector<16xi32>
          %and3A_496 = arith.andi %ge3A_492, %lt3A_495 : vector<16xi1>
          %jit3A_497 = arith.constant 0 : i32
          %broadcast_in_dim3A_498 = vector.broadcast %jit3A_497 : i32 to vector<16xi32>
          %select_n3A_499 = arith.select %and3A_496, %sub3A_489, %broadcast_in_dim3A_498 : vector<16xi1>, vector<16xi32>
          %mul3A_500 = arith.constant 16 : i32
          %mul3A_501 = arith.muli %add3A_482, %mul3A_500 : i32
          %add3A_502 = vector.broadcast %mul3A_501 : i32 to vector<16xi32>
          %add3A_503 = arith.addi %iota3A, %add3A_502 : vector<16xi32>
          tpu.vector_store_idx %arg6[%select_n3A_499, %add3A_503], %broadcast_in_dim3A_108 masked %and3A_496 : memref<40x1024xf32, #tpu.memory_space<vmem>>[vector<16xi32>, vector<16xi32>], vector<16xf32>, vector<16xi1>
          %mul3A_504 = arith.constant 8 : i32
          %mul3A_505 = arith.muli %scan3A_353, %mul3A_504 : i32
          %add3A_506 = arith.constant 6 : i32
          %add3A_507 = arith.addi %mul3A_505, %add3A_506 : i32
          %mul3A_508 = arith.constant 16 : i32
          %mul3A_509 = arith.muli %add3A_507, %mul3A_508 : i32
          %add3A_510 = arith.addi %mul3A_296, %mul3A_509 : i32
          %get3A_511 = arith.index_cast %add3A_510 : i32 to index
          %get3A_512 = tpu.vector_load %arg4[%get3A_511] {strides = array<i32>} : memref<8192xi32, #tpu.memory_space<vmem>>, vector<16xi32>,
          %sub3A_513 = vector.broadcast %mul3A_294 : i32 to vector<16xi32>
          %sub3A_514 = arith.subi %get3A_512, %sub3A_513 : vector<16xi32>
          %ge3A_515 = arith.constant 0 : i32
          %ge3A_516 = vector.broadcast %ge3A_515 : i32 to vector<16xi32>
          %ge3A_517 = arith.cmpi sge, %sub3A_514, %ge3A_516 : vector<16xi32>
          %lt3A_518 = arith.constant 40 : i32
          %lt3A_519 = vector.broadcast %lt3A_518 : i32 to vector<16xi32>
          %lt3A_520 = arith.cmpi slt, %sub3A_514, %lt3A_519 : vector<16xi32>
          %and3A_521 = arith.andi %ge3A_517, %lt3A_520 : vector<16xi1>
          %jit3A_522 = arith.constant 0 : i32
          %broadcast_in_dim3A_523 = vector.broadcast %jit3A_522 : i32 to vector<16xi32>
          %select_n3A_524 = arith.select %and3A_521, %sub3A_514, %broadcast_in_dim3A_523 : vector<16xi1>, vector<16xi32>
          %mul3A_525 = arith.constant 16 : i32
          %mul3A_526 = arith.muli %add3A_507, %mul3A_525 : i32
          %add3A_527 = vector.broadcast %mul3A_526 : i32 to vector<16xi32>
          %add3A_528 = arith.addi %iota3A, %add3A_527 : vector<16xi32>
          tpu.vector_store_idx %arg6[%select_n3A_524, %add3A_528], %broadcast_in_dim3A_108 masked %and3A_521 : memref<40x1024xf32, #tpu.memory_space<vmem>>[vector<16xi32>, vector<16xi32>], vector<16xf32>, vector<16xi1>
          %mul3A_529 = arith.constant 8 : i32
          %mul3A_530 = arith.muli %scan3A_353, %mul3A_529 : i32
          %add3A_531 = arith.constant 7 : i32
          %add3A_532 = arith.addi %mul3A_530, %add3A_531 : i32
          %mul3A_533 = arith.constant 16 : i32
          %mul3A_534 = arith.muli %add3A_532, %mul3A_533 : i32
          %add3A_535 = arith.addi %mul3A_296, %mul3A_534 : i32
          %get3A_536 = arith.index_cast %add3A_535 : i32 to index
          %get3A_537 = tpu.vector_load %arg4[%get3A_536] {strides = array<i32>} : memref<8192xi32, #tpu.memory_space<vmem>>, vector<16xi32>,
          %sub3A_538 = vector.broadcast %mul3A_294 : i32 to vector<16xi32>
          %sub3A_539 = arith.subi %get3A_537, %sub3A_538 : vector<16xi32>
          %ge3A_540 = arith.constant 0 : i32
          %ge3A_541 = vector.broadcast %ge3A_540 : i32 to vector<16xi32>
          %ge3A_542 = arith.cmpi sge, %sub3A_539, %ge3A_541 : vector<16xi32>
          %lt3A_543 = arith.constant 40 : i32
          %lt3A_544 = vector.broadcast %lt3A_543 : i32 to vector<16xi32>
          %lt3A_545 = arith.cmpi slt, %sub3A_539, %lt3A_544 : vector<16xi32>
          %and3A_546 = arith.andi %ge3A_542, %lt3A_545 : vector<16xi1>
          %jit3A_547 = arith.constant 0 : i32
          %broadcast_in_dim3A_548 = vector.broadcast %jit3A_547 : i32 to vector<16xi32>
          %select_n3A_549 = arith.select %and3A_546, %sub3A_539, %broadcast_in_dim3A_548 : vector<16xi1>, vector<16xi32>
          %mul3A_550 = arith.constant 16 : i32
          %mul3A_551 = arith.muli %add3A_532, %mul3A_550 : i32
          %add3A_552 = vector.broadcast %mul3A_551 : i32 to vector<16xi32>
          %add3A_553 = arith.addi %iota3A, %add3A_552 : vector<16xi32>
          tpu.vector_store_idx %arg6[%select_n3A_549, %add3A_553], %broadcast_in_dim3A_108 masked %and3A_546 : memref<40x1024xf32, #tpu.memory_space<vmem>>[vector<16xi32>, vector<16xi32>], vector<16xf32>, vector<16xi1>
          %scan3A_554 = arith.constant 0 : i32
          scf.yield %scan3A_554 : i32
        }
        %scan3A_303 = arith.constant 8 : i32
        %add3A_304 = arith.addi %select_n3A, %add3A_241 : i32
        %jit3A_305 = arith.constant 25 : i32
        %div3A_306 = arith.divsi %add3A_304, %jit3A_305 : i32
        %sign3A_307 = arith.constant 0 : i32
        %sign3A_308 = arith.cmpi sgt, %add3A_304, %sign3A_307 : i32
        %sign3A_309 = arith.extui %sign3A_308 : i1 to i32
        %sign3A_310 = arith.constant 0 : i32
        %sign3A_311 = arith.cmpi slt, %add3A_304, %sign3A_310 : i32
        %sign3A_312 = arith.extui %sign3A_311 : i1 to i32
        %sign3A_313 = arith.subi %sign3A_309, %sign3A_312 : i32
        %sign3A_314 = arith.constant 0 : i32
        %sign3A_315 = arith.cmpi sgt, %jit3A_305, %sign3A_314 : i32
        %sign3A_316 = arith.extui %sign3A_315 : i1 to i32
        %sign3A_317 = arith.constant 0 : i32
        %sign3A_318 = arith.cmpi slt, %jit3A_305, %sign3A_317 : i32
        %sign3A_319 = arith.extui %sign3A_318 : i1 to i32
        %sign3A_320 = arith.subi %sign3A_316, %sign3A_319 : i32
        %ne3A_321 = arith.cmpi ne, %sign3A_313, %sign3A_320 : i32
        %rem3A_322 = arith.remsi %add3A_304, %jit3A_305 : i32
        %ne3A_323 = arith.constant 0 : i32
        %ne3A_324 = arith.cmpi ne, %rem3A_322, %ne3A_323 : i32
        %and3A_325 = arith.andi %ne3A_321, %ne3A_324 : i1
        %sub3A_326 = arith.constant 1 : i32
        %sub3A_327 = arith.subi %div3A_306, %sub3A_326 : i32
        %select_n3A_328 = arith.select %and3A_325, %sub3A_327, %div3A_306 : i32
        %mul3A_329 = arith.constant 1000 : i32
        %mul3A_330 = arith.muli %select_n3A_328, %mul3A_329 : i32
        %jit3A_331 = arith.constant 25 : i32
        %eq3A_332 = arith.constant 0 : i32
        %eq3A_333 = arith.cmpi eq, %jit3A_331, %eq3A_332 : i32
        %jit3A_334 = arith.constant 1 : i32
        %select_n3A_335 = arith.select %eq3A_333, %jit3A_334, %jit3A_331 : i32
        %rem3A_336 = arith.remsi %add3A_304, %select_n3A_335 : i32
        %ne3A_337 = arith.constant 0 : i32
        %ne3A_338 = arith.cmpi ne, %rem3A_336, %ne3A_337 : i32
        %lt3A_339 = arith.constant 0 : i32
        %lt3A_340 = arith.cmpi slt, %rem3A_336, %lt3A_339 : i32
        %lt3A_341 = arith.constant 0 : i32
        %lt3A_342 = arith.cmpi slt, %select_n3A_335, %lt3A_341 : i32
        %ne3A_343 = arith.xori %lt3A_340, %lt3A_342 : i1
        %and3A_344 = arith.andi %ne3A_343, %ne3A_338 : i1
        %add3A_345 = arith.addi %rem3A_336, %select_n3A_335 : i32
        %select_n3A_346 = arith.select %and3A_344, %add3A_345, %rem3A_336 : i32
        %mul3A_347 = arith.constant 40 : i32
        %mul3A_348 = arith.muli %select_n3A_346, %mul3A_347 : i32
        %add3A_349 = arith.addi %mul3A_330, %mul3A_348 : i32
        %dma_start3A = arith.constant 0 : i32
        %dma_start3A_350 = tpu.memref_slice %arg3[%add3A_349, %dma_start3A] : memref<200000x1024xf32, #tpu.memory_space<hbm>> -> memref<40x1024xf32, #tpu.memory_space<hbm>>
        %dma_start3A_351 = arith.constant 0 : i32
        %dma_start3A_352 = tpu.memref_slice %arg3[%add3A_349, %dma_start3A_351] : memref<200000x1024xf32, #tpu.memory_space<hbm>> -> memref<40x1024xf32, #tpu.memory_space<hbm>>
        tpu.enqueue_dma source(%arg6 : memref<40x1024xf32, #tpu.memory_space<vmem>>) target(%dma_start3A_352 : memref<40x1024xf32, #tpu.memory_space<hbm>>) target_semaphore(%arg8 : memref<!tpu.dma_semaphore, #tpu.memory_space<semaphore_mem>>)
      } else {
      }
      %scan3A_246 = arith.constant 0 : i32
      scf.yield %scan3A_246 : i32
    }
    %scan3A_128 = arith.constant 79 : i32
    %add3A_129 = arith.constant 0 : i32
    %add3A_130 = arith.addi %select_n3A, %add3A_129 : i32
    %jit3A_131 = arith.constant 25 : i32
    %div3A_132 = arith.divsi %add3A_130, %jit3A_131 : i32
    %sign3A_133 = arith.constant 0 : i32
    %sign3A_134 = arith.cmpi sgt, %add3A_130, %sign3A_133 : i32
    %sign3A_135 = arith.extui %sign3A_134 : i1 to i32
    %sign3A_136 = arith.constant 0 : i32
    %sign3A_137 = arith.cmpi slt, %add3A_130, %sign3A_136 : i32
    %sign3A_138 = arith.extui %sign3A_137 : i1 to i32
    %sign3A_139 = arith.subi %sign3A_135, %sign3A_138 : i32
    %sign3A_140 = arith.constant 0 : i32
    %sign3A_141 = arith.cmpi sgt, %jit3A_131, %sign3A_140 : i32
    %sign3A_142 = arith.extui %sign3A_141 : i1 to i32
    %sign3A_143 = arith.constant 0 : i32
    %sign3A_144 = arith.cmpi slt, %jit3A_131, %sign3A_143 : i32
    %sign3A_145 = arith.extui %sign3A_144 : i1 to i32
    %sign3A_146 = arith.subi %sign3A_142, %sign3A_145 : i32
    %ne3A_147 = arith.cmpi ne, %sign3A_139, %sign3A_146 : i32
    %rem3A_148 = arith.remsi %add3A_130, %jit3A_131 : i32
    %ne3A_149 = arith.constant 0 : i32
    %ne3A_150 = arith.cmpi ne, %rem3A_148, %ne3A_149 : i32
    %and3A_151 = arith.andi %ne3A_147, %ne3A_150 : i1
    %sub3A_152 = arith.constant 1 : i32
    %sub3A_153 = arith.subi %div3A_132, %sub3A_152 : i32
    %select_n3A_154 = arith.select %and3A_151, %sub3A_153, %div3A_132 : i32
    %mul3A_155 = arith.constant 1000 : i32
    %mul3A_156 = arith.muli %select_n3A_154, %mul3A_155 : i32
    %jit3A_157 = arith.constant 25 : i32
    %eq3A = arith.constant 0 : i32
    %eq3A_158 = arith.cmpi eq, %jit3A_157, %eq3A : i32
    %jit3A_159 = arith.constant 1 : i32
    %select_n3A_160 = arith.select %eq3A_158, %jit3A_159, %jit3A_157 : i32
    %rem3A_161 = arith.remsi %add3A_130, %select_n3A_160 : i32
    %ne3A_162 = arith.constant 0 : i32
    %ne3A_163 = arith.cmpi ne, %rem3A_161, %ne3A_162 : i32
    %lt3A = arith.constant 0 : i32
    %lt3A_164 = arith.cmpi slt, %rem3A_161, %lt3A : i32
    %lt3A_165 = arith.constant 0 : i32
    %lt3A_166 = arith.cmpi slt, %select_n3A_160, %lt3A_165 : i32
    %ne3A_167 = arith.xori %lt3A_164, %lt3A_166 : i1
    %and3A_168 = arith.andi %ne3A_167, %ne3A_163 : i1
    %add3A_169 = arith.addi %rem3A_161, %select_n3A_160 : i32
    %select_n3A_170 = arith.select %and3A_168, %add3A_169, %rem3A_161 : i32
    %mul3A_171 = arith.constant 40 : i32
    %mul3A_172 = arith.muli %select_n3A_170, %mul3A_171 : i32
    %add3A_173 = arith.addi %mul3A_156, %mul3A_172 : i32
    %dma_wait3A = arith.constant 0 : i32
    %dma_wait3A_174 = tpu.memref_slice %arg3[%add3A_173, %dma_wait3A] : memref<200000x1024xf32, #tpu.memory_space<hbm>> -> memref<40x1024xf32, #tpu.memory_space<hbm>>
    %dma_wait3A_175 = arith.constant 0 : i32
    %dma_wait3A_176 = tpu.memref_slice %arg3[%add3A_173, %dma_wait3A_175] : memref<200000x1024xf32, #tpu.memory_space<hbm>> -> memref<40x1024xf32, #tpu.memory_space<hbm>>
    tpu.wait_dma2 semaphore(%arg7 : memref<!tpu.dma_semaphore, #tpu.memory_space<semaphore_mem>>) src(%arg5 : memref<40x1024xf32, #tpu.memory_space<vmem>>) dst(%dma_wait3A_176 : memref<40x1024xf32, #tpu.memory_space<hbm>>)
    %add3A_177 = arith.constant 1 : i32
    %add3A_178 = arith.addi %select_n3A, %add3A_177 : i32
    %jit3A_179 = arith.constant 25 : i32
    %div3A_180 = arith.divsi %add3A_178, %jit3A_179 : i32
    %sign3A_181 = arith.constant 0 : i32
    %sign3A_182 = arith.cmpi sgt, %add3A_178, %sign3A_181 : i32
    %sign3A_183 = arith.extui %sign3A_182 : i1 to i32
    %sign3A_184 = arith.constant 0 : i32
    %sign3A_185 = arith.cmpi slt, %add3A_178, %sign3A_184 : i32
    %sign3A_186 = arith.extui %sign3A_185 : i1 to i32
    %sign3A_187 = arith.subi %sign3A_183, %sign3A_186 : i32
    %sign3A_188 = arith.constant 0 : i32
    %sign3A_189 = arith.cmpi sgt, %jit3A_179, %sign3A_188 : i32
    %sign3A_190 = arith.extui %sign3A_189 : i1 to i32
    %sign3A_191 = arith.constant 0 : i32
    %sign3A_192 = arith.cmpi slt, %jit3A_179, %sign3A_191 : i32
    %sign3A_193 = arith.extui %sign3A_192 : i1 to i32
    %sign3A_194 = arith.subi %sign3A_190, %sign3A_193 : i32
    %ne3A_195 = arith.cmpi ne, %sign3A_187, %sign3A_194 : i32
    %rem3A_196 = arith.remsi %add3A_178, %jit3A_179 : i32
    %ne3A_197 = arith.constant 0 : i32
    %ne3A_198 = arith.cmpi ne, %rem3A_196, %ne3A_197 : i32
    %and3A_199 = arith.andi %ne3A_195, %ne3A_198 : i1
    %sub3A_200 = arith.constant 1 : i32
    %sub3A_201 = arith.subi %div3A_180, %sub3A_200 : i32
    %select_n3A_202 = arith.select %and3A_199, %sub3A_201, %div3A_180 : i32
    %mul3A_203 = arith.constant 1000 : i32
    %mul3A_204 = arith.muli %select_n3A_202, %mul3A_203 : i32
    %jit3A_205 = arith.constant 25 : i32
    %eq3A_206 = arith.constant 0 : i32
    %eq3A_207 = arith.cmpi eq, %jit3A_205, %eq3A_206 : i32
    %jit3A_208 = arith.constant 1 : i32
    %select_n3A_209 = arith.select %eq3A_207, %jit3A_208, %jit3A_205 : i32
    %rem3A_210 = arith.remsi %add3A_178, %select_n3A_209 : i32
    %ne3A_211 = arith.constant 0 : i32
    %ne3A_212 = arith.cmpi ne, %rem3A_210, %ne3A_211 : i32
    %lt3A_213 = arith.constant 0 : i32
    %lt3A_214 = arith.cmpi slt, %rem3A_210, %lt3A_213 : i32
    %lt3A_215 = arith.constant 0 : i32
    %lt3A_216 = arith.cmpi slt, %select_n3A_209, %lt3A_215 : i32
    %ne3A_217 = arith.xori %lt3A_214, %lt3A_216 : i1
    %and3A_218 = arith.andi %ne3A_217, %ne3A_212 : i1
    %add3A_219 = arith.addi %rem3A_210, %select_n3A_209 : i32
    %select_n3A_220 = arith.select %and3A_218, %add3A_219, %rem3A_210 : i32
    %mul3A_221 = arith.constant 40 : i32
    %mul3A_222 = arith.muli %select_n3A_220, %mul3A_221 : i32
    %add3A_223 = arith.addi %mul3A_204, %mul3A_222 : i32
    %dma_wait3A_224 = arith.constant 0 : i32
    %dma_wait3A_225 = tpu.memref_slice %arg3[%add3A_223, %dma_wait3A_224] : memref<200000x1024xf32, #tpu.memory_space<hbm>> -> memref<40x1024xf32, #tpu.memory_space<hbm>>
    %dma_wait3A_226 = arith.constant 0 : i32
    %dma_wait3A_227 = tpu.memref_slice %arg3[%add3A_223, %dma_wait3A_226] : memref<200000x1024xf32, #tpu.memory_space<hbm>> -> memref<40x1024xf32, #tpu.memory_space<hbm>>
    tpu.wait_dma2 semaphore(%arg8 : memref<!tpu.dma_semaphore, #tpu.memory_space<semaphore_mem>>) src(%arg6 : memref<40x1024xf32, #tpu.memory_space<vmem>>) dst(%dma_wait3A_227 : memref<40x1024xf32, #tpu.memory_space<hbm>>)
    return
  }
}

</mosaic_0001>

<sc_bundles>
// kernel: kernel.3.cloned.1.call-start
scs
__scs_entry_jumppad:
0x0: {  	(pc) =	sbr.rel $0x88, $3  }
0x1: {  	(tag) =	ssettag $0x0;
	lr =	simm.s32 $0x1  }
0x2: {  	[smem:$0x3FA0] =	sst lr;
	_ =	strace $0xD0000000  }
0x3: {  	_ = 	snop  }
0x4: {  	_ = 	snop  }
0x5: {  	_ = 	snop  }
0x6: {  	_ = 	snop  }
0x7: {  	_ = 	snop  }
__scs_overlays_trampoline_lowered:
0x8: {  	[smem:$0x3FAF] =	sst s0  }
0x9: {  	[smem:$0x3FB0] =	sst s1  }
0xa: {  	[smem:$0x3FB1] =	sst s2  }
0xb: {  	[smem:$0x3FB2] =	sst s3  }
0xc: {  	[smem:$0x3FB3] =	sst s4  }
0xd: {  	[smem:$0x3FB4] =	sst s5  }
0xe: {  	[smem:$0x3FB5] =	sst s6  }
0xf: {  	[smem:$0x3FB6] =	sst s7  }
0x10: {  	[smem:$0x3FB7] =	sst s8  }
0x11: {  	[smem:$0x3FB8] =	sst s9;
	s0 =	simm.s32 @!p0 $0x0  }
0x12: {  	s1 =	sld [smem:$0x3F9E];
	s0 =	simm.s32 @p0 $0x1  }
0x13: {  	[smem:$0x3FB9] =	sst s0;
	s0 =	simm.s32 @!p1 $0x0  }
0x14: {  	s2 =	sld [smem:$0x3F9D];
	s0 =	simm.s32 @p1 $0x1  }
0x15: {  	[smem:$0x3FBA] =	sst s0;
	s0 =	simm.s32 @!p2 $0x0  }
0x16: {  	s3 =	sld [smem:$0x3FDB];
	s0 =	simm.s32 @p2 $0x1  }
0x17: {  	s4 =	simm.s32 $0x1BF5;
	[smem:$0x3FBC] =	sst s0  }
0x18: {  	s0 =	sld [smem:$0x3F9F];
	_ =	swait.ge [sflag:s4], $0x0  }
0x19: {  	s7 =	sld [smem:$0x3FA0]  }
0x1a: {  	s8 =	sadd.s32 $0xFFFFE003, lr  }
0x1b: {  	s9 =	sadd.s32 $0xFFFFFEF7, lr;
	s5 =	simm.s32 $0xFFFFFFFF;
	p2 =	slt.u32 s8, $0xFFFFF086  }
0x1c: {  	p1 =	slt.u32 s9, $0xF7A;
	s5 =	simm.s32 @!p2 $0x0  }
0x1d: {  	s5 =	simm.s32 @p1 $0x1;
	p0 =	seq.s32 s7, s2  }
0x1e: {  	s7 =	smul.u32 @!p0 $0xF7A, s2;
	p2 =	seq.s32 @!p0 s5, $0x0  }
0x1f: {  	s9 =	smul.u32 $0xF7A, s1;
	s8 =	simm.s32 @!p0 $0x1BF5;
	p2 =	por !p2, p0  }
0x20: {  	[sflag:s8] =	ssyncset.s32 @!p0 $0xFFFFF086;
	s6 =	sadd.s32 @!p0 s3, s7;
	s7 =	simm.s32 @!p0 $0x108  }
0x21: {  	s3 =	sadd.s32 s3, s9;
	s6 =	sadd.s32 @!p0 $0x88, s6;
	s7 =	simm.s32 @p2 $0x1082  }
0x22: {  	[simem:s7], [sflag:s8] =	dma.local @!p0 [hbm:s6], $0xF7A  }
0x23: {  	s9 =	sor.u32 $0xD0000000, s2;
	s6 =	simm.s32 $0x108;
	_ =	swait.ge @!p0 [sflag:s8], $0x0  }
0x24: {  	s3 =	sadd.s32 $0x88, s3;
	s6 =	simm.s32 @!p1 $0x1082;
	[sflag:s4] =	ssyncset.s32 $0xFFFFF086  }
0x25: {  	[simem:s6], [sflag:s4] =	dma.local [hbm:s3], $0xF7A  }
0x26: {  	[smem:$0x3FA0] =	sst s1;
	(tag) =	ssettag s2;
	_ =	strace s9  }
0x27: {  	s1 =	sld [smem:$0x3FB0]  }
0x28: {  	s2 =	sld [smem:$0x3FB1]  }
0x29: {  	s4 =	sld [smem:$0x3FB3]  }
0x2a: {  	p0 =	seq.s32 s5, $0x0;
	s5 =	sld [smem:$0x3FB4]  }
0x2b: {  	s6 =	sld [smem:$0x3FB5]  }
0x2c: {  	s7 =	sld [smem:$0x3FB6]  }
0x2d: {  	s3 =	simm.s32 $0x108;
	s8 =	sld [smem:$0x3FB7]  }
0x2e: {  	s3 =	simm.s32 @!p0 $0x1082;
	s9 =	sld [smem:$0x3FB8]  }
0x2f: {  	lr =	sadd.s32 s0, s3;
	s0 =	sld [smem:$0x3FAF]  }
0x30: {  	s3 =	sld [smem:$0x3FB2]  }
0x31: {  	[smem:$0x3FBB] =	sst s10  }
0x32: {  	s10 =	sld [smem:$0x3FB9];
	_ =	sdelay $0x3  }
0x33: {  	p0 =	seq.s32 s10, $0x1;
	s10 =	sld [smem:$0x3FBB];
	_ =	sdelay $0x3  }
0x34: {  	[smem:$0x3FBB] =	sst s10  }
0x35: {  	s10 =	sld [smem:$0x3FBA];
	_ =	sdelay $0x3  }
0x36: {  	p1 =	seq.s32 s10, $0x1;
	s10 =	sld [smem:$0x3FBB];
	_ =	sdelay $0x3  }
0x37: {  	[smem:$0x3FBB] =	sst s10  }
0x38: {  	s10 =	sld [smem:$0x3FBC]  }
0x39: {  	_ = 	snop;
	(pc) =	sbr.ind lr, $3  }
0x3a: {  	_ = 	snop  }
0x3b: {  	_ = 	snop  }
0x3c: {  	p2 =	seq.s32 s10, $0x1;
	s10 =	sld [smem:$0x3FBB]  }
0x3d: {  	_ =	shalt  }
0x3e: {  	_ =	shalt  }
0x3f: {  	_ =	shalt  }
0x40: {  	_ =	shalt  }
0x41: {  	_ =	shalt  }
0x42: {  	_ =	shalt  }
0x43: {  	_ =	shalt  }
0x44: {  	_ =	shalt  }
0x45: {  	_ =	shalt  }
0x46: {  	_ =	shalt  }
0x47: {  	_ =	shalt  }
0x48: {  	_ =	shalt  }
0x49: {  	_ =	shalt  }
0x4a: {  	_ =	shalt  }
0x4b: {  	_ =	shalt  }
0x4c: {  	_ =	shalt  }
0x4d: {  	_ =	shalt  }
0x4e: {  	_ =	shalt  }
0x4f: {  	_ =	shalt  }
0x50: {  	_ =	shalt  }
0x51: {  	_ =	shalt  }
0x52: {  	_ =	shalt  }
0x53: {  	_ =	shalt  }
0x54: {  	_ =	shalt  }
0x55: {  	_ =	shalt  }
0x56: {  	_ =	shalt  }
0x57: {  	_ =	shalt  }
0x58: {  	_ =	shalt  }
0x59: {  	_ =	shalt  }
0x5a: {  	_ =	shalt  }
0x5b: {  	_ =	shalt  }
0x5c: {  	_ =	shalt  }
0x5d: {  	_ =	shalt  }
0x5e: {  	_ =	shalt  }
0x5f: {  	_ =	shalt  }
0x60: {  	_ =	shalt  }
0x61: {  	_ =	shalt  }
0x62: {  	_ =	shalt  }
0x63: {  	_ =	shalt  }
0x64: {  	_ =	shalt  }
0x65: {  	_ =	shalt  }
0x66: {  	_ =	shalt  }
0x67: {  	_ =	shalt  }
0x68: {  	_ =	shalt  }
0x69: {  	_ =	shalt  }
0x6a: {  	_ =	shalt  }
0x6b: {  	_ =	shalt  }
0x6c: {  	_ =	shalt  }
0x6d: {  	_ =	shalt  }
0x6e: {  	_ =	shalt  }
0x6f: {  	_ =	shalt  }
0x70: {  	_ =	shalt  }
0x71: {  	_ =	shalt  }
0x72: {  	_ =	shalt  }
0x73: {  	_ =	shalt  }
0x74: {  	_ =	shalt  }
0x75: {  	_ =	shalt  }
0x76: {  	_ =	shalt  }
0x77: {  	_ =	shalt  }
0x78: {  	_ =	shalt  }
0x79: {  	_ =	shalt  }
0x7a: {  	_ =	shalt  }
0x7b: {  	_ =	shalt  }
0x7c: {  	_ =	shalt  }
0x7d: {  	_ =	shalt  }
0x7e: {  	_ =	shalt  }
0x7f: {  	_ =	shalt  }
0x80: {  	_ =	shalt  }
0x81: {  	_ =	shalt  }
0x82: {  	_ =	shalt  }
0x83: {  	_ =	shalt  }
0x84: {  	_ =	shalt  }
0x85: {  	_ =	shalt  }
0x86: {  	_ =	shalt  }
0x87: {  	_ =	shalt  }
.Lfunc_end0:
.L_simem_size_0:
called_computation_lowered:
.L_overlay_start_0:
0x88: {  	s2 =	sld [smem:$0x3FD9]  }
0x89: {  	s3 =	sld [smem:$0x3FFE];
	_ =	sdelay $0x1  }
0x8a: {  	s1 =	srdreg.scid  }
0x8b: {  	s0 =	sand.u32 $0x1, s1  }
0x8c: {  	s17 =	sshll.u32 s0, $0xA;
	s2 =	sadd.s32 s3, s2  }
0x8d: {  	s2 =	sadd.s32 s2, s17  }
0x8e: {  	[smem:$0x3FC7] =	sst s2  }
0x8f: {  	_ = 	snop  }
0x90: {  	s2 =	sld [smem:$0x3FD0];
	(tm) =	ssettm $0x1  }
0x91: {  	s18 =	sld [smem:$0x3FFB];
	_ =	sdelay $0x3  }
0x92: {  	_ =	strace s18  }
0x93: {  	s3 =	sld [smem:$0x3FFC];
	_ =	sdelay $0x3  }
0x94: {  	_ =	strace s3  }
0x95: {  	s3 =	sld [smem:$0x3FFD];
	_ =	sdelay $0x3  }
0x96: {  	_ =	strace s3  }
0x97: {  	_ =	strace $0x8FFFFFFF  }
0x98: {  	s19 =	sld [smem:$0x3FDB];
	_ =	sdelay $0x1  }
0x99: {  	s4 =	simm.s32 $_scs_section_size  }
0x9a: {  	s5 =	simm.s32 $_size__tile_overlayer_lowered;
	s6 =	simm.s32 $_tile_overlayer_lowered  }
0x9b: {  	s22 =	simm.s32 $0x1BFF;
	s21 =	sshll.u32 s6, $0x1;
	s3 =	sadd.s32 s4, s19  }
0x9c: {  	s7 =	simm.s32 $0x0;
	s20 =	sshll.u32 s5, $0x1;
	s5 =	sadd.s32 s21, s3  }
0x9d: {  	[timem:s7], [sflag:s22] =	dma.local [hbm:s5], s20  }
0x9e: {  	_ =	swait.ge [sflag:s22], s20  }
0x9f: {  	s4 =	ssub.s32 $0x0, s20;
	[sflag:s22] =	ssyncset.done $0x0  }
0xa0: {  	[sflag:s22] =	ssyncadd.s32 s4;
	_ =	sdelay $0x1  }
0xa1: {  	s23 =	simm.s32 $0x1B8B  }
0xa2: {  	_ =	swait.ge [sflag:s23], $0x1  }
0xa3: {  	[sflag:s23] =	ssyncset.done $0x0  }
0xa4: {  	s25 =	simm.s32 $0x1B8E;
	s24 =	sld [smem:$0x3FFE];
	[sflag:s23] =	ssyncadd.s32 $0xFFFFFFFF  }
0xa5: {  	s26 =	simm.s32 $execute0_lowered;
	[smem:$0x3FD2] =	sst s25  }
0xa6: {  	s5 =	sshll.u32 s26, $0x1;
	_ =	strace $0x80000046;
	[dreg:$0x1] =	wrdreg $0xFFFFFFFF  }
0xa7: {  	s28 =	simm.s32 $_size_execute0_lowered;
	s3 =	sadd.s32 s3, s5;
	[dreg:$0x0] =	wrdreg $0x0  }
0xa8: {  	s5 =	sshll.u32 s28, $0x1;
	[dreg:$0x2] =	wrdreg s3  }
0xa9: {  	[dreg:$0x3] =	wrdreg s5  }
0xaa: {  	[dreg:$0x4] =	wrdreg $0xC0  }
0xab: {  	_ =	task [dreg:s7], $0x5FFFF  }
0xac: {  	[dreg:$0x1] =	wrdreg $0xFFFFFFFF  }
0xad: {  	[dreg:$0x0] =	wrdreg $0x60  }
0xae: {  	[dreg:$0x2] =	wrdreg s24  }
0xaf: {  	[dreg:$0x3] =	wrdreg s2  }
0xb0: {  	[dreg:$0x4] =	wrdreg $0x9  }
0xb1: {  	_ =	task.clear_ibuf [dreg:s7], $0x5FFFF;
	_ =	strace $0x90000046  }
0xb2: {  	s29 =	simm.s32 $0x9;
	_ =	strace $0x80000048  }
0xb3: {  	_ =	swait.ge [sflag:s29], $0x1  }
0xb4: {  	[sflag:s29] =	ssyncadd.s32 $0xFFFFFFFF  }
0xb5: {  	_ =	strace $0x90000048  }
0xb6: {  	_ =	sfence  }
0xb7: {  	s30 =	sld [smem:$0x0];
	_ =	sdelay $0x2  }
0xb8: {  	s31 =	sshll.u32 s1, $0xD;
	s1 =	sshrl.u32 s1, $0x2  }
0xb9: {  	s3 =	sand.u32 $0x4000, s31;
	s1 =	sadd.s32 s1, s30  }
0xba: {  	s0 =	sor.u32 s3, s0;
	s1 =	sshll.u32 s1, $0x11  }
0xbb: {  	s0 =	sor.u32 s1, s0  }
0xbc: {  	s0 =	sadd.s32 $0x8F2B, s0  }
0xbd: {  	[sflag:s0] =	ssyncadd.remote.s32 $0x1  }
0xbe: {  	_ =	sfence.sel $0xFFFF  }
0xbf: {  	[dreg:$0x0] =	wrdreg $0xFFFFFFFF;
	(pc) =	sbr.abs _section_cstart, $3  }
0xc0: {  	[dreg:$0x1] =	wrdreg $0xFFFFFFFF  }
0xc1: {  	_ =	task.clear_ibuf [dreg:s7], $0x2FFFF;
	_ =	strace $0x9FFFFFFF  }
0xc2: {  	(tm) =	ssettm $0x7FFFFFFF  }
0xc3: {  	_ =	shalt  }
tec
execute0_lowered:
.L_overlay_start_1:
0x0: {  	(tag) =	ssettag $0x1  }
0x1: {  	s1 =	srdreg.scid;
	s0 =	stileid.u32  }
0x2: {  	s5 =	sand.u32 $0x1, s1;
	s25 =	sshll.u32 s0, $0x1  }
0x3: {  	s1 =	sor.u32 s5, s25  }
0x4: {  	s9 =	rddreg [dreg:$0x0];
	s6 =	smul.u32 $0x1388, s1  }
0x5: {  	s2 =	rddreg [dreg:$0x1]  }
0x6: {  	s3 =	simm.s32 $0x0;
	s14 =	simm.s32 $0xC000;
	s1 =	sadd.s32 $0x1388, s6  }
0x7: {  	s15 =	simm.s32 $0x2;
	s11 =	smul.u32 $0x2710, s0;
	s7 =	sshrl.u32 s1, $0x5  }
0x8: {  	s16 =	simm.s32 $0x0;
	s13 =	smul.u32 $0x1388, s5;
	s8 =	sadd.s32 $0xFFFFFFFF, s7  }
0x9: {  	[smem:$0x7FF] =	sst s3;
	s5 =	ssub.s32 $0x2, s5;
	s26 =	sand.u32 $0xFFFF, s8  }
0xa: {  	s28 =	sshrl.u32 s5, $0x1;
	s11 =	sadd.s32 s13, s11;
	s10 =	smul.u32 $0x47AF, s26  }
0xb: {  	s30 =	ssub.s32 s5, s28;
	s13 =	simm.s32 $0x1;
	s4 =	smulhi.u32 $0x51EB86, s6  }
0xc: {  	s29 =	smulhi.u32 $0x51EB86, s11;
	s5 =	sshrl.u32 s6, $0x5;
	s10 =	sshrl.u32 s10, $0x10  }
0xd: {  	s11 =	simm.s32 $0x3;
	s1 =	rddreg [dreg:$0x2];
	s8 =	ssub.s32 s8, s10  }
0xe: {  	_ =	strace $0x80000047;
	s12 =	sshll.u32 s4, $0x7;
	s8 =	sand.u32 $0xFFFE, s8  }
.Ltmp0:
0xf: {  	v0 =	vimm.f32 $0.0e+00;
	s6 =	ssub.s32 s7, s5;
	s8 =	sshrl.u32 s8, $0x1;
	(pc) =	sbr.rel .LBB2_1-.Ltmp0, $4  }
0x10: {  	v2 =	vimm.s32 $0x0;
	vm0 =	vcmask $0x300;
	v1 =	vlaneseq.u32;
	s9 =	sadd.s32 s12, s9;
	s12 =	simm.s32 $0x2000;
	s8 =	sadd.s32 s10, s8  }
0x11: {  	v3 =	vimm.f32 $1.000000000e+00;
	v2 =	vsel vm0, $0xA, v2;
	v4 =	vor.u32 $0x10, v1;
	s7 =	sadd.s32 $0x400, s9;
	s10 =	sshll.u32 s29, $0xC;
	s8 =	sshrl.u32 s8, $0x4  }
0x12: {  	v5 =	vor.u32 $0x20, v1;
	v6 =	vor.u32 $0x30, v1;
	v7 =	vor.u32 $0x40, v1;
	s10 =	ssub.s32 $0x100, s10;
	s31 =	ssub.s32 s8, s4;
	s8 =	sadd.s32 $0x780, s9  }
0x13: {  	v8 =	vor.u32 $0x50, v1;
	v9 =	vor.u32 $0x60, v1;
	v10 =	vor.u32 $0x70, v1;
	s9 =	smax.u32 s30, $0x1;
	s10 =	sshra.s32 s10, $0x2;
	p0 =	slt.s32 s31, $0x7  }
.LBB2_20:
0x14: {  	s16 =	sadd.s32 $0x1, s16  }
0x15: {  	_ =	swait.ge [sflag:s13], $0xA000;
	p1 =	sne.s32 s16, s9  }
.Ltmp1:
0x16: {  	[sflag:s13] =	ssyncset.done $0x0;
	(pc) =	sbr.rel @!p1 .LBB2_21-.Ltmp1, $4  }
0x17: {  	[sflag:s13] =	ssyncadd.s32 $0xFFFF6000  }
0x18: {  	_ =	swait.ge [sflag:s15], $0xA000  }
0x19: {  	[sflag:s15] =	ssyncset.done $0x0  }
0x1a: {  	[sflag:s15] =	ssyncadd.s32 $0xFFFF6000  }
.LBB2_1:
0x1b: {  	[tilespmem:s3], [sflag:$0x3] =	stream.linear.gather [hbm4b:s7+s3], $0x1C00, $0x38;
	[tilespmem:$0x16000] =	vst v63  }
0x1c: {  	_ =	swait.ge [sflag:s11], $0x1C00  }
0x1d: {  	[sflag:s11] =	ssyncset.done $0x0  }
0x1e: {  	s17 =	simm.s32 @!p0 $0x0;
	s18 =	simm.s32 @!p0 $0x1C00;
	[sflag:s11] =	ssyncadd.s32 $0xFFFFE400  }
0x1f: {  	[tilespmem:s18], [sflag:$0x3] =	stream.linear.gather @!p0 [hbm4b:s8+s17], $0x400, $0x38;
	[tilespmem:$0x16000] =	vst v63  }
0x20: {  	s17 =	simm.s32 @!p0 $0x3  }
0x21: {  	s19 =	simm.s32 $0xFFFF6000;
	_ =	swait.ge @!p0 [sflag:s17], $0x400  }
0x22: {  	s20 =	simm.s32 $0x0;
	s21 =	simm.s32 $0x0;
	[sflag:s17] =	ssyncset.done @!p0 $0x0  }
0x23: {  	s22 =	simm.s32 $0x0;
	s18 =	simm.s32 $0xFFFF6000;
	[sflag:s17] =	ssyncadd.s32 @!p0 $0xFFFFFC00  }
.LBB2_2:
0x24: {  	s17 =	sadd.s32 $0xA000, s19  }
0x25: {  	s23 =	sand.u32 $0x380, s22;
	s17 =	sand.u32 $0xE000, s17  }
0x26: {  	s17 =	sor.u32 s23, s17  }
0x27: {  	[tilespmem:s17+$0x2000] =	vst v0  }
0x28: {  	[tilespmem:s17+$0x2010] =	vst v0  }
0x29: {  	[tilespmem:s17+$0x2020] =	vst v0  }
0x2a: {  	[tilespmem:s17+$0x2030] =	vst v0  }
0x2b: {  	[tilespmem:s17+$0x2040] =	vst v0  }
0x2c: {  	[tilespmem:s17+$0x2050] =	vst v0  }
0x2d: {  	[tilespmem:s17+$0x2060] =	vst v0  }
0x2e: {  	[tilespmem:s17+$0x2070] =	vst v0  }
0x2f: {  	[tilespmem:s17+$0x2400] =	vst v0  }
0x30: {  	[tilespmem:s17+$0x2410] =	vst v0  }
0x31: {  	[tilespmem:s17+$0x2420] =	vst v0  }
0x32: {  	[tilespmem:s17+$0x2430] =	vst v0  }
0x33: {  	[tilespmem:s17+$0x2440] =	vst v0  }
0x34: {  	[tilespmem:s17+$0x2450] =	vst v0  }
0x35: {  	[tilespmem:s17+$0x2460] =	vst v0  }
0x36: {  	[tilespmem:s17+$0x2470] =	vst v0  }
0x37: {  	[tilespmem:s17+$0x2800] =	vst v0  }
0x38: {  	[tilespmem:s17+$0x2810] =	vst v0  }
0x39: {  	[tilespmem:s17+$0x2820] =	vst v0  }
0x3a: {  	[tilespmem:s17+$0x2830] =	vst v0  }
0x3b: {  	[tilespmem:s17+$0x2840] =	vst v0  }
0x3c: {  	[tilespmem:s17+$0x2850] =	vst v0  }
0x3d: {  	[tilespmem:s17+$0x2860] =	vst v0  }
0x3e: {  	[tilespmem:s17+$0x2870] =	vst v0  }
0x3f: {  	[tilespmem:s17+$0x2C00] =	vst v0  }
0x40: {  	[tilespmem:s17+$0x2C10] =	vst v0  }
0x41: {  	[tilespmem:s17+$0x2C20] =	vst v0  }
0x42: {  	[tilespmem:s17+$0x2C30] =	vst v0  }
0x43: {  	[tilespmem:s17+$0x2C40] =	vst v0  }
0x44: {  	[tilespmem:s17+$0x2C50] =	vst v0  }
0x45: {  	[tilespmem:s17+$0x2C60] =	vst v0  }
0x46: {  	[tilespmem:s17+$0x2C70] =	vst v0  }
0x47: {  	[tilespmem:s17+$0x3000] =	vst v0  }
0x48: {  	[tilespmem:s17+$0x3010] =	vst v0  }
0x49: {  	[tilespmem:s17+$0x3020] =	vst v0  }
0x4a: {  	[tilespmem:s17+$0x3030] =	vst v0  }
0x4b: {  	[tilespmem:s17+$0x3040] =	vst v0  }
0x4c: {  	[tilespmem:s17+$0x3050] =	vst v0  }
0x4d: {  	[tilespmem:s17+$0x3060] =	vst v0  }
0x4e: {  	[tilespmem:s17+$0x3070] =	vst v0  }
0x4f: {  	[tilespmem:s17+$0x3400] =	vst v0  }
0x50: {  	[tilespmem:s17+$0x3410] =	vst v0  }
0x51: {  	[tilespmem:s17+$0x3420] =	vst v0  }
0x52: {  	[tilespmem:s17+$0x3430] =	vst v0  }
0x53: {  	[tilespmem:s17+$0x3440] =	vst v0  }
0x54: {  	[tilespmem:s17+$0x3450] =	vst v0  }
0x55: {  	[tilespmem:s17+$0x3460] =	vst v0  }
0x56: {  	[tilespmem:s17+$0x3470] =	vst v0  }
0x57: {  	[tilespmem:s17+$0x3800] =	vst v0  }
0x58: {  	[tilespmem:s17+$0x3810] =	vst v0  }
0x59: {  	[tilespmem:s17+$0x3820] =	vst v0  }
0x5a: {  	[tilespmem:s17+$0x3830] =	vst v0  }
0x5b: {  	s31 =	sand.u32 $0x7, s20;
	[tilespmem:s17+$0x3840] =	vst v0  }
0x5c: {  	s23 =	sshll.u32 s31, $0x7;
	[tilespmem:s17+$0x3850] =	vst v0  }
0x5d: {  	s23 =	sadd.s32 s23, s21;
	[tilespmem:s17+$0x3860] =	vst v0  }
0x5e: {  	[tilespmem:s17+$0x3870] =	vst v0;
	s24 =	sor.u32 $0x1C00, s23  }
0x5f: {  	s25 =	sor.u32 $0x1C10, s23;
	[tilespmem:s24+$0x2000] =	vst v0  }
0x60: {  	s26 =	sor.u32 $0x1C20, s23;
	[tilespmem:s25+$0x2000] =	vst v0  }
0x61: {  	p1 =	sne.s32 s22, $0x1380;
	s28 =	sor.u32 $0x1C30, s23;
	[tilespmem:s26+$0x2000] =	vst v0  }
.Ltmp2:
0x62: {  	s29 =	sor.u32 $0x1C40, s23;
	[tilespmem:s28+$0x2000] =	vst v0;
	(pc) =	sbr.rel @p1 .LBB2_2-.Ltmp2, $4  }
0x63: {  	s30 =	sor.u32 $0x1C50, s23;
	[tilespmem:s29+$0x2000] =	vst v0  }
0x64: {  	s31 =	sor.u32 $0x1C60, s23;
	[tilespmem:s30+$0x2000] =	vst v0  }
0x65: {  	s20 =	sadd.s32 $0x1, s20;
	s19 =	sadd.s32 $0x400, s19;
	s23 =	sor.u32 $0x1C70, s23;
	[tilespmem:s31+$0x2000] =	vst v0  }
0x66: {  	s22 =	sadd.s32 $0x80, s22;
	s21 =	sadd.s32 $0x400, s21;
	s17 =	simm.s32 $0x0;
	[tilespmem:s23+$0x2000] =	vst v0  }
0x67: {  	s19 =	simm.s32 $0x0;
	s20 =	simm.s32 $0x0;
	s21 =	simm.s32 $0x0  }
.LBB2_4:
0x68: {  	s22 =	sadd.s32 $0xA000, s18  }
0x69: {  	s23 =	sand.u32 $0x380, s21;
	s22 =	sand.u32 $0xE000, s22  }
0x6a: {  	s22 =	sor.u32 s23, s22  }
0x6b: {  	[tilespmem:s22+$0xC000] =	vst v0  }
0x6c: {  	[tilespmem:s22+$0xC010] =	vst v0  }
0x6d: {  	[tilespmem:s22+$0xC020] =	vst v0  }
0x6e: {  	[tilespmem:s22+$0xC030] =	vst v0  }
0x6f: {  	[tilespmem:s22+$0xC040] =	vst v0  }
0x70: {  	[tilespmem:s22+$0xC050] =	vst v0  }
0x71: {  	[tilespmem:s22+$0xC060] =	vst v0  }
0x72: {  	[tilespmem:s22+$0xC070] =	vst v0  }
0x73: {  	[tilespmem:s22+$0xC400] =	vst v0  }
0x74: {  	[tilespmem:s22+$0xC410] =	vst v0  }
0x75: {  	[tilespmem:s22+$0xC420] =	vst v0  }
0x76: {  	[tilespmem:s22+$0xC430] =	vst v0  }
0x77: {  	[tilespmem:s22+$0xC440] =	vst v0  }
0x78: {  	[tilespmem:s22+$0xC450] =	vst v0  }
0x79: {  	[tilespmem:s22+$0xC460] =	vst v0  }
0x7a: {  	[tilespmem:s22+$0xC470] =	vst v0  }
0x7b: {  	[tilespmem:s22+$0xC800] =	vst v0  }
0x7c: {  	[tilespmem:s22+$0xC810] =	vst v0  }
0x7d: {  	[tilespmem:s22+$0xC820] =	vst v0  }
0x7e: {  	[tilespmem:s22+$0xC830] =	vst v0  }
0x7f: {  	[tilespmem:s22+$0xC840] =	vst v0  }
0x80: {  	[tilespmem:s22+$0xC850] =	vst v0  }
0x81: {  	[tilespmem:s22+$0xC860] =	vst v0  }
0x82: {  	[tilespmem:s22+$0xC870] =	vst v0  }
0x83: {  	[tilespmem:s22+$0xCC00] =	vst v0  }
0x84: {  	[tilespmem:s22+$0xCC10] =	vst v0  }
0x85: {  	[tilespmem:s22+$0xCC20] =	vst v0  }
0x86: {  	[tilespmem:s22+$0xCC30] =	vst v0  }
0x87: {  	[tilespmem:s22+$0xCC40] =	vst v0  }
0x88: {  	[tilespmem:s22+$0xCC50] =	vst v0  }
0x89: {  	[tilespmem:s22+$0xCC60] =	vst v0  }
0x8a: {  	[tilespmem:s22+$0xCC70] =	vst v0  }
0x8b: {  	[tilespmem:s22+$0xD000] =	vst v0  }
0x8c: {  	[tilespmem:s22+$0xD010] =	vst v0  }
0x8d: {  	[tilespmem:s22+$0xD020] =	vst v0  }
0x8e: {  	[tilespmem:s22+$0xD030] =	vst v0  }
0x8f: {  	[tilespmem:s22+$0xD040] =	vst v0  }
0x90: {  	[tilespmem:s22+$0xD050] =	vst v0  }
0x91: {  	[tilespmem:s22+$0xD060] =	vst v0  }
0x92: {  	[tilespmem:s22+$0xD070] =	vst v0  }
0x93: {  	[tilespmem:s22+$0xD400] =	vst v0  }
0x94: {  	[tilespmem:s22+$0xD410] =	vst v0  }
0x95: {  	[tilespmem:s22+$0xD420] =	vst v0  }
0x96: {  	[tilespmem:s22+$0xD430] =	vst v0  }
0x97: {  	[tilespmem:s22+$0xD440] =	vst v0  }
0x98: {  	[tilespmem:s22+$0xD450] =	vst v0  }
0x99: {  	[tilespmem:s22+$0xD460] =	vst v0  }
0x9a: {  	[tilespmem:s22+$0xD470] =	vst v0  }
0x9b: {  	[tilespmem:s22+$0xD800] =	vst v0  }
0x9c: {  	[tilespmem:s22+$0xD810] =	vst v0  }
0x9d: {  	[tilespmem:s22+$0xD820] =	vst v0  }
0x9e: {  	[tilespmem:s22+$0xD830] =	vst v0  }
0x9f: {  	s30 =	sand.u32 $0x7, s19;
	[tilespmem:s22+$0xD840] =	vst v0  }
0xa0: {  	s23 =	sshll.u32 s30, $0x7;
	[tilespmem:s22+$0xD850] =	vst v0  }
0xa1: {  	s23 =	sadd.s32 s23, s20;
	[tilespmem:s22+$0xD860] =	vst v0  }
0xa2: {  	[tilespmem:s22+$0xD870] =	vst v0;
	s31 =	sor.u32 $0x1C00, s23  }
0xa3: {  	s24 =	sor.u32 $0x1C10, s23;
	[tilespmem:s31+$0xC000] =	vst v0  }
0xa4: {  	s25 =	sor.u32 $0x1C20, s23;
	[tilespmem:s24+$0xC000] =	vst v0  }
0xa5: {  	p1 =	sne.s32 s21, $0x1380;
	s26 =	sor.u32 $0x1C30, s23;
	[tilespmem:s25+$0xC000] =	vst v0  }
.Ltmp3:
0xa6: {  	s28 =	sor.u32 $0x1C40, s23;
	[tilespmem:s26+$0xC000] =	vst v0;
	(pc) =	sbr.rel @p1 .LBB2_4-.Ltmp3, $4  }
0xa7: {  	s29 =	sor.u32 $0x1C50, s23;
	[tilespmem:s28+$0xC000] =	vst v0  }
0xa8: {  	s30 =	sor.u32 $0x1C60, s23;
	[tilespmem:s29+$0xC000] =	vst v0  }
0xa9: {  	s19 =	sadd.s32 $0x1, s19;
	s31 =	sor.u32 $0x1C70, s23;
	[tilespmem:s30+$0xC000] =	vst v0  }
0xaa: {  	s18 =	sadd.s32 $0x400, s18;
	s21 =	sadd.s32 $0x80, s21;
	s20 =	sadd.s32 $0x400, s20;
	[tilespmem:s31+$0xC000] =	vst v0  }
.Ltmp4:
0xab: {  	_ = 	snop;
	(pc) =	sbr.rel .LBB2_5-.Ltmp4, $1  }
0xac: {  	_ =	sdelay $0x3  }
.LBB2_19:
0xad: {  	s17 =	sadd.s32 $0x1, s17  }
0xae: {  	p1 =	sne.s32 s17, $0x4F  }
.Ltmp5:
0xaf: {  	_ = 	snop;
	(pc) =	sbr.rel @!p1 .LBB2_20-.Ltmp5, $1  }
0xb0: {  	_ =	sdelay $0x3  }
.LBB2_5:
0xb1: {  	s18 =	sshll.u32 s17, $0x1  }
0xb2: {  	p2 =	sge.s32 s18, s6  }
.Ltmp6:
0xb3: {  	_ = 	snop;
	(pc) =	sbr.rel @p2 .LBB2_12-.Ltmp6, $2  }
0xb4: {  	_ =	sdelay $0x2  }
0xb5: {  	p1 =	seq.s32 s17, $0x0  }
.Ltmp7:
0xb6: {  	(pc) =	sbr.rel @p1 .LBB2_9-.Ltmp7, $2  }
0xb7: {  	_ =	sdelay $0x2  }
0xb8: {  	s19 =	sadd.s32 s5, s18  }
0xb9: {  	s20 =	sadd.s32 $0xFFFFFFFE, s19  }
0xba: {  	s21 =	smulhi.u32 $0x51EB851F, s20;
	s22 =	sshra.s32 s20, $0x1F  }
0xbb: {  	s22 =	smul.u32 $0x51EB851F, s22;
	_ =	sdelay $0x1  }
0xbc: {  	s21 =	sadd.s32 s22, s21  }
0xbd: {  	s22 =	sshrl.u32 s21, $0x1F;
	s21 =	sshra.s32 s21, $0x3  }
0xbe: {  	s21 =	sadd.s32 s22, s21  }
0xbf: {  	s22 =	smul.u32 $0xFFFFFFE7, s21;
	_ =	sdelay $0x1  }
0xc0: {  	s20 =	sadd.s32 s20, s22  }
0xc1: {  	p2 =	slt.u32 s19, $0x3;
	p3 =	sne.s32 s20, $0x0  }
0xc2: {  	p2 =	por !p2, !p3  }
0xc3: {  	s21 =	ssub.s32 s21, s4;
	s22 =	simm.s32 $0x1;
	p2 =	por !p2, !p2  }
0xc4: {  	s23 =	sadd.s32 $0x19, s20;
	s22 =	simm.s32 @!p2 $0x0;
	p2 =	slt.s32 s20, $0x0  }
0xc5: {  	s21 =	ssub.s32 s21, s22;
	s20 =	smov.u32 @p2 s23  }
0xc6: {  	_ =	swait.ge [sflag:s13], $0xA000;
	s20 =	smul.u32 $0x28, s20;
	s21 =	sshll.u32 s21, $0xC  }
0xc7: {  	[sflag:s13] =	ssyncset.done $0x0;
	s21 =	sshra.s32 s21, $0x2  }
0xc8: {  	[sflag:s13] =	ssyncadd.s32 $0xFFFF6000;
	v11 =	vmov s20;
	s20 =	sor.u32 $0x40, s21;
	s21 =	simm.s32 $0x70  }
.LBB2_8:
0xc9: {  	v12 =	vld [tilespmem:s20+$0xFFFFFFC0];
	_ =	sdelay $0x3  }
0xca: {  	s22 =	sadd.s32 $0xFFFFFF90, s21  }
0xcb: {  	v13 =	vmov s22;
	v12 =	vsub.s32 v12, v11  }
0xcc: {  	v13 =	vshrl.u32 v13, $0x7;
	vm0 =	vlt.u32 v12, $0x28  }
0xcd: {  	v13 =	vshll.u32 v13, v2;
	v12 =	vnsel vm0, $0x0, v12  }
0xce: {  	v13 =	vbroadcast v13, $0x0;
	v14 =	vshll.u32 v12, $0xA  }
0xcf: {  	v12 =	vshll.u32 v12, $0x7;
	v14 =	vand.u32 $0xFFFFE000, v14  }
0xd0: {  	v12 =	vand.u32 $0x380, v12;
	v13 =	vor.u32 v14, v13  }
0xd1: {  	v12 =	vor.u32 v12, v13  }
0xd2: {  	v12 =	vor.u32 v1, v12;
	_ =	sdelay $0x4  }
0xd3: {  	[tilespmem:v12+s12+$0x0] =	vst.idx.msk vm0, v0  }
0xd4: {  	v12 =	vld [tilespmem:s20+$0xFFFFFFD0];
	_ =	sdelay $0x3  }
0xd5: {  	s25 =	sadd.s32 $0xFFFFFFA0, s21  }
0xd6: {  	v50 =	vmov s25;
	v12 =	vsub.s32 v12, v11  }
0xd7: {  	v13 =	vshrl.u32 v50, $0x7;
	vm9 =	vlt.u32 v12, $0x28  }
0xd8: {  	v13 =	vshll.u32 v13, v2;
	v12 =	vnsel vm9, $0x0, v12  }
0xd9: {  	v13 =	vbroadcast v13, $0x0;
	v51 =	vshll.u32 v12, $0xA  }
0xda: {  	v12 =	vshll.u32 v12, $0x7;
	v14 =	vand.u32 $0xFFFFE000, v51  }
0xdb: {  	v12 =	vand.u32 $0x380, v12;
	v13 =	vadd.s32 v13, v14  }
0xdc: {  	v12 =	vor.u32 v12, v13  }
0xdd: {  	v12 =	vor.u32 v4, v12;
	_ =	sdelay $0x4  }
0xde: {  	[tilespmem:v12+s12+$0x0] =	vst.idx.msk vm9, v0  }
0xdf: {  	v12 =	vld [tilespmem:s20+$0xFFFFFFE0];
	_ =	sdelay $0x3  }
0xe0: {  	s26 =	sadd.s32 $0xFFFFFFB0, s21  }
0xe1: {  	v52 =	vmov s26;
	v12 =	vsub.s32 v12, v11  }
0xe2: {  	v13 =	vshrl.u32 v52, $0x7;
	vm10 =	vlt.u32 v12, $0x28  }
0xe3: {  	v13 =	vshll.u32 v13, v2;
	v12 =	vnsel vm10, $0x0, v12  }
0xe4: {  	v13 =	vbroadcast v13, $0x0;
	v53 =	vshll.u32 v12, $0xA  }
0xe5: {  	v12 =	vshll.u32 v12, $0x7;
	v14 =	vand.u32 $0xFFFFE000, v53  }
0xe6: {  	v12 =	vand.u32 $0x380, v12;
	v13 =	vadd.s32 v13, v14  }
0xe7: {  	v12 =	vor.u32 v12, v13  }
0xe8: {  	v12 =	vor.u32 v5, v12;
	_ =	sdelay $0x4  }
0xe9: {  	[tilespmem:v12+s12+$0x0] =	vst.idx.msk vm10, v0  }
0xea: {  	v12 =	vld [tilespmem:s20+$0xFFFFFFF0];
	_ =	sdelay $0x3  }
0xeb: {  	s28 =	sadd.s32 $0xFFFFFFC0, s21  }
0xec: {  	v54 =	vmov s28;
	v12 =	vsub.s32 v12, v11  }
0xed: {  	v13 =	vshrl.u32 v54, $0x7;
	vm11 =	vlt.u32 v12, $0x28  }
0xee: {  	v13 =	vshll.u32 v13, v2;
	v12 =	vnsel vm11, $0x0, v12  }
0xef: {  	v13 =	vbroadcast v13, $0x0;
	v55 =	vshll.u32 v12, $0xA  }
0xf0: {  	v12 =	vshll.u32 v12, $0x7;
	v14 =	vand.u32 $0xFFFFE000, v55  }
0xf1: {  	v12 =	vand.u32 $0x380, v12;
	v13 =	vadd.s32 v13, v14  }
0xf2: {  	v12 =	vor.u32 v12, v13  }
0xf3: {  	v12 =	vor.u32 v6, v12;
	_ =	sdelay $0x4  }
0xf4: {  	[tilespmem:v12+s12+$0x0] =	vst.idx.msk vm11, v0  }
0xf5: {  	v12 =	vld [tilespmem:s20+$0x0];
	_ =	sdelay $0x3  }
0xf6: {  	s29 =	sadd.s32 $0xFFFFFFD0, s21  }
0xf7: {  	v56 =	vmov s29;
	v12 =	vsub.s32 v12, v11  }
0xf8: {  	v13 =	vshrl.u32 v56, $0x7;
	vm12 =	vlt.u32 v12, $0x28  }
0xf9: {  	v13 =	vshll.u32 v13, v2;
	v12 =	vnsel vm12, $0x0, v12  }
0xfa: {  	v13 =	vbroadcast v13, $0x0;
	v57 =	vshll.u32 v12, $0xA  }
0xfb: {  	v12 =	vshll.u32 v12, $0x7;
	v14 =	vand.u32 $0xFFFFE000, v57  }
0xfc: {  	v12 =	vand.u32 $0x380, v12;
	v13 =	vadd.s32 v13, v14  }
0xfd: {  	v12 =	vor.u32 v12, v13  }
0xfe: {  	v12 =	vor.u32 v7, v12;
	_ =	sdelay $0x4  }
0xff: {  	[tilespmem:v12+s12+$0x0] =	vst.idx.msk vm12, v0  }
0x100: {  	v12 =	vld [tilespmem:s20+$0x10];
	_ =	sdelay $0x3  }
0x101: {  	s30 =	sadd.s32 $0xFFFFFFE0, s21  }
0x102: {  	v58 =	vmov s30;
	v12 =	vsub.s32 v12, v11  }
0x103: {  	v13 =	vshrl.u32 v58, $0x7;
	vm13 =	vlt.u32 v12, $0x28  }
0x104: {  	v13 =	vshll.u32 v13, v2;
	v12 =	vnsel vm13, $0x0, v12  }
0x105: {  	v13 =	vbroadcast v13, $0x0;
	v59 =	vshll.u32 v12, $0xA  }
0x106: {  	v12 =	vshll.u32 v12, $0x7;
	v14 =	vand.u32 $0xFFFFE000, v59  }
0x107: {  	v12 =	vand.u32 $0x380, v12;
	v13 =	vadd.s32 v13, v14  }
0x108: {  	v12 =	vor.u32 v12, v13  }
0x109: {  	v12 =	vor.u32 v8, v12;
	_ =	sdelay $0x4  }
0x10a: {  	[tilespmem:v12+s12+$0x0] =	vst.idx.msk vm13, v0  }
0x10b: {  	v12 =	vld [tilespmem:s20+$0x20];
	_ =	sdelay $0x3  }
0x10c: {  	s31 =	sadd.s32 $0xFFFFFFF0, s21  }
0x10d: {  	v60 =	vmov s31;
	v12 =	vsub.s32 v12, v11  }
0x10e: {  	v13 =	vshrl.u32 v60, $0x7;
	vm14 =	vlt.u32 v12, $0x28  }
0x10f: {  	v13 =	vshll.u32 v13, v2;
	v12 =	vnsel vm14, $0x0, v12  }
0x110: {  	v13 =	vbroadcast v13, $0x0;
	v61 =	vshll.u32 v12, $0xA  }
0x111: {  	v12 =	vshll.u32 v12, $0x7;
	v14 =	vand.u32 $0xFFFFE000, v61  }
0x112: {  	v12 =	vand.u32 $0x380, v12;
	v13 =	vadd.s32 v13, v14  }
0x113: {  	v12 =	vor.u32 v12, v13  }
0x114: {  	v12 =	vor.u32 v9, v12;
	_ =	sdelay $0x4  }
0x115: {  	[tilespmem:v12+s12+$0x0] =	vst.idx.msk vm14, v0  }
0x116: {  	v12 =	vld [tilespmem:s20+$0x30];
	_ =	sdelay $0x4  }
0x117: {  	v62 =	vmov s21;
	v12 =	vsub.s32 v12, v11  }
0x118: {  	v13 =	vshrl.u32 v62, $0x7;
	vm15 =	vlt.u32 v12, $0x28  }
0x119: {  	v13 =	vshll.u32 v13, v2;
	v12 =	vnsel vm15, $0x0, v12  }
0x11a: {  	v13 =	vbroadcast v13, $0x0;
	v63 =	vshll.u32 v12, $0xA  }
0x11b: {  	v12 =	vshll.u32 v12, $0x7;
	v14 =	vand.u32 $0xFFFFE000, v63  }
0x11c: {  	v12 =	vand.u32 $0x380, v12;
	v13 =	vadd.s32 v13, v14  }
0x11d: {  	v12 =	vor.u32 v12, v13  }
0x11e: {  	p2 =	sne.s32 s21, $0x3F0;
	v12 =	vor.u32 v10, v12  }
.Ltmp8:
0x11f: {  	_ = 	snop;
	(pc) =	sbr.rel @p2 .LBB2_8-.Ltmp8, $2  }
0x120: {  	_ =	sdelay $0x2  }
0x121: {  	s21 =	sadd.s32 $0x80, s21;
	s20 =	sadd.s32 $0x80, s20;
	[tilespmem:v12+s12+$0x0] =	vst.idx.msk vm15, v0  }
.LBB2_9:
0x122: {  	s20 =	smulhi.u32 $0x51EB851F, s19;
	_ =	sdelay $0x1  }
0x123: {  	s20 =	sshrl.u32 s20, $0x3  }
0x124: {  	s21 =	smul.u32 $0x19, s20;
	_ =	sdelay $0x1  }
0x125: {  	s30 =	ssub.s32 s19, s21  }
0x126: {  	s31 =	sshll.u32 s20, $0xC;
	s19 =	smul.u32 $0x28, s30  }
0x127: {  	s21 =	sshra.s32 s31, $0x2  }
0x128: {  	s22 =	simm.s32 $0x70;
	s21 =	sadd.s32 s21, s10;
	v11 =	vmov s19  }
.LBB2_10:
0x129: {  	v12 =	vld [tilespmem:s21+$0xFFFFFFC0];
	_ =	sdelay $0x3  }
0x12a: {  	s23 =	sadd.s32 $0xFFFFFF90, s22  }
0x12b: {  	v13 =	vmov s23;
	v12 =	vsub.s32 v12, v11  }
0x12c: {  	v13 =	vshrl.u32 v13, $0x7;
	vm0 =	vlt.u32 v12, $0x28  }
0x12d: {  	v13 =	vshll.u32 v13, v2;
	v12 =	vnsel vm0, $0x0, v12  }
0x12e: {  	v13 =	vbroadcast v13, $0x0;
	v14 =	vshll.u32 v12, $0xA  }
0x12f: {  	v12 =	vshll.u32 v12, $0x7;
	v14 =	vand.u32 $0xFFFFE000, v14  }
0x130: {  	v12 =	vand.u32 $0x380, v12;
	v13 =	vor.u32 v14, v13  }
0x131: {  	v12 =	vor.u32 v12, v13  }
0x132: {  	v12 =	vor.u32 v1, v12;
	_ =	sdelay $0x4  }
0x133: {  	[tilespmem:v12+s12+$0x0] =	vst.idx.msk vm0, v3  }
0x134: {  	v12 =	vld [tilespmem:s21+$0xFFFFFFD0];
	_ =	sdelay $0x3  }
0x135: {  	s25 =	sadd.s32 $0xFFFFFFA0, s22  }
0x136: {  	v50 =	vmov s25;
	v12 =	vsub.s32 v12, v11  }
0x137: {  	v13 =	vshrl.u32 v50, $0x7;
	vm9 =	vlt.u32 v12, $0x28  }
0x138: {  	v13 =	vshll.u32 v13, v2;
	v12 =	vnsel vm9, $0x0, v12  }
0x139: {  	v13 =	vbroadcast v13, $0x0;
	v51 =	vshll.u32 v12, $0xA  }
0x13a: {  	v12 =	vshll.u32 v12, $0x7;
	v14 =	vand.u32 $0xFFFFE000, v51  }
0x13b: {  	v12 =	vand.u32 $0x380, v12;
	v13 =	vadd.s32 v13, v14  }
0x13c: {  	v12 =	vor.u32 v12, v13  }
0x13d: {  	v12 =	vor.u32 v4, v12;
	_ =	sdelay $0x4  }
0x13e: {  	[tilespmem:v12+s12+$0x0] =	vst.idx.msk vm9, v3  }
0x13f: {  	v12 =	vld [tilespmem:s21+$0xFFFFFFE0];
	_ =	sdelay $0x3  }
0x140: {  	s26 =	sadd.s32 $0xFFFFFFB0, s22  }
0x141: {  	v52 =	vmov s26;
	v12 =	vsub.s32 v12, v11  }
0x142: {  	v13 =	vshrl.u32 v52, $0x7;
	vm10 =	vlt.u32 v12, $0x28  }
0x143: {  	v13 =	vshll.u32 v13, v2;
	v12 =	vnsel vm10, $0x0, v12  }
0x144: {  	v13 =	vbroadcast v13, $0x0;
	v53 =	vshll.u32 v12, $0xA  }
0x145: {  	v12 =	vshll.u32 v12, $0x7;
	v14 =	vand.u32 $0xFFFFE000, v53  }
0x146: {  	v12 =	vand.u32 $0x380, v12;
	v13 =	vadd.s32 v13, v14  }
0x147: {  	v12 =	vor.u32 v12, v13  }
0x148: {  	v12 =	vor.u32 v5, v12;
	_ =	sdelay $0x4  }
0x149: {  	[tilespmem:v12+s12+$0x0] =	vst.idx.msk vm10, v3  }
0x14a: {  	v12 =	vld [tilespmem:s21+$0xFFFFFFF0];
	_ =	sdelay $0x3  }
0x14b: {  	s28 =	sadd.s32 $0xFFFFFFC0, s22  }
0x14c: {  	v54 =	vmov s28;
	v12 =	vsub.s32 v12, v11  }
0x14d: {  	v13 =	vshrl.u32 v54, $0x7;
	vm11 =	vlt.u32 v12, $0x28  }
0x14e: {  	v13 =	vshll.u32 v13, v2;
	v12 =	vnsel vm11, $0x0, v12  }
0x14f: {  	v13 =	vbroadcast v13, $0x0;
	v55 =	vshll.u32 v12, $0xA  }
0x150: {  	v12 =	vshll.u32 v12, $0x7;
	v14 =	vand.u32 $0xFFFFE000, v55  }
0x151: {  	v12 =	vand.u32 $0x380, v12;
	v13 =	vadd.s32 v13, v14  }
0x152: {  	v12 =	vor.u32 v12, v13  }
0x153: {  	v12 =	vor.u32 v6, v12;
	_ =	sdelay $0x4  }
0x154: {  	[tilespmem:v12+s12+$0x0] =	vst.idx.msk vm11, v3  }
0x155: {  	v12 =	vld [tilespmem:s21+$0x0];
	_ =	sdelay $0x3  }
0x156: {  	s29 =	sadd.s32 $0xFFFFFFD0, s22  }
0x157: {  	v56 =	vmov s29;
	v12 =	vsub.s32 v12, v11  }
0x158: {  	v13 =	vshrl.u32 v56, $0x7;
	vm12 =	vlt.u32 v12, $0x28  }
0x159: {  	v13 =	vshll.u32 v13, v2;
	v12 =	vnsel vm12, $0x0, v12  }
0x15a: {  	v13 =	vbroadcast v13, $0x0;
	v57 =	vshll.u32 v12, $0xA  }
0x15b: {  	v12 =	vshll.u32 v12, $0x7;
	v14 =	vand.u32 $0xFFFFE000, v57  }
0x15c: {  	v12 =	vand.u32 $0x380, v12;
	v13 =	vadd.s32 v13, v14  }
0x15d: {  	v12 =	vor.u32 v12, v13  }
0x15e: {  	v12 =	vor.u32 v7, v12;
	_ =	sdelay $0x4  }
0x15f: {  	[tilespmem:v12+s12+$0x0] =	vst.idx.msk vm12, v3  }
0x160: {  	v12 =	vld [tilespmem:s21+$0x10];
	_ =	sdelay $0x3  }
0x161: {  	s30 =	sadd.s32 $0xFFFFFFE0, s22  }
0x162: {  	v58 =	vmov s30;
	v12 =	vsub.s32 v12, v11  }
0x163: {  	v13 =	vshrl.u32 v58, $0x7;
	vm13 =	vlt.u32 v12, $0x28  }
0x164: {  	v13 =	vshll.u32 v13, v2;
	v12 =	vnsel vm13, $0x0, v12  }
0x165: {  	v13 =	vbroadcast v13, $0x0;
	v59 =	vshll.u32 v12, $0xA  }
0x166: {  	v12 =	vshll.u32 v12, $0x7;
	v14 =	vand.u32 $0xFFFFE000, v59  }
0x167: {  	v12 =	vand.u32 $0x380, v12;
	v13 =	vadd.s32 v13, v14  }
0x168: {  	v12 =	vor.u32 v12, v13  }
0x169: {  	v12 =	vor.u32 v8, v12;
	_ =	sdelay $0x4  }
0x16a: {  	[tilespmem:v12+s12+$0x0] =	vst.idx.msk vm13, v3  }
0x16b: {  	v12 =	vld [tilespmem:s21+$0x20];
	_ =	sdelay $0x3  }
0x16c: {  	s31 =	sadd.s32 $0xFFFFFFF0, s22  }
0x16d: {  	v60 =	vmov s31;
	v12 =	vsub.s32 v12, v11  }
0x16e: {  	v13 =	vshrl.u32 v60, $0x7;
	vm14 =	vlt.u32 v12, $0x28  }
0x16f: {  	v13 =	vshll.u32 v13, v2;
	v12 =	vnsel vm14, $0x0, v12  }
0x170: {  	v13 =	vbroadcast v13, $0x0;
	v61 =	vshll.u32 v12, $0xA  }
0x171: {  	v12 =	vshll.u32 v12, $0x7;
	v14 =	vand.u32 $0xFFFFE000, v61  }
0x172: {  	v12 =	vand.u32 $0x380, v12;
	v13 =	vadd.s32 v13, v14  }
0x173: {  	v12 =	vor.u32 v12, v13  }
0x174: {  	v12 =	vor.u32 v9, v12;
	_ =	sdelay $0x4  }
0x175: {  	[tilespmem:v12+s12+$0x0] =	vst.idx.msk vm14, v3  }
0x176: {  	v12 =	vld [tilespmem:s21+$0x30];
	_ =	sdelay $0x4  }
0x177: {  	v62 =	vmov s22;
	v12 =	vsub.s32 v12, v11  }
0x178: {  	v13 =	vshrl.u32 v62, $0x7;
	vm15 =	vlt.u32 v12, $0x28  }
0x179: {  	v13 =	vshll.u32 v13, v2;
	v12 =	vnsel vm15, $0x0, v12  }
0x17a: {  	v13 =	vbroadcast v13, $0x0;
	v63 =	vshll.u32 v12, $0xA  }
0x17b: {  	v12 =	vshll.u32 v12, $0x7;
	v14 =	vand.u32 $0xFFFFE000, v63  }
0x17c: {  	v12 =	vand.u32 $0x380, v12;
	v13 =	vadd.s32 v13, v14  }
0x17d: {  	v12 =	vor.u32 v12, v13  }
0x17e: {  	p2 =	sne.s32 s22, $0x3F0;
	v12 =	vor.u32 v10, v12  }
.Ltmp9:
0x17f: {  	_ = 	snop;
	(pc) =	sbr.rel @p2 .LBB2_10-.Ltmp9, $2  }
0x180: {  	_ =	sdelay $0x2  }
0x181: {  	s22 =	sadd.s32 $0x80, s22;
	s21 =	sadd.s32 $0x80, s21;
	[tilespmem:v12+s12+$0x0] =	vst.idx.msk vm15, v3  }
0x182: {  	s20 =	smul.u32 $0x3E8, s20;
	_ =	sdelay $0x1  }
0x183: {  	s19 =	sadd.s32 s19, s20  }
0x184: {  	s19 =	sshll.u32 s19, $0x7  }
0x185: {  	s19 =	sadd.s32 s2, s19  }
0x186: {  	[hbm4b:s19+s3] =	stream.linear.scatter [tilespmem:s12], [sflag:$0x1], $0xA000, $0x38;
	[tilespmem:$0x16000] =	vst v63  }
.LBB2_12:
0x187: {  	s18 =	sor.u32 $0x1, s18  }
0x188: {  	p2 =	sge.s32 s18, s6  }
.Ltmp10:
0x189: {  	_ = 	snop;
	(pc) =	sbr.rel @p2 .LBB2_19-.Ltmp10, $1  }
0x18a: {  	_ =	sdelay $0x3  }
.Ltmp11:
0x18b: {  	(pc) =	sbr.rel @p1 .LBB2_16-.Ltmp11, $2  }
0x18c: {  	_ =	sdelay $0x2  }
0x18d: {  	s18 =	sadd.s32 s5, s18  }
0x18e: {  	s19 =	sadd.s32 $0xFFFFFFFE, s18  }
0x18f: {  	s20 =	smulhi.u32 $0x51EB851F, s19;
	s21 =	sshra.s32 s19, $0x1F  }
0x190: {  	s21 =	smul.u32 $0x51EB851F, s21;
	_ =	sdelay $0x1  }
0x191: {  	s20 =	sadd.s32 s21, s20  }
0x192: {  	s21 =	sshrl.u32 s20, $0x1F;
	s20 =	sshra.s32 s20, $0x3  }
0x193: {  	s20 =	sadd.s32 s21, s20  }
0x194: {  	s21 =	smul.u32 $0xFFFFFFE7, s20;
	_ =	sdelay $0x1  }
0x195: {  	s19 =	sadd.s32 s19, s21  }
0x196: {  	p1 =	slt.u32 s18, $0x3;
	p2 =	sne.s32 s19, $0x0  }
0x197: {  	p1 =	por !p1, !p2  }
0x198: {  	s20 =	ssub.s32 s20, s4;
	s21 =	simm.s32 $0x1;
	p1 =	por !p1, !p1  }
0x199: {  	s22 =	sadd.s32 $0x19, s19;
	s21 =	simm.s32 @!p1 $0x0;
	p1 =	slt.s32 s19, $0x0  }
0x19a: {  	s20 =	ssub.s32 s20, s21;
	s19 =	smov.u32 @p1 s22  }
0x19b: {  	_ =	swait.ge [sflag:s15], $0xA000;
	s19 =	smul.u32 $0x28, s19;
	s20 =	sshll.u32 s20, $0xC  }
0x19c: {  	[sflag:s15] =	ssyncset.done $0x0;
	s20 =	sshra.s32 s20, $0x2  }
0x19d: {  	[sflag:s15] =	ssyncadd.s32 $0xFFFF6000;
	v11 =	vmov s19;
	s19 =	sor.u32 $0x40, s20;
	s20 =	simm.s32 $0x70  }
.LBB2_15:
0x19e: {  	v12 =	vld [tilespmem:s19+$0xFFFFFFC0];
	_ =	sdelay $0x3  }
0x19f: {  	s21 =	sadd.s32 $0xFFFFFF90, s20  }
0x1a0: {  	v13 =	vmov s21;
	v12 =	vsub.s32 v12, v11  }
0x1a1: {  	v13 =	vshrl.u32 v13, $0x7;
	vm0 =	vlt.u32 v12, $0x28  }
0x1a2: {  	v13 =	vshll.u32 v13, v2;
	v12 =	vnsel vm0, $0x0, v12  }
0x1a3: {  	v13 =	vbroadcast v13, $0x0;
	v14 =	vshll.u32 v12, $0xA  }
0x1a4: {  	v12 =	vshll.u32 v12, $0x7;
	v14 =	vand.u32 $0xFFFFE000, v14  }
0x1a5: {  	v12 =	vand.u32 $0x380, v12;
	v13 =	vor.u32 v14, v13  }
0x1a6: {  	v12 =	vor.u32 v12, v13  }
0x1a7: {  	v12 =	vor.u32 v1, v12;
	_ =	sdelay $0x4  }
0x1a8: {  	[tilespmem:v12+s14+$0x0] =	vst.idx.msk vm0, v0  }
0x1a9: {  	v12 =	vld [tilespmem:s19+$0xFFFFFFD0];
	_ =	sdelay $0x3  }
0x1aa: {  	s25 =	sadd.s32 $0xFFFFFFA0, s20  }
0x1ab: {  	v50 =	vmov s25;
	v12 =	vsub.s32 v12, v11  }
0x1ac: {  	v13 =	vshrl.u32 v50, $0x7;
	vm9 =	vlt.u32 v12, $0x28  }
0x1ad: {  	v13 =	vshll.u32 v13, v2;
	v12 =	vnsel vm9, $0x0, v12  }
0x1ae: {  	v13 =	vbroadcast v13, $0x0;
	v51 =	vshll.u32 v12, $0xA  }
0x1af: {  	v12 =	vshll.u32 v12, $0x7;
	v14 =	vand.u32 $0xFFFFE000, v51  }
0x1b0: {  	v12 =	vand.u32 $0x380, v12;
	v13 =	vadd.s32 v13, v14  }
0x1b1: {  	v12 =	vor.u32 v12, v13  }
0x1b2: {  	v12 =	vor.u32 v4, v12;
	_ =	sdelay $0x4  }
0x1b3: {  	[tilespmem:v12+s14+$0x0] =	vst.idx.msk vm9, v0  }
0x1b4: {  	v12 =	vld [tilespmem:s19+$0xFFFFFFE0];
	_ =	sdelay $0x3  }
0x1b5: {  	s26 =	sadd.s32 $0xFFFFFFB0, s20  }
0x1b6: {  	v52 =	vmov s26;
	v12 =	vsub.s32 v12, v11  }
0x1b7: {  	v13 =	vshrl.u32 v52, $0x7;
	vm10 =	vlt.u32 v12, $0x28  }
0x1b8: {  	v13 =	vshll.u32 v13, v2;
	v12 =	vnsel vm10, $0x0, v12  }
0x1b9: {  	v13 =	vbroadcast v13, $0x0;
	v53 =	vshll.u32 v12, $0xA  }
0x1ba: {  	v12 =	vshll.u32 v12, $0x7;
	v14 =	vand.u32 $0xFFFFE000, v53  }
0x1bb: {  	v12 =	vand.u32 $0x380, v12;
	v13 =	vadd.s32 v13, v14  }
0x1bc: {  	v12 =	vor.u32 v12, v13  }
0x1bd: {  	v12 =	vor.u32 v5, v12;
	_ =	sdelay $0x4  }
0x1be: {  	[tilespmem:v12+s14+$0x0] =	vst.idx.msk vm10, v0  }
0x1bf: {  	v12 =	vld [tilespmem:s19+$0xFFFFFFF0];
	_ =	sdelay $0x3  }
0x1c0: {  	s28 =	sadd.s32 $0xFFFFFFC0, s20  }
0x1c1: {  	v54 =	vmov s28;
	v12 =	vsub.s32 v12, v11  }
0x1c2: {  	v13 =	vshrl.u32 v54, $0x7;
	vm11 =	vlt.u32 v12, $0x28  }
0x1c3: {  	v13 =	vshll.u32 v13, v2;
	v12 =	vnsel vm11, $0x0, v12  }
0x1c4: {  	v13 =	vbroadcast v13, $0x0;
	v55 =	vshll.u32 v12, $0xA  }
0x1c5: {  	v12 =	vshll.u32 v12, $0x7;
	v14 =	vand.u32 $0xFFFFE000, v55  }
0x1c6: {  	v12 =	vand.u32 $0x380, v12;
	v13 =	vadd.s32 v13, v14  }
0x1c7: {  	v12 =	vor.u32 v12, v13  }
0x1c8: {  	v12 =	vor.u32 v6, v12;
	_ =	sdelay $0x4  }
0x1c9: {  	[tilespmem:v12+s14+$0x0] =	vst.idx.msk vm11, v0  }
0x1ca: {  	v12 =	vld [tilespmem:s19+$0x0];
	_ =	sdelay $0x3  }
0x1cb: {  	s29 =	sadd.s32 $0xFFFFFFD0, s20  }
0x1cc: {  	v56 =	vmov s29;
	v12 =	vsub.s32 v12, v11  }
0x1cd: {  	v13 =	vshrl.u32 v56, $0x7;
	vm12 =	vlt.u32 v12, $0x28  }
0x1ce: {  	v13 =	vshll.u32 v13, v2;
	v12 =	vnsel vm12, $0x0, v12  }
0x1cf: {  	v13 =	vbroadcast v13, $0x0;
	v57 =	vshll.u32 v12, $0xA  }
0x1d0: {  	v12 =	vshll.u32 v12, $0x7;
	v14 =	vand.u32 $0xFFFFE000, v57  }
0x1d1: {  	v12 =	vand.u32 $0x380, v12;
	v13 =	vadd.s32 v13, v14  }
0x1d2: {  	v12 =	vor.u32 v12, v13  }
0x1d3: {  	v12 =	vor.u32 v7, v12;
	_ =	sdelay $0x4  }
0x1d4: {  	[tilespmem:v12+s14+$0x0] =	vst.idx.msk vm12, v0  }
0x1d5: {  	v12 =	vld [tilespmem:s19+$0x10];
	_ =	sdelay $0x3  }
0x1d6: {  	s30 =	sadd.s32 $0xFFFFFFE0, s20  }
0x1d7: {  	v58 =	vmov s30;
	v12 =	vsub.s32 v12, v11  }
0x1d8: {  	v13 =	vshrl.u32 v58, $0x7;
	vm13 =	vlt.u32 v12, $0x28  }
0x1d9: {  	v13 =	vshll.u32 v13, v2;
	v12 =	vnsel vm13, $0x0, v12  }
0x1da: {  	v13 =	vbroadcast v13, $0x0;
	v59 =	vshll.u32 v12, $0xA  }
0x1db: {  	v12 =	vshll.u32 v12, $0x7;
	v14 =	vand.u32 $0xFFFFE000, v59  }
0x1dc: {  	v12 =	vand.u32 $0x380, v12;
	v13 =	vadd.s32 v13, v14  }
0x1dd: {  	v12 =	vor.u32 v12, v13  }
0x1de: {  	v12 =	vor.u32 v8, v12;
	_ =	sdelay $0x4  }
0x1df: {  	[tilespmem:v12+s14+$0x0] =	vst.idx.msk vm13, v0  }
0x1e0: {  	v12 =	vld [tilespmem:s19+$0x20];
	_ =	sdelay $0x3  }
0x1e1: {  	s31 =	sadd.s32 $0xFFFFFFF0, s20  }
0x1e2: {  	v60 =	vmov s31;
	v12 =	vsub.s32 v12, v11  }
0x1e3: {  	v13 =	vshrl.u32 v60, $0x7;
	vm14 =	vlt.u32 v12, $0x28  }
0x1e4: {  	v13 =	vshll.u32 v13, v2;
	v12 =	vnsel vm14, $0x0, v12  }
0x1e5: {  	v13 =	vbroadcast v13, $0x0;
	v61 =	vshll.u32 v12, $0xA  }
0x1e6: {  	v12 =	vshll.u32 v12, $0x7;
	v14 =	vand.u32 $0xFFFFE000, v61  }
0x1e7: {  	v12 =	vand.u32 $0x380, v12;
	v13 =	vadd.s32 v13, v14  }
0x1e8: {  	v12 =	vor.u32 v12, v13  }
0x1e9: {  	v12 =	vor.u32 v9, v12;
	_ =	sdelay $0x4  }
0x1ea: {  	[tilespmem:v12+s14+$0x0] =	vst.idx.msk vm14, v0  }
0x1eb: {  	v12 =	vld [tilespmem:s19+$0x30];
	_ =	sdelay $0x4  }
0x1ec: {  	v62 =	vmov s20;
	v12 =	vsub.s32 v12, v11  }
0x1ed: {  	v13 =	vshrl.u32 v62, $0x7;
	vm15 =	vlt.u32 v12, $0x28  }
0x1ee: {  	v13 =	vshll.u32 v13, v2;
	v12 =	vnsel vm15, $0x0, v12  }
0x1ef: {  	v13 =	vbroadcast v13, $0x0;
	v63 =	vshll.u32 v12, $0xA  }
0x1f0: {  	v12 =	vshll.u32 v12, $0x7;
	v14 =	vand.u32 $0xFFFFE000, v63  }
0x1f1: {  	v12 =	vand.u32 $0x380, v12;
	v13 =	vadd.s32 v13, v14  }
0x1f2: {  	v12 =	vor.u32 v12, v13  }
0x1f3: {  	p1 =	sne.s32 s20, $0x3F0;
	v12 =	vor.u32 v10, v12  }
.Ltmp12:
0x1f4: {  	_ = 	snop;
	(pc) =	sbr.rel @p1 .LBB2_15-.Ltmp12, $2  }
0x1f5: {  	_ =	sdelay $0x2  }
0x1f6: {  	s20 =	sadd.s32 $0x80, s20;
	s19 =	sadd.s32 $0x80, s19;
	[tilespmem:v12+s14+$0x0] =	vst.idx.msk vm15, v0  }
.LBB2_16:
0x1f7: {  	s19 =	smulhi.u32 $0x51EB851F, s18;
	_ =	sdelay $0x1  }
0x1f8: {  	s19 =	sshrl.u32 s19, $0x3  }
0x1f9: {  	s20 =	smul.u32 $0x19, s19;
	_ =	sdelay $0x1  }
0x1fa: {  	s30 =	ssub.s32 s18, s20  }
0x1fb: {  	s31 =	sshll.u32 s19, $0xC;
	s18 =	smul.u32 $0x28, s30  }
0x1fc: {  	s20 =	sshra.s32 s31, $0x2  }
0x1fd: {  	s21 =	simm.s32 $0x70;
	s20 =	sadd.s32 s20, s10;
	v11 =	vmov s18  }
.LBB2_17:
0x1fe: {  	v12 =	vld [tilespmem:s20+$0xFFFFFFC0];
	_ =	sdelay $0x3  }
0x1ff: {  	s22 =	sadd.s32 $0xFFFFFF90, s21  }
0x200: {  	v13 =	vmov s22;
	v12 =	vsub.s32 v12, v11  }
0x201: {  	v13 =	vshrl.u32 v13, $0x7;
	vm0 =	vlt.u32 v12, $0x28  }
0x202: {  	v13 =	vshll.u32 v13, v2;
	v12 =	vnsel vm0, $0x0, v12  }
0x203: {  	v13 =	vbroadcast v13, $0x0;
	v14 =	vshll.u32 v12, $0xA  }
0x204: {  	v12 =	vshll.u32 v12, $0x7;
	v14 =	vand.u32 $0xFFFFE000, v14  }
0x205: {  	v12 =	vand.u32 $0x380, v12;
	v13 =	vor.u32 v14, v13  }
0x206: {  	v12 =	vor.u32 v12, v13  }
0x207: {  	v12 =	vor.u32 v1, v12;
	_ =	sdelay $0x4  }
0x208: {  	[tilespmem:v12+s14+$0x0] =	vst.idx.msk vm0, v3  }
0x209: {  	v12 =	vld [tilespmem:s20+$0xFFFFFFD0];
	_ =	sdelay $0x3  }
0x20a: {  	s25 =	sadd.s32 $0xFFFFFFA0, s21  }
0x20b: {  	v50 =	vmov s25;
	v12 =	vsub.s32 v12, v11  }
0x20c: {  	v13 =	vshrl.u32 v50, $0x7;
	vm9 =	vlt.u32 v12, $0x28  }
0x20d: {  	v13 =	vshll.u32 v13, v2;
	v12 =	vnsel vm9, $0x0, v12  }
0x20e: {  	v13 =	vbroadcast v13, $0x0;
	v51 =	vshll.u32 v12, $0xA  }
0x20f: {  	v12 =	vshll.u32 v12, $0x7;
	v14 =	vand.u32 $0xFFFFE000, v51  }
0x210: {  	v12 =	vand.u32 $0x380, v12;
	v13 =	vadd.s32 v13, v14  }
0x211: {  	v12 =	vor.u32 v12, v13  }
0x212: {  	v12 =	vor.u32 v4, v12;
	_ =	sdelay $0x4  }
0x213: {  	[tilespmem:v12+s14+$0x0] =	vst.idx.msk vm9, v3  }
0x214: {  	v12 =	vld [tilespmem:s20+$0xFFFFFFE0];
	_ =	sdelay $0x3  }
0x215: {  	s26 =	sadd.s32 $0xFFFFFFB0, s21  }
0x216: {  	v52 =	vmov s26;
	v12 =	vsub.s32 v12, v11  }
0x217: {  	v13 =	vshrl.u32 v52, $0x7;
	vm10 =	vlt.u32 v12, $0x28  }
0x218: {  	v13 =	vshll.u32 v13, v2;
	v12 =	vnsel vm10, $0x0, v12  }
0x219: {  	v13 =	vbroadcast v13, $0x0;
	v53 =	vshll.u32 v12, $0xA  }
0x21a: {  	v12 =	vshll.u32 v12, $0x7;
	v14 =	vand.u32 $0xFFFFE000, v53  }
0x21b: {  	v12 =	vand.u32 $0x380, v12;
	v13 =	vadd.s32 v13, v14  }
0x21c: {  	v12 =	vor.u32 v12, v13  }
0x21d: {  	v12 =	vor.u32 v5, v12;
	_ =	sdelay $0x4  }
0x21e: {  	[tilespmem:v12+s14+$0x0] =	vst.idx.msk vm10, v3  }
0x21f: {  	v12 =	vld [tilespmem:s20+$0xFFFFFFF0];
	_ =	sdelay $0x3  }
0x220: {  	s28 =	sadd.s32 $0xFFFFFFC0, s21  }
0x221: {  	v54 =	vmov s28;
	v12 =	vsub.s32 v12, v11  }
0x222: {  	v13 =	vshrl.u32 v54, $0x7;
	vm11 =	vlt.u32 v12, $0x28  }
0x223: {  	v13 =	vshll.u32 v13, v2;
	v12 =	vnsel vm11, $0x0, v12  }
0x224: {  	v13 =	vbroadcast v13, $0x0;
	v55 =	vshll.u32 v12, $0xA  }
0x225: {  	v12 =	vshll.u32 v12, $0x7;
	v14 =	vand.u32 $0xFFFFE000, v55  }
0x226: {  	v12 =	vand.u32 $0x380, v12;
	v13 =	vadd.s32 v13, v14  }
0x227: {  	v12 =	vor.u32 v12, v13  }
0x228: {  	v12 =	vor.u32 v6, v12;
	_ =	sdelay $0x4  }
0x229: {  	[tilespmem:v12+s14+$0x0] =	vst.idx.msk vm11, v3  }
0x22a: {  	v12 =	vld [tilespmem:s20+$0x0];
	_ =	sdelay $0x3  }
0x22b: {  	s29 =	sadd.s32 $0xFFFFFFD0, s21  }
0x22c: {  	v56 =	vmov s29;
	v12 =	vsub.s32 v12, v11  }
0x22d: {  	v13 =	vshrl.u32 v56, $0x7;
	vm12 =	vlt.u32 v12, $0x28  }
0x22e: {  	v13 =	vshll.u32 v13, v2;
	v12 =	vnsel vm12, $0x0, v12  }
0x22f: {  	v13 =	vbroadcast v13, $0x0;
	v57 =	vshll.u32 v12, $0xA  }
0x230: {  	v12 =	vshll.u32 v12, $0x7;
	v14 =	vand.u32 $0xFFFFE000, v57  }
0x231: {  	v12 =	vand.u32 $0x380, v12;
	v13 =	vadd.s32 v13, v14  }
0x232: {  	v12 =	vor.u32 v12, v13  }
0x233: {  	v12 =	vor.u32 v7, v12;
	_ =	sdelay $0x4  }
0x234: {  	[tilespmem:v12+s14+$0x0] =	vst.idx.msk vm12, v3  }
0x235: {  	v12 =	vld [tilespmem:s20+$0x10];
	_ =	sdelay $0x3  }
0x236: {  	s30 =	sadd.s32 $0xFFFFFFE0, s21  }
0x237: {  	v58 =	vmov s30;
	v12 =	vsub.s32 v12, v11  }
0x238: {  	v13 =	vshrl.u32 v58, $0x7;
	vm13 =	vlt.u32 v12, $0x28  }
0x239: {  	v13 =	vshll.u32 v13, v2;
	v12 =	vnsel vm13, $0x0, v12  }
0x23a: {  	v13 =	vbroadcast v13, $0x0;
	v59 =	vshll.u32 v12, $0xA  }
0x23b: {  	v12 =	vshll.u32 v12, $0x7;
	v14 =	vand.u32 $0xFFFFE000, v59  }
0x23c: {  	v12 =	vand.u32 $0x380, v12;
	v13 =	vadd.s32 v13, v14  }
0x23d: {  	v12 =	vor.u32 v12, v13  }
0x23e: {  	v12 =	vor.u32 v8, v12;
	_ =	sdelay $0x4  }
0x23f: {  	[tilespmem:v12+s14+$0x0] =	vst.idx.msk vm13, v3  }
0x240: {  	v12 =	vld [tilespmem:s20+$0x20];
	_ =	sdelay $0x3  }
0x241: {  	s31 =	sadd.s32 $0xFFFFFFF0, s21  }
0x242: {  	v60 =	vmov s31;
	v12 =	vsub.s32 v12, v11  }
0x243: {  	v13 =	vshrl.u32 v60, $0x7;
	vm14 =	vlt.u32 v12, $0x28  }
0x244: {  	v13 =	vshll.u32 v13, v2;
	v12 =	vnsel vm14, $0x0, v12  }
0x245: {  	v13 =	vbroadcast v13, $0x0;
	v61 =	vshll.u32 v12, $0xA  }
0x246: {  	v12 =	vshll.u32 v12, $0x7;
	v14 =	vand.u32 $0xFFFFE000, v61  }
0x247: {  	v12 =	vand.u32 $0x380, v12;
	v13 =	vadd.s32 v13, v14  }
0x248: {  	v12 =	vor.u32 v12, v13  }
0x249: {  	v12 =	vor.u32 v9, v12;
	_ =	sdelay $0x4  }
0x24a: {  	[tilespmem:v12+s14+$0x0] =	vst.idx.msk vm14, v3  }
0x24b: {  	v12 =	vld [tilespmem:s20+$0x30];
	_ =	sdelay $0x4  }
0x24c: {  	v62 =	vmov s21;
	v12 =	vsub.s32 v12, v11  }
0x24d: {  	v13 =	vshrl.u32 v62, $0x7;
	vm15 =	vlt.u32 v12, $0x28  }
0x24e: {  	v13 =	vshll.u32 v13, v2;
	v12 =	vnsel vm15, $0x0, v12  }
0x24f: {  	v13 =	vbroadcast v13, $0x0;
	v63 =	vshll.u32 v12, $0xA  }
0x250: {  	v12 =	vshll.u32 v12, $0x7;
	v14 =	vand.u32 $0xFFFFE000, v63  }
0x251: {  	v12 =	vand.u32 $0x380, v12;
	v13 =	vadd.s32 v13, v14  }
0x252: {  	v12 =	vor.u32 v12, v13  }
0x253: {  	p1 =	sne.s32 s21, $0x3F0;
	v12 =	vor.u32 v10, v12  }
.Ltmp13:
0x254: {  	_ = 	snop;
	(pc) =	sbr.rel @p1 .LBB2_17-.Ltmp13, $2  }
0x255: {  	_ =	sdelay $0x2  }
0x256: {  	s21 =	sadd.s32 $0x80, s21;
	s20 =	sadd.s32 $0x80, s20;
	[tilespmem:v12+s14+$0x0] =	vst.idx.msk vm15, v3  }
0x257: {  	s19 =	smul.u32 $0x3E8, s19  }
.Ltmp14:
0x258: {  	_ = 	snop;
	(pc) =	sbr.rel .LBB2_19-.Ltmp14, $4  }
0x259: {  	s18 =	sadd.s32 s18, s19  }
0x25a: {  	s18 =	sshll.u32 s18, $0x7  }
0x25b: {  	s18 =	sadd.s32 s2, s18  }
0x25c: {  	[hbm4b:s18+s3] =	stream.linear.scatter [tilespmem:s14], [sflag:$0x2], $0xA000, $0x38;
	[tilespmem:$0x16000] =	vst v63  }
.LBB2_21:
0x25d: {  	_ =	sfence.sel $0x180000  }
0x25e: {  	[bflag:$0x0] =	sbarrier.arrive $0xFFFF  }
0x25f: {  	p0 =	sne.s32 s0, $0x0;
	_ =	strace $0x90000047  }
0x260: {  	s0 =	sadd.s32 @!p0 $0x100000, s1;
	[bflag:$0x2] =	sbarrier.arrive $0xFFFF  }
0x261: {  	[sflag:s0] =	ssyncadd.tile.s32 @!p0 $0x1;
	_ =	shalt  }
.Lfunc_end2:
_tile_overlayer_lowered:
.L_overlay_start_2:
0x262: {  	(tag) =	ssettag $0x2  }
0x263: {  	s0 =	rddreg [dreg:$0x0];
	s2 =	stileid.u32  }
0x264: {  	s1 =	rddreg [dreg:$0x1];
	p0 =	sne.s32 s2, $0x0  }
0x265: {  	s3 =	rddreg [dreg:$0x2];
	[bflag:$0x3] =	sbarrier.arrive $0xFFFF;
	s2 =	simm.s32 @!p0 $0x1C03  }
0x266: {  	[timem:s3], [sflag:s2] =	dma.local @!p0 [hbm:s0], s1  }
0x267: {  	s0 =	simm.s32 @!p0 $0x3  }
0x268: {  	_ =	swait.ge @!p0 [sflag:s0], s1  }
0x269: {  	s1 =	ssub.s32 @!p0 $0x0, s1;
	[sflag:s0] =	ssyncset.done @!p0 $0x0  }
0x26a: {  	[sflag:s0] =	ssyncadd.s32 @!p0 s1  }
0x26b: {  	[bflag:$0x3] =	sbarrier.arrive $0xFFFF  }
0x26c: {  	_ =	shalt  }

</sc_bundles>
